<compile_context>
chip_gen: v7x
topology: tpu7x:2x2x1
jax: 0.10.2.dev20260603
libtpu: 0.0.44.dev20260713+nightly
codegen_flags: <defaults>
</compile_context>

<pallas_src>
import functools

import jax
import jax.numpy as jnp
from jax import lax
from jax.experimental import pallas as pl
from jax.experimental.pallas import tpu as pltpu
from jax.experimental.pallas import tpu_sc as plsc

N = 10000
D = 128
E_MESH = 320000
E_WORLD = 80000
CH = 128
NTILES = 32
EPM = 327680
EPW = 81920
CPM = EPM // (NTILES * CH)
CPW = EPW // (NTILES * CH)
NACC = 10240
ZROWS = NACC // 16

_f32 = jnp.float32


def _proj_body(n_ref, w_ref, t_ref):
    t_ref[0] = jnp.dot(n_ref[...], w_ref[0], preferred_element_type=_f32)


def _project(node, ws):
    blk = 1000
    return pl.pallas_call(
        _proj_body,
        grid=(4, N // blk),
        in_specs=[
            pl.BlockSpec((blk, D), lambda j, i: (i, 0)),
            pl.BlockSpec((1, D, D), lambda j, i: (j, 0, 0)),
        ],
        out_specs=pl.BlockSpec((1, blk, D), lambda j, i: (j, i, 0)),
        out_shape=jax.ShapeDtypeStruct((4, NACC, D), _f32),
    )(node, ws)


@functools.cache
def _get_sc_gather(nchunks, ep, p_base):
    mesh = plsc.VectorSubcoreMesh(
        core_axis_name="c", subcore_axis_name="s",
        num_cores=2, num_subcores=16)

    def body(t_hbm, is_hbm, ir_hbm, gs_hbm, gr_hbm,
             idx_v, buf_v, tab_sh, sg0, sg1, so0, so1):
        wid = lax.axis_index("s") * 2 + lax.axis_index("c")
        s = lax.axis_index("s")
        sgs = (sg0, sg1)
        sos = (so0, so1)

        def phase(p, i_hbm, dst_hbm):
            pltpu.sync_copy(t_hbm.at[p, pl.ds(s * ZROWS, ZROWS)],
                            tab_sh.at[pl.ds(s * ZROWS, ZROWS)])
            n_idx = nchunks * CH
            pltpu.sync_copy(i_hbm.at[pl.ds(wid * n_idx, n_idx)], idx_v)
            plsc.subcore_barrier()

            def issue(k, b):
                @pl.when(k >= 2)
                def _():
                    pltpu.make_async_copy(
                        buf_v.at[b],
                        dst_hbm.at[pl.ds((wid * nchunks + k - 2) * CH, CH)],
                        sos[b]).wait()
                pltpu.async_copy(tab_sh.at[idx_v.at[pl.ds(k * CH, CH)]],
                                 buf_v.at[b], sgs[b])

            def process(j, bp):
                pltpu.make_async_copy(
                    tab_sh.at[idx_v.at[pl.ds(j * CH, CH)]],
                    buf_v.at[bp], sgs[bp]).wait()
                pltpu.async_copy(
                    buf_v.at[bp],
                    dst_hbm.at[pl.ds((wid * nchunks + j) * CH, CH)], sos[bp])

            def outer(g, _):
                for b in range(2):
                    k = 2 * g + b
                    issue(k, b)
                    j = k - 1
                    bp = (b - 1) % 2

                    @pl.when(j >= 0)
                    def _():
                        process(j, bp)
                return 0

            lax.fori_loop(0, nchunks // 2, outer, 0)
            process(nchunks - 1, (nchunks - 1) % 2)
            for b in range(2):
                pltpu.make_async_copy(
                    buf_v.at[b],
                    dst_hbm.at[
                        pl.ds((wid * nchunks + nchunks - 2 + b) * CH, CH)],
                    sos[b]).wait()
            plsc.subcore_barrier()

        phase(p_base, is_hbm, gs_hbm)
        phase(p_base + 1, ir_hbm, gr_hbm)

    return functools.partial(
        pl.kernel,
        out_type=[jax.ShapeDtypeStruct((ep, D), _f32),
                  jax.ShapeDtypeStruct((ep, D), _f32)],
        mesh=mesh,
        scratch_types=[
            pltpu.VMEM((nchunks * CH,), jnp.int32),
            pltpu.VMEM((2, CH, D), _f32),
            pltpu.VMEM_SHARED((NACC, D), _f32),
            pltpu.SemaphoreType.DMA,
            pltpu.SemaphoreType.DMA,
            pltpu.SemaphoreType.DMA,
            pltpu.SemaphoreType.DMA,
        ],
    )(body)


def _edge_body(gs_ref, gr_ref, e_ref, w1c_ref, b1_ref, w2_ref, b2_ref,
               new_ref, out_ref):
    e = e_ref[...]
    pre = (gs_ref[...] + gr_ref[...]
           + jnp.dot(e, w1c_ref[...], preferred_element_type=_f32)
           + b1_ref[...])
    h = jnp.maximum(pre, 0.0)
    new = jnp.dot(h, w2_ref[...], preferred_element_type=_f32) + b2_ref[...]
    new_ref[...] = new
    out_ref[...] = new + e


def _edge_mlp(gs, gr, ef, w1c, b1, w2, b2, e_real):
    ep = gs.shape[0]
    blk = 2048
    grid = (e_real + blk - 1) // blk
    return pl.pallas_call(
        _edge_body,
        grid=(grid,),
        in_specs=[
            pl.BlockSpec((blk, D), lambda i: (i, 0)),
            pl.BlockSpec((blk, D), lambda i: (i, 0)),
            pl.BlockSpec((blk, D), lambda i: (i, 0)),
            pl.BlockSpec((D, D), lambda i: (0, 0)),
            pl.BlockSpec((1, D), lambda i: (0, 0)),
            pl.BlockSpec((D, D), lambda i: (0, 0)),
            pl.BlockSpec((1, D), lambda i: (0, 0)),
        ],
        out_specs=[
            pl.BlockSpec((blk, D), lambda i: (i, 0)),
            pl.BlockSpec((blk, D), lambda i: (i, 0)),
        ],
        out_shape=[jax.ShapeDtypeStruct((ep, D), _f32),
                   jax.ShapeDtypeStruct((e_real, D), _f32)],
    )(gs, gr, ef, w1c, b1, w2, b2)


@functools.cache
def _get_sc_scatter(nchunks):
    mesh = plsc.VectorSubcoreMesh(
        core_axis_name="c", subcore_axis_name="s",
        num_cores=2, num_subcores=16)

    def body(src_hbm, r_hbm, z_hbm, out_hbm, idx_v, buf_v, acc,
             si0, si1, sa0, sa1):
        c = lax.axis_index("c")
        s = lax.axis_index("s")
        wid = s * 2 + c
        sis = (si0, si1)
        sas = (sa0, sa1)

        pltpu.sync_copy(z_hbm.at[pl.ds(s * ZROWS, ZROWS)],
                        acc.at[pl.ds(s * ZROWS, ZROWS)])
        n_idx = nchunks * CH
        pltpu.sync_copy(r_hbm.at[pl.ds(wid * n_idx, n_idx)], idx_v)
        plsc.subcore_barrier()

        def issue(k, b):
            @pl.when(k >= 2)
            def _():
                pltpu.make_async_copy(
                    buf_v.at[b],
                    acc.at[idx_v.at[pl.ds((k - 2) * CH, CH)]],
                    sas[b]).wait()
            pltpu.async_copy(
                src_hbm.at[pl.ds((wid * nchunks + k) * CH, CH)],
                buf_v.at[b], sis[b])

        def process(j, bp):
            pltpu.make_async_copy(
                src_hbm.at[pl.ds((wid * nchunks + j) * CH, CH)],
                buf_v.at[bp], sis[bp]).wait()
            pltpu.async_copy(buf_v.at[bp],
                             acc.at[idx_v.at[pl.ds(j * CH, CH)]],
                             sas[bp], add=True)

        def outer(g, _):
            for b in range(2):
                k = 2 * g + b
                issue(k, b)
                j = k - 1
                bp = (b - 1) % 2

                @pl.when(j >= 0)
                def _():
                    process(j, bp)
            return 0

        lax.fori_loop(0, nchunks // 2, outer, 0)
        process(nchunks - 1, (nchunks - 1) % 2)
        for b in range(2):
            pltpu.make_async_copy(
                buf_v.at[b],
                acc.at[idx_v.at[pl.ds((nchunks - 2 + b) * CH, CH)]],
                sas[b]).wait()
        plsc.subcore_barrier()
        pltpu.sync_copy(acc.at[pl.ds(s * ZROWS, ZROWS)],
                        out_hbm.at[c, pl.ds(s * ZROWS, ZROWS)])

    return functools.partial(
        pl.kernel,
        out_type=jax.ShapeDtypeStruct((2, NACC, D), _f32),
        mesh=mesh,
        scratch_types=[
            pltpu.VMEM((nchunks * CH,), jnp.int32),
            pltpu.VMEM((2, CH, D), _f32),
            pltpu.VMEM_SHARED((NACC, D), _f32),
            pltpu.SemaphoreType.DMA,
            pltpu.SemaphoreType.DMA,
            pltpu.SemaphoreType.DMA,
            pltpu.SemaphoreType.DMA,
        ],
    )(body)


def _node_body(n_ref, am_ref, aw_ref, w_ref, b1_ref, w2_ref, b2_ref, o_ref):
    n = n_ref[...]
    am = am_ref[0] + am_ref[1]
    aw = aw_ref[0] + aw_ref[1]
    pre = (jnp.dot(n, w_ref[0], preferred_element_type=_f32)
           + jnp.dot(am, w_ref[1], preferred_element_type=_f32)
           + jnp.dot(aw, w_ref[2], preferred_element_type=_f32)
           + b1_ref[...])
    h = jnp.maximum(pre, 0.0)
    o_ref[...] = jnp.dot(h, w2_ref[...], preferred_element_type=_f32) \
        + b2_ref[...] + n


def _node_mlp(node, am_p, aw_p, nws, b1, w2, b2):
    blk = 1000
    return pl.pallas_call(
        _node_body,
        grid=(N // blk,),
        in_specs=[
            pl.BlockSpec((blk, D), lambda i: (i, 0)),
            pl.BlockSpec((2, blk, D), lambda i: (0, i, 0)),
            pl.BlockSpec((2, blk, D), lambda i: (0, i, 0)),
            pl.BlockSpec((3, D, D), lambda i: (0, 0, 0)),
            pl.BlockSpec((1, D), lambda i: (0, 0)),
            pl.BlockSpec((D, D), lambda i: (0, 0)),
            pl.BlockSpec((1, D), lambda i: (0, 0)),
        ],
        out_specs=pl.BlockSpec((blk, D), lambda i: (i, 0)),
        out_shape=jax.ShapeDtypeStruct((N, D), _f32),
    )(node, am_p, aw_p, nws, b1, w2, b2)


def kernel(node_features, mesh_edge_features, world_edge_features,
           mesh_senders, mesh_receivers, world_senders, world_receivers,
           mesh_W1, mesh_b1, mesh_W2, mesh_b2,
           world_W1, world_b1, world_W2, world_b2,
           node_W1, node_b1, node_W2, node_b2):
    pm = EPM - E_MESH
    pw = EPW - E_WORLD
    gpad_m = jnp.arange(pm, dtype=jnp.int32) % N
    gpad_w = jnp.arange(pw, dtype=jnp.int32) % N
    ism = jnp.concatenate([mesh_senders, gpad_m])
    irm = jnp.concatenate([mesh_receivers, gpad_m])
    isw = jnp.concatenate([world_senders, gpad_w])
    irw = jnp.concatenate([world_receivers, gpad_w])
    spad_m = N + jnp.arange(pm, dtype=jnp.int32) % (NACC - N)
    spad_w = N + jnp.arange(pw, dtype=jnp.int32) % (NACC - N)
    srm = jnp.concatenate([mesh_receivers, spad_m])
    srw = jnp.concatenate([world_receivers, spad_w])
    efm = jnp.pad(mesh_edge_features, ((0, pm), (0, 0)))
    efw = jnp.pad(world_edge_features, ((0, pw), (0, 0)))
    zeros = jnp.zeros((NACC, D), _f32)

    ws_proj = jnp.stack([mesh_W1[:D], mesh_W1[D:2 * D],
                         world_W1[:D], world_W1[D:2 * D]])
    nws = jnp.stack([node_W1[:D], node_W1[D:2 * D], node_W1[2 * D:]])

    t = _project(node_features, ws_proj)
    gsw, grw = _get_sc_gather(CPW, EPW, 2)(t, isw, irw)
    gsm, grm = _get_sc_gather(CPM, EPM, 0)(t, ism, irm)
    new_w, out_w = _edge_mlp(gsw, grw, efw, world_W1[2 * D:],
                             world_b1.reshape(1, D),
                             world_W2, world_b2.reshape(1, D), E_WORLD)
    aw_p = _get_sc_scatter(CPW)(new_w, srw, zeros)
    new_m, out_m = _edge_mlp(gsm, grm, efm, mesh_W1[2 * D:],
                             mesh_b1.reshape(1, D),
                             mesh_W2, mesh_b2.reshape(1, D), E_MESH)
    am_p = _get_sc_scatter(CPM)(new_m, srm, zeros)
    out_n = _node_mlp(node_features, am_p, aw_p, nws,
                      node_b1.reshape(1, D), node_W2, node_b2.reshape(1, D))
    return (out_n, out_m, out_w)

# --- scband reference (transcript-rebuilt; emitter-appended) ---
"""Pipeline reference for scband-graph-net-block-13219909337176 (READ-ONLY COPY).

The authoritative reference and input builder live on the scoring server;
editing this copy changes nothing except your own understanding.
"""

import jax, jax.numpy as jnp
import numpy as np

N = 10000
E_MESH = 320000
E_WORLD = 80000
D = 128
H = 128


def _mlp(x, W1, b1, W2, b2):
    h = jax.nn.relu(x @ W1 + b1)
    return h @ W2 + b2


def setup_inputs(seed: int = 0) -> dict:
    key = jax.random.key(seed)
    ks = jax.random.split(key, 24)
    inp = {}
    inp['node_features'] = jax.random.normal(ks[0], (N, D), dtype=jnp.float32)
    inp['mesh_edge_features'] = jax.random.normal(ks[1], (E_MESH, D), dtype=jnp.float32)
    inp['world_edge_features'] = jax.random.normal(ks[2], (E_WORLD, D), dtype=jnp.float32)
    inp['mesh_senders'] = jax.random.randint(ks[3], (E_MESH,), 0, N, dtype=jnp.int32)
    inp['mesh_receivers'] = jax.random.randint(ks[4], (E_MESH,), 0, N, dtype=jnp.int32)
    inp['world_senders'] = jax.random.randint(ks[5], (E_WORLD,), 0, N, dtype=jnp.int32)
    inp['world_receivers'] = jax.random.randint(ks[6], (E_WORLD,), 0, N, dtype=jnp.int32)
    # learned params: edge models take concat(sender, receiver, edge) = 3*D; node model takes concat(node, agg_mesh, agg_world) = 3*D
    def w(k, shape, fan_in):
        return jax.random.normal(k, shape, dtype=jnp.float32) * (2.0 / fan_in) ** 0.5
    inp['mesh_W1'] = w(ks[7], (3 * D, H), 3 * D)
    inp['mesh_b1'] = jnp.zeros((H,), dtype=jnp.float32)
    inp['mesh_W2'] = w(ks[8], (H, D), H)
    inp['mesh_b2'] = jnp.zeros((D,), dtype=jnp.float32)
    inp['world_W1'] = w(ks[9], (3 * D, H), 3 * D)
    inp['world_b1'] = jnp.zeros((H,), dtype=jnp.float32)
    inp['world_W2'] = w(ks[10], (H, D), H)
    inp['world_b2'] = jnp.zeros((D,), dtype=jnp.float32)
    inp['node_W1'] = w(ks[11], (3 * D, H), 3 * D)
    inp['node_b1'] = jnp.zeros((H,), dtype=jnp.float32)
    inp['node_W2'] = w(ks[12], (H, D), H)
    inp['node_b2'] = jnp.zeros((D,), dtype=jnp.float32)
    return inp


def reference(node_features, mesh_edge_features, world_edge_features,
              mesh_senders, mesh_receivers, world_senders, world_receivers,
              mesh_W1, mesh_b1, mesh_W2, mesh_b2,
              world_W1, world_b1, world_W2, world_b2,
              node_W1, node_b1, node_W2, node_b2):
    # _update_edge_features for mesh_edges
    mesh_in = jnp.concatenate([
        jnp.take(node_features, mesh_senders, axis=0),
        jnp.take(node_features, mesh_receivers, axis=0),
        mesh_edge_features,
    ], axis=-1)
    new_mesh = _mlp(mesh_in, mesh_W1, mesh_b1, mesh_W2, mesh_b2)
    # _update_edge_features for world_edges
    world_in = jnp.concatenate([
        jnp.take(node_features, world_senders, axis=0),
        jnp.take(node_features, world_receivers, axis=0),
        world_edge_features,
    ], axis=-1)
    new_world = _mlp(world_in, world_W1, world_b1, world_W2, world_b2)
    # _update_node_features: unsorted_segment_operation with 'sum' aggregator
    agg_mesh = jax.ops.segment_sum(new_mesh, mesh_receivers, num_segments=N)
    agg_world = jax.ops.segment_sum(new_world, world_receivers, num_segments=N)
    node_in = jnp.concatenate([node_features, agg_mesh, agg_world], axis=-1)
    new_node = _mlp(node_in, node_W1, node_b1, node_W2, node_b2)
    # residual connections
    new_node = new_node + node_features
    new_mesh = new_mesh + mesh_edge_features
    new_world = new_world + world_edge_features
    return (new_node, new_mesh, new_world)

if __name__ == "__main__":
    import jax
    _d = setup_inputs()
    print(jax.jit(kernel)(*tuple(_d.values())))

</pallas_src>

<mosaic_0001>
#map = affine_map<(d0, d1) -> (0, 0)>
#map1 = affine_map<(d0, d1) -> (0)>
#map2 = affine_map<(d0, d1) -> (0, 0, 0)>
module attributes {stable_mosaic.version = 14 : i64} {
  func.func @body(%arg0: i32, %arg1: i32, %arg2: memref<81920x128xf32, #tpu.memory_space<hbm>>, %arg3: memref<81920xi32, #tpu.memory_space<hbm>>, %arg4: memref<10240x128xf32, #tpu.memory_space<hbm>>, %arg5: memref<2x10240x128xf32, #tpu.memory_space<hbm>>, %arg6: memref<2560xi32, #tpu.memory_space<vmem>>, %arg7: memref<2x128x128xf32, #tpu.memory_space<vmem>>, %arg8: memref<10240x128xf32, #tpu.memory_space<vmem_shared>>, %arg9: memref<!tpu.dma_semaphore, #tpu.memory_space<semaphore_mem>>, %arg10: memref<!tpu.dma_semaphore, #tpu.memory_space<semaphore_mem>>, %arg11: memref<!tpu.dma_semaphore, #tpu.memory_space<semaphore_mem>>, %arg12: memref<!tpu.dma_semaphore, #tpu.memory_space<semaphore_mem>>) attributes {dimension_semantics = [#tpu.dimension_semantics<core_parallel>, #tpu.dimension_semantics<subcore_parallel>], iteration_bounds = array<i64: 2, 16>, scalar_prefetch = 0 : i64, scratch_operands = 7 : i64, tpu.core_type = #tpu.core_type<sc_vector_subcore>, window_params = [{transform_indices = #map}, {transform_indices = #map1}, {transform_indices = #map}, {transform_indices = #map2}]} {
    %mul3A = arith.constant 2 : i32
    %mul3A_0 = arith.muli %arg1, %mul3A : i32
    %add3A = arith.addi %mul3A_0, %arg0 : i32
    %mul3A_1 = arith.constant 640 : i32
    %mul3A_2 = arith.muli %arg1, %mul3A_1 : i32
    %mul3A_3 = arith.constant 640 : i32
    %mul3A_4 = arith.muli %arg1, %mul3A_3 : i32
    "tpu.region"() ({
      %run_scoped3A = tpu.sem_alloc : memref<!tpu.dma_semaphore, #tpu.memory_space<semaphore_mem>>
      %dma_start3A_65 = arith.constant 0 : i32
      %dma_start3A_66 = tpu.memref_slice %arg8[%mul3A_4, %dma_start3A_65] : memref<10240x128xf32, #tpu.memory_space<vmem_shared>> -> memref<640x128xf32, #tpu.memory_space<vmem_shared>>
      %dma_start3A_67 = arith.constant 0 : i32
      %dma_start3A_68 = tpu.memref_slice %arg4[%mul3A_2, %dma_start3A_67] : memref<10240x128xf32, #tpu.memory_space<hbm>> -> memref<640x128xf32, #tpu.memory_space<hbm>>
      tpu.enqueue_dma source(%dma_start3A_68 : memref<640x128xf32, #tpu.memory_space<hbm>>) target(%dma_start3A_66 : memref<640x128xf32, #tpu.memory_space<vmem_shared>>) target_semaphore(%run_scoped3A : memref<!tpu.dma_semaphore, #tpu.memory_space<semaphore_mem>>)
      %dma_wait3A_69 = arith.constant 0 : i32
      %dma_wait3A_70 = tpu.memref_slice %arg8[%mul3A_4, %dma_wait3A_69] : memref<10240x128xf32, #tpu.memory_space<vmem_shared>> -> memref<640x128xf32, #tpu.memory_space<vmem_shared>>
      %dma_wait3A_71 = arith.constant 0 : i32
      %dma_wait3A_72 = tpu.memref_slice %arg4[%mul3A_2, %dma_wait3A_71] : memref<10240x128xf32, #tpu.memory_space<hbm>> -> memref<640x128xf32, #tpu.memory_space<hbm>>
      tpu.wait_dma2 semaphore(%run_scoped3A : memref<!tpu.dma_semaphore, #tpu.memory_space<semaphore_mem>>) src(%dma_wait3A_72 : memref<640x128xf32, #tpu.memory_space<hbm>>) dst(%dma_wait3A_70 : memref<640x128xf32, #tpu.memory_space<vmem_shared>>)
      tpu.yield
    }) : () -> ()
    %mul3A_5 = arith.constant 2560 : i32
    %mul3A_6 = arith.muli %add3A, %mul3A_5 : i32
    "tpu.region"() ({
      %run_scoped3A = tpu.sem_alloc : memref<!tpu.dma_semaphore, #tpu.memory_space<semaphore_mem>>
      %dma_start3A_65 = tpu.memref_slice %arg3[%mul3A_6] : memref<81920xi32, #tpu.memory_space<hbm>> -> memref<2560xi32, #tpu.memory_space<hbm>>
      %dma_start3A_66 = tpu.memref_slice %arg3[%mul3A_6] : memref<81920xi32, #tpu.memory_space<hbm>> -> memref<2560xi32, #tpu.memory_space<hbm>>
      tpu.enqueue_dma source(%dma_start3A_66 : memref<2560xi32, #tpu.memory_space<hbm>>) target(%arg6 : memref<2560xi32, #tpu.memory_space<vmem>>) target_semaphore(%run_scoped3A : memref<!tpu.dma_semaphore, #tpu.memory_space<semaphore_mem>>)
      %dma_wait3A_67 = tpu.memref_slice %arg3[%mul3A_6] : memref<81920xi32, #tpu.memory_space<hbm>> -> memref<2560xi32, #tpu.memory_space<hbm>>
      %dma_wait3A_68 = tpu.memref_slice %arg3[%mul3A_6] : memref<81920xi32, #tpu.memory_space<hbm>> -> memref<2560xi32, #tpu.memory_space<hbm>>
      tpu.wait_dma2 semaphore(%run_scoped3A : memref<!tpu.dma_semaphore, #tpu.memory_space<semaphore_mem>>) src(%dma_wait3A_68 : memref<2560xi32, #tpu.memory_space<hbm>>) dst(%arg6 : memref<2560xi32, #tpu.memory_space<vmem>>)
      tpu.yield
    }) : () -> ()
    %barrier3A = arith.constant 0 : index
    tpu.barrier barrier_id(%barrier3A)
    %scan3A = arith.constant 0 : i32
    %scan3A_7 = arith.constant 0 : i32
    %scan3A_8 = arith.constant 10 : i32
    %scan3A_9 = arith.addi %scan3A_7, %scan3A_8 : i32
    %scan3A_10 = arith.constant 1 : i32
    %scan3A_11 = scf.for %scan3A_65 = %scan3A_7 to %scan3A_9 step %scan3A_10 iter_args(%scan3A_66 = %scan3A) -> (i32)  : i32 {
      %mul3A_67 = arith.constant 2 : i32
      %mul3A_68 = arith.muli %mul3A_67, %scan3A_65 : i32
      %add3A_69 = arith.constant 0 : i32
      %add3A_70 = arith.addi %mul3A_68, %add3A_69 : i32
      %ge3A = arith.constant 2 : i32
      %ge3A_71 = arith.cmpi sge, %add3A_70, %ge3A : i32
      %convert_element_type3A = arith.extui %ge3A_71 : i1 to i32
      %cond3A = arith.constant 0 : i32
      %cond3A_72 = arith.cmpi ne, %convert_element_type3A, %cond3A : i32
      scf.if %cond3A_72 {
        %sub3A_132 = arith.constant 2 : i32
        %sub3A_133 = arith.subi %add3A_70, %sub3A_132 : i32
        %mul3A_134 = arith.constant 128 : i32
        %mul3A_135 = arith.muli %sub3A_133, %mul3A_134 : i32
        %dma_wait3A_136 = arith.constant 0 : i32
        %dma_wait3A_137 = arith.constant 0 : i32
        %dma_wait3A_138 = arith.constant 0 : i32
        %dma_wait3A_139 = tpu.memref_slice %arg7[%dma_wait3A_136, %dma_wait3A_137, %dma_wait3A_138] : memref<2x128x128xf32, #tpu.memory_space<vmem>> -> memref<1x128x128xf32, #tpu.memory_space<vmem>>
        %dma_wait3A_140 = tpu.memref_squeeze %dma_wait3A_139 : memref<1x128x128xf32, #tpu.memory_space<vmem>> -> memref<128x128xf32, #tpu.memory_space<vmem>>
        %dma_wait3A_141 = tpu.memref_slice %arg6[%mul3A_135] : memref<2560xi32, #tpu.memory_space<vmem>> -> memref<128xi32, #tpu.memory_space<vmem>>
        %dma_wait3A_142 = arith.constant 0 : i32
        %dma_wait3A_143 = arith.constant 0 : i32
        %dma_wait3A_144 = tpu.memref_slice %arg8[%dma_wait3A_142, %dma_wait3A_143] : memref<10240x128xf32, #tpu.memory_space<vmem_shared>> -> memref<10240x128xf32, #tpu.memory_space<vmem_shared>>
        tpu.wait_indirect_dma semaphore(%arg11 : memref<!tpu.dma_semaphore, #tpu.memory_space<semaphore_mem>>) src(%dma_wait3A_140 : memref<128x128xf32, #tpu.memory_space<vmem>>) dst(%dma_wait3A_144 : memref<10240x128xf32, #tpu.memory_space<vmem_shared>>)
      } else {
      }
      %mul3A_73 = arith.constant 20 : i32
      %mul3A_74 = arith.muli %add3A, %mul3A_73 : i32
      %add3A_75 = arith.addi %mul3A_74, %add3A_70 : i32
      %mul3A_76 = arith.constant 128 : i32
      %mul3A_77 = arith.muli %add3A_75, %mul3A_76 : i32
      %dma_start3A_78 = arith.constant 0 : i32
      %dma_start3A_79 = arith.constant 0 : i32
      %dma_start3A_80 = arith.constant 0 : i32
      %dma_start3A_81 = tpu.memref_slice %arg7[%dma_start3A_78, %dma_start3A_79, %dma_start3A_80] : memref<2x128x128xf32, #tpu.memory_space<vmem>> -> memref<1x128x128xf32, #tpu.memory_space<vmem>>
      %dma_start3A_82 = tpu.memref_squeeze %dma_start3A_81 : memref<1x128x128xf32, #tpu.memory_space<vmem>> -> memref<128x128xf32, #tpu.memory_space<vmem>>
      %dma_start3A_83 = arith.constant 0 : i32
      %dma_start3A_84 = tpu.memref_slice %arg2[%mul3A_77, %dma_start3A_83] : memref<81920x128xf32, #tpu.memory_space<hbm>> -> memref<128x128xf32, #tpu.memory_space<hbm>>
      %dma_start3A_85 = arith.constant 0 : i32
      %dma_start3A_86 = arith.constant 0 : i32
      %dma_start3A_87 = tpu.memref_slice %arg7[%dma_start3A_78, %dma_start3A_85, %dma_start3A_86] : memref<2x128x128xf32, #tpu.memory_space<vmem>> -> memref<1x128x128xf32, #tpu.memory_space<vmem>>
      %dma_start3A_88 = tpu.memref_squeeze %dma_start3A_87 : memref<1x128x128xf32, #tpu.memory_space<vmem>> -> memref<128x128xf32, #tpu.memory_space<vmem>>
      %dma_start3A_89 = arith.constant 0 : i32
      %dma_start3A_90 = tpu.memref_slice %arg2[%mul3A_77, %dma_start3A_89] : memref<81920x128xf32, #tpu.memory_space<hbm>> -> memref<128x128xf32, #tpu.memory_space<hbm>>
      tpu.enqueue_dma source(%dma_start3A_90 : memref<128x128xf32, #tpu.memory_space<hbm>>) target(%dma_start3A_88 : memref<128x128xf32, #tpu.memory_space<vmem>>) target_semaphore(%arg9 : memref<!tpu.dma_semaphore, #tpu.memory_space<semaphore_mem>>)
      %sub3A = arith.constant 1 : i32
      %sub3A_91 = arith.subi %add3A_70, %sub3A : i32
      %ge3A_92 = arith.constant 0 : i32
      %ge3A_93 = arith.cmpi sge, %sub3A_91, %ge3A_92 : i32
      %convert_element_type3A_94 = arith.extui %ge3A_93 : i1 to i32
      %cond3A_95 = arith.constant 0 : i32
      %cond3A_96 = arith.cmpi ne, %convert_element_type3A_94, %cond3A_95 : i32
      scf.if %cond3A_96 {
        %mul3A_132 = arith.constant 20 : i32
        %mul3A_133 = arith.muli %add3A, %mul3A_132 : i32
        %add3A_134 = arith.addi %mul3A_133, %sub3A_91 : i32
        %mul3A_135 = arith.constant 128 : i32
        %mul3A_136 = arith.muli %add3A_134, %mul3A_135 : i32
        %dma_wait3A_137 = arith.constant 1 : i32
        %dma_wait3A_138 = arith.constant 0 : i32
        %dma_wait3A_139 = arith.constant 0 : i32
        %dma_wait3A_140 = tpu.memref_slice %arg7[%dma_wait3A_137, %dma_wait3A_138, %dma_wait3A_139] : memref<2x128x128xf32, #tpu.memory_space<vmem>> -> memref<1x128x128xf32, #tpu.memory_space<vmem>>
        %dma_wait3A_141 = tpu.memref_squeeze %dma_wait3A_140 : memref<1x128x128xf32, #tpu.memory_space<vmem>> -> memref<128x128xf32, #tpu.memory_space<vmem>>
        %dma_wait3A_142 = arith.constant 0 : i32
        %dma_wait3A_143 = tpu.memref_slice %arg2[%mul3A_136, %dma_wait3A_142] : memref<81920x128xf32, #tpu.memory_space<hbm>> -> memref<128x128xf32, #tpu.memory_space<hbm>>
        %dma_wait3A_144 = arith.constant 0 : i32
        %dma_wait3A_145 = arith.constant 0 : i32
        %dma_wait3A_146 = tpu.memref_slice %arg7[%dma_wait3A_137, %dma_wait3A_144, %dma_wait3A_145] : memref<2x128x128xf32, #tpu.memory_space<vmem>> -> memref<1x128x128xf32, #tpu.memory_space<vmem>>
        %dma_wait3A_147 = tpu.memref_squeeze %dma_wait3A_146 : memref<1x128x128xf32, #tpu.memory_space<vmem>> -> memref<128x128xf32, #tpu.memory_space<vmem>>
        %dma_wait3A_148 = arith.constant 0 : i32
        %dma_wait3A_149 = tpu.memref_slice %arg2[%mul3A_136, %dma_wait3A_148] : memref<81920x128xf32, #tpu.memory_space<hbm>> -> memref<128x128xf32, #tpu.memory_space<hbm>>
        tpu.wait_dma2 semaphore(%arg10 : memref<!tpu.dma_semaphore, #tpu.memory_space<semaphore_mem>>) src(%dma_wait3A_149 : memref<128x128xf32, #tpu.memory_space<hbm>>) dst(%dma_wait3A_147 : memref<128x128xf32, #tpu.memory_space<vmem>>)
        %mul3A_150 = arith.constant 128 : i32
        %mul3A_151 = arith.muli %sub3A_91, %mul3A_150 : i32
        %dma_start3A_152 = arith.constant 1 : i32
        %dma_start3A_153 = arith.constant 0 : i32
        %dma_start3A_154 = arith.constant 0 : i32
        %dma_start3A_155 = tpu.memref_slice %arg7[%dma_start3A_152, %dma_start3A_153, %dma_start3A_154] : memref<2x128x128xf32, #tpu.memory_space<vmem>> -> memref<1x128x128xf32, #tpu.memory_space<vmem>>
        %dma_start3A_156 = tpu.memref_squeeze %dma_start3A_155 : memref<1x128x128xf32, #tpu.memory_space<vmem>> -> memref<128x128xf32, #tpu.memory_space<vmem>>
        %dma_start3A_157 = tpu.memref_slice %arg6[%mul3A_151] : memref<2560xi32, #tpu.memory_space<vmem>> -> memref<128xi32, #tpu.memory_space<vmem>>
        %dma_start3A_158 = arith.constant 0 : i32
        %dma_start3A_159 = arith.constant 0 : i32
        %dma_start3A_160 = tpu.memref_slice %arg8[%dma_start3A_158, %dma_start3A_159] : memref<10240x128xf32, #tpu.memory_space<vmem_shared>> -> memref<10240x128xf32, #tpu.memory_space<vmem_shared>>
        tpu.enqueue_indirect_dma source(%dma_start3A_156 : memref<128x128xf32, #tpu.memory_space<vmem>>) target(%dma_start3A_160 : memref<10240x128xf32, #tpu.memory_space<vmem_shared>>) offsets(%dma_start3A_157 : memref<128xi32, #tpu.memory_space<vmem>>) semaphore(%arg12 : memref<!tpu.dma_semaphore, #tpu.memory_space<semaphore_mem>>) {add = true}
      } else {
      }
      %mul3A_97 = arith.constant 2 : i32
      %mul3A_98 = arith.muli %mul3A_97, %scan3A_65 : i32
      %add3A_99 = arith.constant 1 : i32
      %add3A_100 = arith.addi %mul3A_98, %add3A_99 : i32
      %ge3A_101 = arith.constant 2 : i32
      %ge3A_102 = arith.cmpi sge, %add3A_100, %ge3A_101 : i32
      %convert_element_type3A_103 = arith.extui %ge3A_102 : i1 to i32
      %cond3A_104 = arith.constant 0 : i32
      %cond3A_105 = arith.cmpi ne, %convert_element_type3A_103, %cond3A_104 : i32
      scf.if %cond3A_105 {
        %sub3A_132 = arith.constant 2 : i32
        %sub3A_133 = arith.subi %add3A_100, %sub3A_132 : i32
        %mul3A_134 = arith.constant 128 : i32
        %mul3A_135 = arith.muli %sub3A_133, %mul3A_134 : i32
        %dma_wait3A_136 = arith.constant 1 : i32
        %dma_wait3A_137 = arith.constant 0 : i32
        %dma_wait3A_138 = arith.constant 0 : i32
        %dma_wait3A_139 = tpu.memref_slice %arg7[%dma_wait3A_136, %dma_wait3A_137, %dma_wait3A_138] : memref<2x128x128xf32, #tpu.memory_space<vmem>> -> memref<1x128x128xf32, #tpu.memory_space<vmem>>
        %dma_wait3A_140 = tpu.memref_squeeze %dma_wait3A_139 : memref<1x128x128xf32, #tpu.memory_space<vmem>> -> memref<128x128xf32, #tpu.memory_space<vmem>>
        %dma_wait3A_141 = tpu.memref_slice %arg6[%mul3A_135] : memref<2560xi32, #tpu.memory_space<vmem>> -> memref<128xi32, #tpu.memory_space<vmem>>
        %dma_wait3A_142 = arith.constant 0 : i32
        %dma_wait3A_143 = arith.constant 0 : i32
        %dma_wait3A_144 = tpu.memref_slice %arg8[%dma_wait3A_142, %dma_wait3A_143] : memref<10240x128xf32, #tpu.memory_space<vmem_shared>> -> memref<10240x128xf32, #tpu.memory_space<vmem_shared>>
        tpu.wait_indirect_dma semaphore(%arg12 : memref<!tpu.dma_semaphore, #tpu.memory_space<semaphore_mem>>) src(%dma_wait3A_140 : memref<128x128xf32, #tpu.memory_space<vmem>>) dst(%dma_wait3A_144 : memref<10240x128xf32, #tpu.memory_space<vmem_shared>>)
      } else {
      }
      %mul3A_106 = arith.constant 20 : i32
      %mul3A_107 = arith.muli %add3A, %mul3A_106 : i32
      %add3A_108 = arith.addi %mul3A_107, %add3A_100 : i32
      %mul3A_109 = arith.constant 128 : i32
      %mul3A_110 = arith.muli %add3A_108, %mul3A_109 : i32
      %dma_start3A_111 = arith.constant 1 : i32
      %dma_start3A_112 = arith.constant 0 : i32
      %dma_start3A_113 = arith.constant 0 : i32
      %dma_start3A_114 = tpu.memref_slice %arg7[%dma_start3A_111, %dma_start3A_112, %dma_start3A_113] : memref<2x128x128xf32, #tpu.memory_space<vmem>> -> memref<1x128x128xf32, #tpu.memory_space<vmem>>
      %dma_start3A_115 = tpu.memref_squeeze %dma_start3A_114 : memref<1x128x128xf32, #tpu.memory_space<vmem>> -> memref<128x128xf32, #tpu.memory_space<vmem>>
      %dma_start3A_116 = arith.constant 0 : i32
      %dma_start3A_117 = tpu.memref_slice %arg2[%mul3A_110, %dma_start3A_116] : memref<81920x128xf32, #tpu.memory_space<hbm>> -> memref<128x128xf32, #tpu.memory_space<hbm>>
      %dma_start3A_118 = arith.constant 0 : i32
      %dma_start3A_119 = arith.constant 0 : i32
      %dma_start3A_120 = tpu.memref_slice %arg7[%dma_start3A_111, %dma_start3A_118, %dma_start3A_119] : memref<2x128x128xf32, #tpu.memory_space<vmem>> -> memref<1x128x128xf32, #tpu.memory_space<vmem>>
      %dma_start3A_121 = tpu.memref_squeeze %dma_start3A_120 : memref<1x128x128xf32, #tpu.memory_space<vmem>> -> memref<128x128xf32, #tpu.memory_space<vmem>>
      %dma_start3A_122 = arith.constant 0 : i32
      %dma_start3A_123 = tpu.memref_slice %arg2[%mul3A_110, %dma_start3A_122] : memref<81920x128xf32, #tpu.memory_space<hbm>> -> memref<128x128xf32, #tpu.memory_space<hbm>>
      tpu.enqueue_dma source(%dma_start3A_123 : memref<128x128xf32, #tpu.memory_space<hbm>>) target(%dma_start3A_121 : memref<128x128xf32, #tpu.memory_space<vmem>>) target_semaphore(%arg10 : memref<!tpu.dma_semaphore, #tpu.memory_space<semaphore_mem>>)
      %sub3A_124 = arith.constant 1 : i32
      %sub3A_125 = arith.subi %add3A_100, %sub3A_124 : i32
      %ge3A_126 = arith.constant 0 : i32
      %ge3A_127 = arith.cmpi sge, %sub3A_125, %ge3A_126 : i32
      %convert_element_type3A_128 = arith.extui %ge3A_127 : i1 to i32
      %cond3A_129 = arith.constant 0 : i32
      %cond3A_130 = arith.cmpi ne, %convert_element_type3A_128, %cond3A_129 : i32
      scf.if %cond3A_130 {
        %mul3A_132 = arith.constant 20 : i32
        %mul3A_133 = arith.muli %add3A, %mul3A_132 : i32
        %add3A_134 = arith.addi %mul3A_133, %sub3A_125 : i32
        %mul3A_135 = arith.constant 128 : i32
        %mul3A_136 = arith.muli %add3A_134, %mul3A_135 : i32
        %dma_wait3A_137 = arith.constant 0 : i32
        %dma_wait3A_138 = arith.constant 0 : i32
        %dma_wait3A_139 = arith.constant 0 : i32
        %dma_wait3A_140 = tpu.memref_slice %arg7[%dma_wait3A_137, %dma_wait3A_138, %dma_wait3A_139] : memref<2x128x128xf32, #tpu.memory_space<vmem>> -> memref<1x128x128xf32, #tpu.memory_space<vmem>>
        %dma_wait3A_141 = tpu.memref_squeeze %dma_wait3A_140 : memref<1x128x128xf32, #tpu.memory_space<vmem>> -> memref<128x128xf32, #tpu.memory_space<vmem>>
        %dma_wait3A_142 = arith.constant 0 : i32
        %dma_wait3A_143 = tpu.memref_slice %arg2[%mul3A_136, %dma_wait3A_142] : memref<81920x128xf32, #tpu.memory_space<hbm>> -> memref<128x128xf32, #tpu.memory_space<hbm>>
        %dma_wait3A_144 = arith.constant 0 : i32
        %dma_wait3A_145 = arith.constant 0 : i32
        %dma_wait3A_146 = tpu.memref_slice %arg7[%dma_wait3A_137, %dma_wait3A_144, %dma_wait3A_145] : memref<2x128x128xf32, #tpu.memory_space<vmem>> -> memref<1x128x128xf32, #tpu.memory_space<vmem>>
        %dma_wait3A_147 = tpu.memref_squeeze %dma_wait3A_146 : memref<1x128x128xf32, #tpu.memory_space<vmem>> -> memref<128x128xf32, #tpu.memory_space<vmem>>
        %dma_wait3A_148 = arith.constant 0 : i32
        %dma_wait3A_149 = tpu.memref_slice %arg2[%mul3A_136, %dma_wait3A_148] : memref<81920x128xf32, #tpu.memory_space<hbm>> -> memref<128x128xf32, #tpu.memory_space<hbm>>
        tpu.wait_dma2 semaphore(%arg9 : memref<!tpu.dma_semaphore, #tpu.memory_space<semaphore_mem>>) src(%dma_wait3A_149 : memref<128x128xf32, #tpu.memory_space<hbm>>) dst(%dma_wait3A_147 : memref<128x128xf32, #tpu.memory_space<vmem>>)
        %mul3A_150 = arith.constant 128 : i32
        %mul3A_151 = arith.muli %sub3A_125, %mul3A_150 : i32
        %dma_start3A_152 = arith.constant 0 : i32
        %dma_start3A_153 = arith.constant 0 : i32
        %dma_start3A_154 = arith.constant 0 : i32
        %dma_start3A_155 = tpu.memref_slice %arg7[%dma_start3A_152, %dma_start3A_153, %dma_start3A_154] : memref<2x128x128xf32, #tpu.memory_space<vmem>> -> memref<1x128x128xf32, #tpu.memory_space<vmem>>
        %dma_start3A_156 = tpu.memref_squeeze %dma_start3A_155 : memref<1x128x128xf32, #tpu.memory_space<vmem>> -> memref<128x128xf32, #tpu.memory_space<vmem>>
        %dma_start3A_157 = tpu.memref_slice %arg6[%mul3A_151] : memref<2560xi32, #tpu.memory_space<vmem>> -> memref<128xi32, #tpu.memory_space<vmem>>
        %dma_start3A_158 = arith.constant 0 : i32
        %dma_start3A_159 = arith.constant 0 : i32
        %dma_start3A_160 = tpu.memref_slice %arg8[%dma_start3A_158, %dma_start3A_159] : memref<10240x128xf32, #tpu.memory_space<vmem_shared>> -> memref<10240x128xf32, #tpu.memory_space<vmem_shared>>
        tpu.enqueue_indirect_dma source(%dma_start3A_156 : memref<128x128xf32, #tpu.memory_space<vmem>>) target(%dma_start3A_160 : memref<10240x128xf32, #tpu.memory_space<vmem_shared>>) offsets(%dma_start3A_157 : memref<128xi32, #tpu.memory_space<vmem>>) semaphore(%arg11 : memref<!tpu.dma_semaphore, #tpu.memory_space<semaphore_mem>>) {add = true}
      } else {
      }
      %scan3A_131 = arith.constant 0 : i32
      scf.yield %scan3A_131 : i32
    }
    %scan3A_12 = arith.constant 10 : i32
    %mul3A_13 = arith.constant 20 : i32
    %mul3A_14 = arith.muli %add3A, %mul3A_13 : i32
    %add3A_15 = arith.constant 19 : i32
    %add3A_16 = arith.addi %mul3A_14, %add3A_15 : i32
    %mul3A_17 = arith.constant 128 : i32
    %mul3A_18 = arith.muli %add3A_16, %mul3A_17 : i32
    %dma_wait3A = arith.constant 1 : i32
    %dma_wait3A_19 = arith.constant 0 : i32
    %dma_wait3A_20 = arith.constant 0 : i32
    %dma_wait3A_21 = tpu.memref_slice %arg7[%dma_wait3A, %dma_wait3A_19, %dma_wait3A_20] : memref<2x128x128xf32, #tpu.memory_space<vmem>> -> memref<1x128x128xf32, #tpu.memory_space<vmem>>
    %dma_wait3A_22 = tpu.memref_squeeze %dma_wait3A_21 : memref<1x128x128xf32, #tpu.memory_space<vmem>> -> memref<128x128xf32, #tpu.memory_space<vmem>>
    %dma_wait3A_23 = arith.constant 0 : i32
    %dma_wait3A_24 = tpu.memref_slice %arg2[%mul3A_18, %dma_wait3A_23] : memref<81920x128xf32, #tpu.memory_space<hbm>> -> memref<128x128xf32, #tpu.memory_space<hbm>>
    %dma_wait3A_25 = arith.constant 0 : i32
    %dma_wait3A_26 = arith.constant 0 : i32
    %dma_wait3A_27 = tpu.memref_slice %arg7[%dma_wait3A, %dma_wait3A_25, %dma_wait3A_26] : memref<2x128x128xf32, #tpu.memory_space<vmem>> -> memref<1x128x128xf32, #tpu.memory_space<vmem>>
    %dma_wait3A_28 = tpu.memref_squeeze %dma_wait3A_27 : memref<1x128x128xf32, #tpu.memory_space<vmem>> -> memref<128x128xf32, #tpu.memory_space<vmem>>
    %dma_wait3A_29 = arith.constant 0 : i32
    %dma_wait3A_30 = tpu.memref_slice %arg2[%mul3A_18, %dma_wait3A_29] : memref<81920x128xf32, #tpu.memory_space<hbm>> -> memref<128x128xf32, #tpu.memory_space<hbm>>
    tpu.wait_dma2 semaphore(%arg10 : memref<!tpu.dma_semaphore, #tpu.memory_space<semaphore_mem>>) src(%dma_wait3A_30 : memref<128x128xf32, #tpu.memory_space<hbm>>) dst(%dma_wait3A_28 : memref<128x128xf32, #tpu.memory_space<vmem>>)
    %dma_start3A = arith.constant 1 : i32
    %dma_start3A_31 = arith.constant 0 : i32
    %dma_start3A_32 = arith.constant 0 : i32
    %dma_start3A_33 = tpu.memref_slice %arg7[%dma_start3A, %dma_start3A_31, %dma_start3A_32] : memref<2x128x128xf32, #tpu.memory_space<vmem>> -> memref<1x128x128xf32, #tpu.memory_space<vmem>>
    %dma_start3A_34 = tpu.memref_squeeze %dma_start3A_33 : memref<1x128x128xf32, #tpu.memory_space<vmem>> -> memref<128x128xf32, #tpu.memory_space<vmem>>
    %dma_start3A_35 = arith.constant 2432 : i32
    %dma_start3A_36 = tpu.memref_slice %arg6[%dma_start3A_35] : memref<2560xi32, #tpu.memory_space<vmem>> -> memref<128xi32, #tpu.memory_space<vmem>>
    %dma_start3A_37 = arith.constant 0 : i32
    %dma_start3A_38 = arith.constant 0 : i32
    %dma_start3A_39 = tpu.memref_slice %arg8[%dma_start3A_37, %dma_start3A_38] : memref<10240x128xf32, #tpu.memory_space<vmem_shared>> -> memref<10240x128xf32, #tpu.memory_space<vmem_shared>>
    tpu.enqueue_indirect_dma source(%dma_start3A_34 : memref<128x128xf32, #tpu.memory_space<vmem>>) target(%dma_start3A_39 : memref<10240x128xf32, #tpu.memory_space<vmem_shared>>) offsets(%dma_start3A_36 : memref<128xi32, #tpu.memory_space<vmem>>) semaphore(%arg12 : memref<!tpu.dma_semaphore, #tpu.memory_space<semaphore_mem>>) {add = true}
    %dma_wait3A_40 = arith.constant 0 : i32
    %dma_wait3A_41 = arith.constant 0 : i32
    %dma_wait3A_42 = arith.constant 0 : i32
    %dma_wait3A_43 = tpu.memref_slice %arg7[%dma_wait3A_40, %dma_wait3A_41, %dma_wait3A_42] : memref<2x128x128xf32, #tpu.memory_space<vmem>> -> memref<1x128x128xf32, #tpu.memory_space<vmem>>
    %dma_wait3A_44 = tpu.memref_squeeze %dma_wait3A_43 : memref<1x128x128xf32, #tpu.memory_space<vmem>> -> memref<128x128xf32, #tpu.memory_space<vmem>>
    %dma_wait3A_45 = arith.constant 2304 : i32
    %dma_wait3A_46 = tpu.memref_slice %arg6[%dma_wait3A_45] : memref<2560xi32, #tpu.memory_space<vmem>> -> memref<128xi32, #tpu.memory_space<vmem>>
    %dma_wait3A_47 = arith.constant 0 : i32
    %dma_wait3A_48 = arith.constant 0 : i32
    %dma_wait3A_49 = tpu.memref_slice %arg8[%dma_wait3A_47, %dma_wait3A_48] : memref<10240x128xf32, #tpu.memory_space<vmem_shared>> -> memref<10240x128xf32, #tpu.memory_space<vmem_shared>>
    tpu.wait_indirect_dma semaphore(%arg11 : memref<!tpu.dma_semaphore, #tpu.memory_space<semaphore_mem>>) src(%dma_wait3A_44 : memref<128x128xf32, #tpu.memory_space<vmem>>) dst(%dma_wait3A_49 : memref<10240x128xf32, #tpu.memory_space<vmem_shared>>)
    %dma_wait3A_50 = arith.constant 1 : i32
    %dma_wait3A_51 = arith.constant 0 : i32
    %dma_wait3A_52 = arith.constant 0 : i32
    %dma_wait3A_53 = tpu.memref_slice %arg7[%dma_wait3A_50, %dma_wait3A_51, %dma_wait3A_52] : memref<2x128x128xf32, #tpu.memory_space<vmem>> -> memref<1x128x128xf32, #tpu.memory_space<vmem>>
    %dma_wait3A_54 = tpu.memref_squeeze %dma_wait3A_53 : memref<1x128x128xf32, #tpu.memory_space<vmem>> -> memref<128x128xf32, #tpu.memory_space<vmem>>
    %dma_wait3A_55 = arith.constant 2432 : i32
    %dma_wait3A_56 = tpu.memref_slice %arg6[%dma_wait3A_55] : memref<2560xi32, #tpu.memory_space<vmem>> -> memref<128xi32, #tpu.memory_space<vmem>>
    %dma_wait3A_57 = arith.constant 0 : i32
    %dma_wait3A_58 = arith.constant 0 : i32
    %dma_wait3A_59 = tpu.memref_slice %arg8[%dma_wait3A_57, %dma_wait3A_58] : memref<10240x128xf32, #tpu.memory_space<vmem_shared>> -> memref<10240x128xf32, #tpu.memory_space<vmem_shared>>
    tpu.wait_indirect_dma semaphore(%arg12 : memref<!tpu.dma_semaphore, #tpu.memory_space<semaphore_mem>>) src(%dma_wait3A_54 : memref<128x128xf32, #tpu.memory_space<vmem>>) dst(%dma_wait3A_59 : memref<10240x128xf32, #tpu.memory_space<vmem_shared>>)
    %barrier3A_60 = arith.constant 0 : index
    tpu.barrier barrier_id(%barrier3A_60)
    %mul3A_61 = arith.constant 640 : i32
    %mul3A_62 = arith.muli %arg1, %mul3A_61 : i32
    %mul3A_63 = arith.constant 640 : i32
    %mul3A_64 = arith.muli %arg1, %mul3A_63 : i32
    "tpu.region"() ({
      %run_scoped3A = tpu.sem_alloc : memref<!tpu.dma_semaphore, #tpu.memory_space<semaphore_mem>>
      %dma_start3A_65 = arith.constant 0 : i32
      %dma_start3A_66 = tpu.memref_slice %arg5[%arg0, %mul3A_64, %dma_start3A_65] : memref<2x10240x128xf32, #tpu.memory_space<hbm>> -> memref<1x640x128xf32, #tpu.memory_space<hbm>>
      %dma_start3A_67 = tpu.memref_squeeze %dma_start3A_66 : memref<1x640x128xf32, #tpu.memory_space<hbm>> -> memref<640x128xf32, #tpu.memory_space<hbm>>
      %dma_start3A_68 = arith.constant 0 : i32
      %dma_start3A_69 = tpu.memref_slice %arg8[%mul3A_62, %dma_start3A_68] : memref<10240x128xf32, #tpu.memory_space<vmem_shared>> -> memref<640x128xf32, #tpu.memory_space<vmem_shared>>
      tpu.enqueue_dma source(%dma_start3A_69 : memref<640x128xf32, #tpu.memory_space<vmem_shared>>) target(%dma_start3A_67 : memref<640x128xf32, #tpu.memory_space<hbm>>) target_semaphore(%run_scoped3A : memref<!tpu.dma_semaphore, #tpu.memory_space<semaphore_mem>>)
      %dma_wait3A_70 = arith.constant 0 : i32
      %dma_wait3A_71 = tpu.memref_slice %arg5[%arg0, %mul3A_64, %dma_wait3A_70] : memref<2x10240x128xf32, #tpu.memory_space<hbm>> -> memref<1x640x128xf32, #tpu.memory_space<hbm>>
      %dma_wait3A_72 = tpu.memref_squeeze %dma_wait3A_71 : memref<1x640x128xf32, #tpu.memory_space<hbm>> -> memref<640x128xf32, #tpu.memory_space<hbm>>
      %dma_wait3A_73 = arith.constant 0 : i32
      %dma_wait3A_74 = tpu.memref_slice %arg8[%mul3A_62, %dma_wait3A_73] : memref<10240x128xf32, #tpu.memory_space<vmem_shared>> -> memref<640x128xf32, #tpu.memory_space<vmem_shared>>
      tpu.wait_dma2 semaphore(%run_scoped3A : memref<!tpu.dma_semaphore, #tpu.memory_space<semaphore_mem>>) src(%dma_wait3A_74 : memref<640x128xf32, #tpu.memory_space<vmem_shared>>) dst(%dma_wait3A_72 : memref<640x128xf32, #tpu.memory_space<hbm>>)
      tpu.yield
    }) : () -> ()
    return
  }
}

#map = affine_map<(d0, d1) -> (0, 0)>
#map1 = affine_map<(d0, d1) -> (0)>
#map2 = affine_map<(d0, d1) -> (0, 0, 0)>
module attributes {stable_mosaic.version = 14 : i64} {
  func.func @body(%arg0: i32, %arg1: i32, %arg2: memref<327680x128xf32, #tpu.memory_space<hbm>>, %arg3: memref<327680xi32, #tpu.memory_space<hbm>>, %arg4: memref<10240x128xf32, #tpu.memory_space<hbm>>, %arg5: memref<2x10240x128xf32, #tpu.memory_space<hbm>>, %arg6: memref<10240xi32, #tpu.memory_space<vmem>>, %arg7: memref<2x128x128xf32, #tpu.memory_space<vmem>>, %arg8: memref<10240x128xf32, #tpu.memory_space<vmem_shared>>, %arg9: memref<!tpu.dma_semaphore, #tpu.memory_space<semaphore_mem>>, %arg10: memref<!tpu.dma_semaphore, #tpu.memory_space<semaphore_mem>>, %arg11: memref<!tpu.dma_semaphore, #tpu.memory_space<semaphore_mem>>, %arg12: memref<!tpu.dma_semaphore, #tpu.memory_space<semaphore_mem>>) attributes {dimension_semantics = [#tpu.dimension_semantics<core_parallel>, #tpu.dimension_semantics<subcore_parallel>], iteration_bounds = array<i64: 2, 16>, scalar_prefetch = 0 : i64, scratch_operands = 7 : i64, tpu.core_type = #tpu.core_type<sc_vector_subcore>, window_params = [{transform_indices = #map}, {transform_indices = #map1}, {transform_indices = #map}, {transform_indices = #map2}]} {
    %mul3A = arith.constant 2 : i32
    %mul3A_0 = arith.muli %arg1, %mul3A : i32
    %add3A = arith.addi %mul3A_0, %arg0 : i32
    %mul3A_1 = arith.constant 640 : i32
    %mul3A_2 = arith.muli %arg1, %mul3A_1 : i32
    %mul3A_3 = arith.constant 640 : i32
    %mul3A_4 = arith.muli %arg1, %mul3A_3 : i32
    "tpu.region"() ({
      %run_scoped3A = tpu.sem_alloc : memref<!tpu.dma_semaphore, #tpu.memory_space<semaphore_mem>>
      %dma_start3A_65 = arith.constant 0 : i32
      %dma_start3A_66 = tpu.memref_slice %arg8[%mul3A_4, %dma_start3A_65] : memref<10240x128xf32, #tpu.memory_space<vmem_shared>> -> memref<640x128xf32, #tpu.memory_space<vmem_shared>>
      %dma_start3A_67 = arith.constant 0 : i32
      %dma_start3A_68 = tpu.memref_slice %arg4[%mul3A_2, %dma_start3A_67] : memref<10240x128xf32, #tpu.memory_space<hbm>> -> memref<640x128xf32, #tpu.memory_space<hbm>>
      tpu.enqueue_dma source(%dma_start3A_68 : memref<640x128xf32, #tpu.memory_space<hbm>>) target(%dma_start3A_66 : memref<640x128xf32, #tpu.memory_space<vmem_shared>>) target_semaphore(%run_scoped3A : memref<!tpu.dma_semaphore, #tpu.memory_space<semaphore_mem>>)
      %dma_wait3A_69 = arith.constant 0 : i32
      %dma_wait3A_70 = tpu.memref_slice %arg8[%mul3A_4, %dma_wait3A_69] : memref<10240x128xf32, #tpu.memory_space<vmem_shared>> -> memref<640x128xf32, #tpu.memory_space<vmem_shared>>
      %dma_wait3A_71 = arith.constant 0 : i32
      %dma_wait3A_72 = tpu.memref_slice %arg4[%mul3A_2, %dma_wait3A_71] : memref<10240x128xf32, #tpu.memory_space<hbm>> -> memref<640x128xf32, #tpu.memory_space<hbm>>
      tpu.wait_dma2 semaphore(%run_scoped3A : memref<!tpu.dma_semaphore, #tpu.memory_space<semaphore_mem>>) src(%dma_wait3A_72 : memref<640x128xf32, #tpu.memory_space<hbm>>) dst(%dma_wait3A_70 : memref<640x128xf32, #tpu.memory_space<vmem_shared>>)
      tpu.yield
    }) : () -> ()
    %mul3A_5 = arith.constant 10240 : i32
    %mul3A_6 = arith.muli %add3A, %mul3A_5 : i32
    "tpu.region"() ({
      %run_scoped3A = tpu.sem_alloc : memref<!tpu.dma_semaphore, #tpu.memory_space<semaphore_mem>>
      %dma_start3A_65 = tpu.memref_slice %arg3[%mul3A_6] : memref<327680xi32, #tpu.memory_space<hbm>> -> memref<10240xi32, #tpu.memory_space<hbm>>
      %dma_start3A_66 = tpu.memref_slice %arg3[%mul3A_6] : memref<327680xi32, #tpu.memory_space<hbm>> -> memref<10240xi32, #tpu.memory_space<hbm>>
      tpu.enqueue_dma source(%dma_start3A_66 : memref<10240xi32, #tpu.memory_space<hbm>>) target(%arg6 : memref<10240xi32, #tpu.memory_space<vmem>>) target_semaphore(%run_scoped3A : memref<!tpu.dma_semaphore, #tpu.memory_space<semaphore_mem>>)
      %dma_wait3A_67 = tpu.memref_slice %arg3[%mul3A_6] : memref<327680xi32, #tpu.memory_space<hbm>> -> memref<10240xi32, #tpu.memory_space<hbm>>
      %dma_wait3A_68 = tpu.memref_slice %arg3[%mul3A_6] : memref<327680xi32, #tpu.memory_space<hbm>> -> memref<10240xi32, #tpu.memory_space<hbm>>
      tpu.wait_dma2 semaphore(%run_scoped3A : memref<!tpu.dma_semaphore, #tpu.memory_space<semaphore_mem>>) src(%dma_wait3A_68 : memref<10240xi32, #tpu.memory_space<hbm>>) dst(%arg6 : memref<10240xi32, #tpu.memory_space<vmem>>)
      tpu.yield
    }) : () -> ()
    %barrier3A = arith.constant 0 : index
    tpu.barrier barrier_id(%barrier3A)
    %scan3A = arith.constant 0 : i32
    %scan3A_7 = arith.constant 0 : i32
    %scan3A_8 = arith.constant 40 : i32
    %scan3A_9 = arith.addi %scan3A_7, %scan3A_8 : i32
    %scan3A_10 = arith.constant 1 : i32
    %scan3A_11 = scf.for %scan3A_65 = %scan3A_7 to %scan3A_9 step %scan3A_10 iter_args(%scan3A_66 = %scan3A) -> (i32)  : i32 {
      %mul3A_67 = arith.constant 2 : i32
      %mul3A_68 = arith.muli %mul3A_67, %scan3A_65 : i32
      %add3A_69 = arith.constant 0 : i32
      %add3A_70 = arith.addi %mul3A_68, %add3A_69 : i32
      %ge3A = arith.constant 2 : i32
      %ge3A_71 = arith.cmpi sge, %add3A_70, %ge3A : i32
      %convert_element_type3A = arith.extui %ge3A_71 : i1 to i32
      %cond3A = arith.constant 0 : i32
      %cond3A_72 = arith.cmpi ne, %convert_element_type3A, %cond3A : i32
      scf.if %cond3A_72 {
        %sub3A_132 = arith.constant 2 : i32
        %sub3A_133 = arith.subi %add3A_70, %sub3A_132 : i32
        %mul3A_134 = arith.constant 128 : i32
        %mul3A_135 = arith.muli %sub3A_133, %mul3A_134 : i32
        %dma_wait3A_136 = arith.constant 0 : i32
        %dma_wait3A_137 = arith.constant 0 : i32
        %dma_wait3A_138 = arith.constant 0 : i32
        %dma_wait3A_139 = tpu.memref_slice %arg7[%dma_wait3A_136, %dma_wait3A_137, %dma_wait3A_138] : memref<2x128x128xf32, #tpu.memory_space<vmem>> -> memref<1x128x128xf32, #tpu.memory_space<vmem>>
        %dma_wait3A_140 = tpu.memref_squeeze %dma_wait3A_139 : memref<1x128x128xf32, #tpu.memory_space<vmem>> -> memref<128x128xf32, #tpu.memory_space<vmem>>
        %dma_wait3A_141 = tpu.memref_slice %arg6[%mul3A_135] : memref<10240xi32, #tpu.memory_space<vmem>> -> memref<128xi32, #tpu.memory_space<vmem>>
        %dma_wait3A_142 = arith.constant 0 : i32
        %dma_wait3A_143 = arith.constant 0 : i32
        %dma_wait3A_144 = tpu.memref_slice %arg8[%dma_wait3A_142, %dma_wait3A_143] : memref<10240x128xf32, #tpu.memory_space<vmem_shared>> -> memref<10240x128xf32, #tpu.memory_space<vmem_shared>>
        tpu.wait_indirect_dma semaphore(%arg11 : memref<!tpu.dma_semaphore, #tpu.memory_space<semaphore_mem>>) src(%dma_wait3A_140 : memref<128x128xf32, #tpu.memory_space<vmem>>) dst(%dma_wait3A_144 : memref<10240x128xf32, #tpu.memory_space<vmem_shared>>)
      } else {
      }
      %mul3A_73 = arith.constant 80 : i32
      %mul3A_74 = arith.muli %add3A, %mul3A_73 : i32
      %add3A_75 = arith.addi %mul3A_74, %add3A_70 : i32
      %mul3A_76 = arith.constant 128 : i32
      %mul3A_77 = arith.muli %add3A_75, %mul3A_76 : i32
      %dma_start3A_78 = arith.constant 0 : i32
      %dma_start3A_79 = arith.constant 0 : i32
      %dma_start3A_80 = arith.constant 0 : i32
      %dma_start3A_81 = tpu.memref_slice %arg7[%dma_start3A_78, %dma_start3A_79, %dma_start3A_80] : memref<2x128x128xf32, #tpu.memory_space<vmem>> -> memref<1x128x128xf32, #tpu.memory_space<vmem>>
      %dma_start3A_82 = tpu.memref_squeeze %dma_start3A_81 : memref<1x128x128xf32, #tpu.memory_space<vmem>> -> memref<128x128xf32, #tpu.memory_space<vmem>>
      %dma_start3A_83 = arith.constant 0 : i32
      %dma_start3A_84 = tpu.memref_slice %arg2[%mul3A_77, %dma_start3A_83] : memref<327680x128xf32, #tpu.memory_space<hbm>> -> memref<128x128xf32, #tpu.memory_space<hbm>>
      %dma_start3A_85 = arith.constant 0 : i32
      %dma_start3A_86 = arith.constant 0 : i32
      %dma_start3A_87 = tpu.memref_slice %arg7[%dma_start3A_78, %dma_start3A_85, %dma_start3A_86] : memref<2x128x128xf32, #tpu.memory_space<vmem>> -> memref<1x128x128xf32, #tpu.memory_space<vmem>>
      %dma_start3A_88 = tpu.memref_squeeze %dma_start3A_87 : memref<1x128x128xf32, #tpu.memory_space<vmem>> -> memref<128x128xf32, #tpu.memory_space<vmem>>
      %dma_start3A_89 = arith.constant 0 : i32
      %dma_start3A_90 = tpu.memref_slice %arg2[%mul3A_77, %dma_start3A_89] : memref<327680x128xf32, #tpu.memory_space<hbm>> -> memref<128x128xf32, #tpu.memory_space<hbm>>
      tpu.enqueue_dma source(%dma_start3A_90 : memref<128x128xf32, #tpu.memory_space<hbm>>) target(%dma_start3A_88 : memref<128x128xf32, #tpu.memory_space<vmem>>) target_semaphore(%arg9 : memref<!tpu.dma_semaphore, #tpu.memory_space<semaphore_mem>>)
      %sub3A = arith.constant 1 : i32
      %sub3A_91 = arith.subi %add3A_70, %sub3A : i32
      %ge3A_92 = arith.constant 0 : i32
      %ge3A_93 = arith.cmpi sge, %sub3A_91, %ge3A_92 : i32
      %convert_element_type3A_94 = arith.extui %ge3A_93 : i1 to i32
      %cond3A_95 = arith.constant 0 : i32
      %cond3A_96 = arith.cmpi ne, %convert_element_type3A_94, %cond3A_95 : i32
      scf.if %cond3A_96 {
        %mul3A_132 = arith.constant 80 : i32
        %mul3A_133 = arith.muli %add3A, %mul3A_132 : i32
        %add3A_134 = arith.addi %mul3A_133, %sub3A_91 : i32
        %mul3A_135 = arith.constant 128 : i32
        %mul3A_136 = arith.muli %add3A_134, %mul3A_135 : i32
        %dma_wait3A_137 = arith.constant 1 : i32
        %dma_wait3A_138 = arith.constant 0 : i32
        %dma_wait3A_139 = arith.constant 0 : i32
        %dma_wait3A_140 = tpu.memref_slice %arg7[%dma_wait3A_137, %dma_wait3A_138, %dma_wait3A_139] : memref<2x128x128xf32, #tpu.memory_space<vmem>> -> memref<1x128x128xf32, #tpu.memory_space<vmem>>
        %dma_wait3A_141 = tpu.memref_squeeze %dma_wait3A_140 : memref<1x128x128xf32, #tpu.memory_space<vmem>> -> memref<128x128xf32, #tpu.memory_space<vmem>>
        %dma_wait3A_142 = arith.constant 0 : i32
        %dma_wait3A_143 = tpu.memref_slice %arg2[%mul3A_136, %dma_wait3A_142] : memref<327680x128xf32, #tpu.memory_space<hbm>> -> memref<128x128xf32, #tpu.memory_space<hbm>>
        %dma_wait3A_144 = arith.constant 0 : i32
        %dma_wait3A_145 = arith.constant 0 : i32
        %dma_wait3A_146 = tpu.memref_slice %arg7[%dma_wait3A_137, %dma_wait3A_144, %dma_wait3A_145] : memref<2x128x128xf32, #tpu.memory_space<vmem>> -> memref<1x128x128xf32, #tpu.memory_space<vmem>>
        %dma_wait3A_147 = tpu.memref_squeeze %dma_wait3A_146 : memref<1x128x128xf32, #tpu.memory_space<vmem>> -> memref<128x128xf32, #tpu.memory_space<vmem>>
        %dma_wait3A_148 = arith.constant 0 : i32
        %dma_wait3A_149 = tpu.memref_slice %arg2[%mul3A_136, %dma_wait3A_148] : memref<327680x128xf32, #tpu.memory_space<hbm>> -> memref<128x128xf32, #tpu.memory_space<hbm>>
        tpu.wait_dma2 semaphore(%arg10 : memref<!tpu.dma_semaphore, #tpu.memory_space<semaphore_mem>>) src(%dma_wait3A_149 : memref<128x128xf32, #tpu.memory_space<hbm>>) dst(%dma_wait3A_147 : memref<128x128xf32, #tpu.memory_space<vmem>>)
        %mul3A_150 = arith.constant 128 : i32
        %mul3A_151 = arith.muli %sub3A_91, %mul3A_150 : i32
        %dma_start3A_152 = arith.constant 1 : i32
        %dma_start3A_153 = arith.constant 0 : i32
        %dma_start3A_154 = arith.constant 0 : i32
        %dma_start3A_155 = tpu.memref_slice %arg7[%dma_start3A_152, %dma_start3A_153, %dma_start3A_154] : memref<2x128x128xf32, #tpu.memory_space<vmem>> -> memref<1x128x128xf32, #tpu.memory_space<vmem>>
        %dma_start3A_156 = tpu.memref_squeeze %dma_start3A_155 : memref<1x128x128xf32, #tpu.memory_space<vmem>> -> memref<128x128xf32, #tpu.memory_space<vmem>>
        %dma_start3A_157 = tpu.memref_slice %arg6[%mul3A_151] : memref<10240xi32, #tpu.memory_space<vmem>> -> memref<128xi32, #tpu.memory_space<vmem>>
        %dma_start3A_158 = arith.constant 0 : i32
        %dma_start3A_159 = arith.constant 0 : i32
        %dma_start3A_160 = tpu.memref_slice %arg8[%dma_start3A_158, %dma_start3A_159] : memref<10240x128xf32, #tpu.memory_space<vmem_shared>> -> memref<10240x128xf32, #tpu.memory_space<vmem_shared>>
        tpu.enqueue_indirect_dma source(%dma_start3A_156 : memref<128x128xf32, #tpu.memory_space<vmem>>) target(%dma_start3A_160 : memref<10240x128xf32, #tpu.memory_space<vmem_shared>>) offsets(%dma_start3A_157 : memref<128xi32, #tpu.memory_space<vmem>>) semaphore(%arg12 : memref<!tpu.dma_semaphore, #tpu.memory_space<semaphore_mem>>) {add = true}
      } else {
      }
      %mul3A_97 = arith.constant 2 : i32
      %mul3A_98 = arith.muli %mul3A_97, %scan3A_65 : i32
      %add3A_99 = arith.constant 1 : i32
      %add3A_100 = arith.addi %mul3A_98, %add3A_99 : i32
      %ge3A_101 = arith.constant 2 : i32
      %ge3A_102 = arith.cmpi sge, %add3A_100, %ge3A_101 : i32
      %convert_element_type3A_103 = arith.extui %ge3A_102 : i1 to i32
      %cond3A_104 = arith.constant 0 : i32
      %cond3A_105 = arith.cmpi ne, %convert_element_type3A_103, %cond3A_104 : i32
      scf.if %cond3A_105 {
        %sub3A_132 = arith.constant 2 : i32
        %sub3A_133 = arith.subi %add3A_100, %sub3A_132 : i32
        %mul3A_134 = arith.constant 128 : i32
        %mul3A_135 = arith.muli %sub3A_133, %mul3A_134 : i32
        %dma_wait3A_136 = arith.constant 1 : i32
        %dma_wait3A_137 = arith.constant 0 : i32
        %dma_wait3A_138 = arith.constant 0 : i32
        %dma_wait3A_139 = tpu.memref_slice %arg7[%dma_wait3A_136, %dma_wait3A_137, %dma_wait3A_138] : memref<2x128x128xf32, #tpu.memory_space<vmem>> -> memref<1x128x128xf32, #tpu.memory_space<vmem>>
        %dma_wait3A_140 = tpu.memref_squeeze %dma_wait3A_139 : memref<1x128x128xf32, #tpu.memory_space<vmem>> -> memref<128x128xf32, #tpu.memory_space<vmem>>
        %dma_wait3A_141 = tpu.memref_slice %arg6[%mul3A_135] : memref<10240xi32, #tpu.memory_space<vmem>> -> memref<128xi32, #tpu.memory_space<vmem>>
        %dma_wait3A_142 = arith.constant 0 : i32
        %dma_wait3A_143 = arith.constant 0 : i32
        %dma_wait3A_144 = tpu.memref_slice %arg8[%dma_wait3A_142, %dma_wait3A_143] : memref<10240x128xf32, #tpu.memory_space<vmem_shared>> -> memref<10240x128xf32, #tpu.memory_space<vmem_shared>>
        tpu.wait_indirect_dma semaphore(%arg12 : memref<!tpu.dma_semaphore, #tpu.memory_space<semaphore_mem>>) src(%dma_wait3A_140 : memref<128x128xf32, #tpu.memory_space<vmem>>) dst(%dma_wait3A_144 : memref<10240x128xf32, #tpu.memory_space<vmem_shared>>)
      } else {
      }
      %mul3A_106 = arith.constant 80 : i32
      %mul3A_107 = arith.muli %add3A, %mul3A_106 : i32
      %add3A_108 = arith.addi %mul3A_107, %add3A_100 : i32
      %mul3A_109 = arith.constant 128 : i32
      %mul3A_110 = arith.muli %add3A_108, %mul3A_109 : i32
      %dma_start3A_111 = arith.constant 1 : i32
      %dma_start3A_112 = arith.constant 0 : i32
      %dma_start3A_113 = arith.constant 0 : i32
      %dma_start3A_114 = tpu.memref_slice %arg7[%dma_start3A_111, %dma_start3A_112, %dma_start3A_113] : memref<2x128x128xf32, #tpu.memory_space<vmem>> -> memref<1x128x128xf32, #tpu.memory_space<vmem>>
      %dma_start3A_115 = tpu.memref_squeeze %dma_start3A_114 : memref<1x128x128xf32, #tpu.memory_space<vmem>> -> memref<128x128xf32, #tpu.memory_space<vmem>>
      %dma_start3A_116 = arith.constant 0 : i32
      %dma_start3A_117 = tpu.memref_slice %arg2[%mul3A_110, %dma_start3A_116] : memref<327680x128xf32, #tpu.memory_space<hbm>> -> memref<128x128xf32, #tpu.memory_space<hbm>>
      %dma_start3A_118 = arith.constant 0 : i32
      %dma_start3A_119 = arith.constant 0 : i32
      %dma_start3A_120 = tpu.memref_slice %arg7[%dma_start3A_111, %dma_start3A_118, %dma_start3A_119] : memref<2x128x128xf32, #tpu.memory_space<vmem>> -> memref<1x128x128xf32, #tpu.memory_space<vmem>>
      %dma_start3A_121 = tpu.memref_squeeze %dma_start3A_120 : memref<1x128x128xf32, #tpu.memory_space<vmem>> -> memref<128x128xf32, #tpu.memory_space<vmem>>
      %dma_start3A_122 = arith.constant 0 : i32
      %dma_start3A_123 = tpu.memref_slice %arg2[%mul3A_110, %dma_start3A_122] : memref<327680x128xf32, #tpu.memory_space<hbm>> -> memref<128x128xf32, #tpu.memory_space<hbm>>
      tpu.enqueue_dma source(%dma_start3A_123 : memref<128x128xf32, #tpu.memory_space<hbm>>) target(%dma_start3A_121 : memref<128x128xf32, #tpu.memory_space<vmem>>) target_semaphore(%arg10 : memref<!tpu.dma_semaphore, #tpu.memory_space<semaphore_mem>>)
      %sub3A_124 = arith.constant 1 : i32
      %sub3A_125 = arith.subi %add3A_100, %sub3A_124 : i32
      %ge3A_126 = arith.constant 0 : i32
      %ge3A_127 = arith.cmpi sge, %sub3A_125, %ge3A_126 : i32
      %convert_element_type3A_128 = arith.extui %ge3A_127 : i1 to i32
      %cond3A_129 = arith.constant 0 : i32
      %cond3A_130 = arith.cmpi ne, %convert_element_type3A_128, %cond3A_129 : i32
      scf.if %cond3A_130 {
        %mul3A_132 = arith.constant 80 : i32
        %mul3A_133 = arith.muli %add3A, %mul3A_132 : i32
        %add3A_134 = arith.addi %mul3A_133, %sub3A_125 : i32
        %mul3A_135 = arith.constant 128 : i32
        %mul3A_136 = arith.muli %add3A_134, %mul3A_135 : i32
        %dma_wait3A_137 = arith.constant 0 : i32
        %dma_wait3A_138 = arith.constant 0 : i32
        %dma_wait3A_139 = arith.constant 0 : i32
        %dma_wait3A_140 = tpu.memref_slice %arg7[%dma_wait3A_137, %dma_wait3A_138, %dma_wait3A_139] : memref<2x128x128xf32, #tpu.memory_space<vmem>> -> memref<1x128x128xf32, #tpu.memory_space<vmem>>
        %dma_wait3A_141 = tpu.memref_squeeze %dma_wait3A_140 : memref<1x128x128xf32, #tpu.memory_space<vmem>> -> memref<128x128xf32, #tpu.memory_space<vmem>>
        %dma_wait3A_142 = arith.constant 0 : i32
        %dma_wait3A_143 = tpu.memref_slice %arg2[%mul3A_136, %dma_wait3A_142] : memref<327680x128xf32, #tpu.memory_space<hbm>> -> memref<128x128xf32, #tpu.memory_space<hbm>>
        %dma_wait3A_144 = arith.constant 0 : i32
        %dma_wait3A_145 = arith.constant 0 : i32
        %dma_wait3A_146 = tpu.memref_slice %arg7[%dma_wait3A_137, %dma_wait3A_144, %dma_wait3A_145] : memref<2x128x128xf32, #tpu.memory_space<vmem>> -> memref<1x128x128xf32, #tpu.memory_space<vmem>>
        %dma_wait3A_147 = tpu.memref_squeeze %dma_wait3A_146 : memref<1x128x128xf32, #tpu.memory_space<vmem>> -> memref<128x128xf32, #tpu.memory_space<vmem>>
        %dma_wait3A_148 = arith.constant 0 : i32
        %dma_wait3A_149 = tpu.memref_slice %arg2[%mul3A_136, %dma_wait3A_148] : memref<327680x128xf32, #tpu.memory_space<hbm>> -> memref<128x128xf32, #tpu.memory_space<hbm>>
        tpu.wait_dma2 semaphore(%arg9 : memref<!tpu.dma_semaphore, #tpu.memory_space<semaphore_mem>>) src(%dma_wait3A_149 : memref<128x128xf32, #tpu.memory_space<hbm>>) dst(%dma_wait3A_147 : memref<128x128xf32, #tpu.memory_space<vmem>>)
        %mul3A_150 = arith.constant 128 : i32
        %mul3A_151 = arith.muli %sub3A_125, %mul3A_150 : i32
        %dma_start3A_152 = arith.constant 0 : i32
        %dma_start3A_153 = arith.constant 0 : i32
        %dma_start3A_154 = arith.constant 0 : i32
        %dma_start3A_155 = tpu.memref_slice %arg7[%dma_start3A_152, %dma_start3A_153, %dma_start3A_154] : memref<2x128x128xf32, #tpu.memory_space<vmem>> -> memref<1x128x128xf32, #tpu.memory_space<vmem>>
        %dma_start3A_156 = tpu.memref_squeeze %dma_start3A_155 : memref<1x128x128xf32, #tpu.memory_space<vmem>> -> memref<128x128xf32, #tpu.memory_space<vmem>>
        %dma_start3A_157 = tpu.memref_slice %arg6[%mul3A_151] : memref<10240xi32, #tpu.memory_space<vmem>> -> memref<128xi32, #tpu.memory_space<vmem>>
        %dma_start3A_158 = arith.constant 0 : i32
        %dma_start3A_159 = arith.constant 0 : i32
        %dma_start3A_160 = tpu.memref_slice %arg8[%dma_start3A_158, %dma_start3A_159] : memref<10240x128xf32, #tpu.memory_space<vmem_shared>> -> memref<10240x128xf32, #tpu.memory_space<vmem_shared>>
        tpu.enqueue_indirect_dma source(%dma_start3A_156 : memref<128x128xf32, #tpu.memory_space<vmem>>) target(%dma_start3A_160 : memref<10240x128xf32, #tpu.memory_space<vmem_shared>>) offsets(%dma_start3A_157 : memref<128xi32, #tpu.memory_space<vmem>>) semaphore(%arg11 : memref<!tpu.dma_semaphore, #tpu.memory_space<semaphore_mem>>) {add = true}
      } else {
      }
      %scan3A_131 = arith.constant 0 : i32
      scf.yield %scan3A_131 : i32
    }
    %scan3A_12 = arith.constant 40 : i32
    %mul3A_13 = arith.constant 80 : i32
    %mul3A_14 = arith.muli %add3A, %mul3A_13 : i32
    %add3A_15 = arith.constant 79 : i32
    %add3A_16 = arith.addi %mul3A_14, %add3A_15 : i32
    %mul3A_17 = arith.constant 128 : i32
    %mul3A_18 = arith.muli %add3A_16, %mul3A_17 : i32
    %dma_wait3A = arith.constant 1 : i32
    %dma_wait3A_19 = arith.constant 0 : i32
    %dma_wait3A_20 = arith.constant 0 : i32
    %dma_wait3A_21 = tpu.memref_slice %arg7[%dma_wait3A, %dma_wait3A_19, %dma_wait3A_20] : memref<2x128x128xf32, #tpu.memory_space<vmem>> -> memref<1x128x128xf32, #tpu.memory_space<vmem>>
    %dma_wait3A_22 = tpu.memref_squeeze %dma_wait3A_21 : memref<1x128x128xf32, #tpu.memory_space<vmem>> -> memref<128x128xf32, #tpu.memory_space<vmem>>
    %dma_wait3A_23 = arith.constant 0 : i32
    %dma_wait3A_24 = tpu.memref_slice %arg2[%mul3A_18, %dma_wait3A_23] : memref<327680x128xf32, #tpu.memory_space<hbm>> -> memref<128x128xf32, #tpu.memory_space<hbm>>
    %dma_wait3A_25 = arith.constant 0 : i32
    %dma_wait3A_26 = arith.constant 0 : i32
    %dma_wait3A_27 = tpu.memref_slice %arg7[%dma_wait3A, %dma_wait3A_25, %dma_wait3A_26] : memref<2x128x128xf32, #tpu.memory_space<vmem>> -> memref<1x128x128xf32, #tpu.memory_space<vmem>>
    %dma_wait3A_28 = tpu.memref_squeeze %dma_wait3A_27 : memref<1x128x128xf32, #tpu.memory_space<vmem>> -> memref<128x128xf32, #tpu.memory_space<vmem>>
    %dma_wait3A_29 = arith.constant 0 : i32
    %dma_wait3A_30 = tpu.memref_slice %arg2[%mul3A_18, %dma_wait3A_29] : memref<327680x128xf32, #tpu.memory_space<hbm>> -> memref<128x128xf32, #tpu.memory_space<hbm>>
    tpu.wait_dma2 semaphore(%arg10 : memref<!tpu.dma_semaphore, #tpu.memory_space<semaphore_mem>>) src(%dma_wait3A_30 : memref<128x128xf32, #tpu.memory_space<hbm>>) dst(%dma_wait3A_28 : memref<128x128xf32, #tpu.memory_space<vmem>>)
    %dma_start3A = arith.constant 1 : i32
    %dma_start3A_31 = arith.constant 0 : i32
    %dma_start3A_32 = arith.constant 0 : i32
    %dma_start3A_33 = tpu.memref_slice %arg7[%dma_start3A, %dma_start3A_31, %dma_start3A_32] : memref<2x128x128xf32, #tpu.memory_space<vmem>> -> memref<1x128x128xf32, #tpu.memory_space<vmem>>
    %dma_start3A_34 = tpu.memref_squeeze %dma_start3A_33 : memref<1x128x128xf32, #tpu.memory_space<vmem>> -> memref<128x128xf32, #tpu.memory_space<vmem>>
    %dma_start3A_35 = arith.constant 10112 : i32
    %dma_start3A_36 = tpu.memref_slice %arg6[%dma_start3A_35] : memref<10240xi32, #tpu.memory_space<vmem>> -> memref<128xi32, #tpu.memory_space<vmem>>
    %dma_start3A_37 = arith.constant 0 : i32
    %dma_start3A_38 = arith.constant 0 : i32
    %dma_start3A_39 = tpu.memref_slice %arg8[%dma_start3A_37, %dma_start3A_38] : memref<10240x128xf32, #tpu.memory_space<vmem_shared>> -> memref<10240x128xf32, #tpu.memory_space<vmem_shared>>
    tpu.enqueue_indirect_dma source(%dma_start3A_34 : memref<128x128xf32, #tpu.memory_space<vmem>>) target(%dma_start3A_39 : memref<10240x128xf32, #tpu.memory_space<vmem_shared>>) offsets(%dma_start3A_36 : memref<128xi32, #tpu.memory_space<vmem>>) semaphore(%arg12 : memref<!tpu.dma_semaphore, #tpu.memory_space<semaphore_mem>>) {add = true}
    %dma_wait3A_40 = arith.constant 0 : i32
    %dma_wait3A_41 = arith.constant 0 : i32
    %dma_wait3A_42 = arith.constant 0 : i32
    %dma_wait3A_43 = tpu.memref_slice %arg7[%dma_wait3A_40, %dma_wait3A_41, %dma_wait3A_42] : memref<2x128x128xf32, #tpu.memory_space<vmem>> -> memref<1x128x128xf32, #tpu.memory_space<vmem>>
    %dma_wait3A_44 = tpu.memref_squeeze %dma_wait3A_43 : memref<1x128x128xf32, #tpu.memory_space<vmem>> -> memref<128x128xf32, #tpu.memory_space<vmem>>
    %dma_wait3A_45 = arith.constant 9984 : i32
    %dma_wait3A_46 = tpu.memref_slice %arg6[%dma_wait3A_45] : memref<10240xi32, #tpu.memory_space<vmem>> -> memref<128xi32, #tpu.memory_space<vmem>>
    %dma_wait3A_47 = arith.constant 0 : i32
    %dma_wait3A_48 = arith.constant 0 : i32
    %dma_wait3A_49 = tpu.memref_slice %arg8[%dma_wait3A_47, %dma_wait3A_48] : memref<10240x128xf32, #tpu.memory_space<vmem_shared>> -> memref<10240x128xf32, #tpu.memory_space<vmem_shared>>
    tpu.wait_indirect_dma semaphore(%arg11 : memref<!tpu.dma_semaphore, #tpu.memory_space<semaphore_mem>>) src(%dma_wait3A_44 : memref<128x128xf32, #tpu.memory_space<vmem>>) dst(%dma_wait3A_49 : memref<10240x128xf32, #tpu.memory_space<vmem_shared>>)
    %dma_wait3A_50 = arith.constant 1 : i32
    %dma_wait3A_51 = arith.constant 0 : i32
    %dma_wait3A_52 = arith.constant 0 : i32
    %dma_wait3A_53 = tpu.memref_slice %arg7[%dma_wait3A_50, %dma_wait3A_51, %dma_wait3A_52] : memref<2x128x128xf32, #tpu.memory_space<vmem>> -> memref<1x128x128xf32, #tpu.memory_space<vmem>>
    %dma_wait3A_54 = tpu.memref_squeeze %dma_wait3A_53 : memref<1x128x128xf32, #tpu.memory_space<vmem>> -> memref<128x128xf32, #tpu.memory_space<vmem>>
    %dma_wait3A_55 = arith.constant 10112 : i32
    %dma_wait3A_56 = tpu.memref_slice %arg6[%dma_wait3A_55] : memref<10240xi32, #tpu.memory_space<vmem>> -> memref<128xi32, #tpu.memory_space<vmem>>
    %dma_wait3A_57 = arith.constant 0 : i32
    %dma_wait3A_58 = arith.constant 0 : i32
    %dma_wait3A_59 = tpu.memref_slice %arg8[%dma_wait3A_57, %dma_wait3A_58] : memref<10240x128xf32, #tpu.memory_space<vmem_shared>> -> memref<10240x128xf32, #tpu.memory_space<vmem_shared>>
    tpu.wait_indirect_dma semaphore(%arg12 : memref<!tpu.dma_semaphore, #tpu.memory_space<semaphore_mem>>) src(%dma_wait3A_54 : memref<128x128xf32, #tpu.memory_space<vmem>>) dst(%dma_wait3A_59 : memref<10240x128xf32, #tpu.memory_space<vmem_shared>>)
    %barrier3A_60 = arith.constant 0 : index
    tpu.barrier barrier_id(%barrier3A_60)
    %mul3A_61 = arith.constant 640 : i32
    %mul3A_62 = arith.muli %arg1, %mul3A_61 : i32
    %mul3A_63 = arith.constant 640 : i32
    %mul3A_64 = arith.muli %arg1, %mul3A_63 : i32
    "tpu.region"() ({
      %run_scoped3A = tpu.sem_alloc : memref<!tpu.dma_semaphore, #tpu.memory_space<semaphore_mem>>
      %dma_start3A_65 = arith.constant 0 : i32
      %dma_start3A_66 = tpu.memref_slice %arg5[%arg0, %mul3A_64, %dma_start3A_65] : memref<2x10240x128xf32, #tpu.memory_space<hbm>> -> memref<1x640x128xf32, #tpu.memory_space<hbm>>
      %dma_start3A_67 = tpu.memref_squeeze %dma_start3A_66 : memref<1x640x128xf32, #tpu.memory_space<hbm>> -> memref<640x128xf32, #tpu.memory_space<hbm>>
      %dma_start3A_68 = arith.constant 0 : i32
      %dma_start3A_69 = tpu.memref_slice %arg8[%mul3A_62, %dma_start3A_68] : memref<10240x128xf32, #tpu.memory_space<vmem_shared>> -> memref<640x128xf32, #tpu.memory_space<vmem_shared>>
      tpu.enqueue_dma source(%dma_start3A_69 : memref<640x128xf32, #tpu.memory_space<vmem_shared>>) target(%dma_start3A_67 : memref<640x128xf32, #tpu.memory_space<hbm>>) target_semaphore(%run_scoped3A : memref<!tpu.dma_semaphore, #tpu.memory_space<semaphore_mem>>)
      %dma_wait3A_70 = arith.constant 0 : i32
      %dma_wait3A_71 = tpu.memref_slice %arg5[%arg0, %mul3A_64, %dma_wait3A_70] : memref<2x10240x128xf32, #tpu.memory_space<hbm>> -> memref<1x640x128xf32, #tpu.memory_space<hbm>>
      %dma_wait3A_72 = tpu.memref_squeeze %dma_wait3A_71 : memref<1x640x128xf32, #tpu.memory_space<hbm>> -> memref<640x128xf32, #tpu.memory_space<hbm>>
      %dma_wait3A_73 = arith.constant 0 : i32
      %dma_wait3A_74 = tpu.memref_slice %arg8[%mul3A_62, %dma_wait3A_73] : memref<10240x128xf32, #tpu.memory_space<vmem_shared>> -> memref<640x128xf32, #tpu.memory_space<vmem_shared>>
      tpu.wait_dma2 semaphore(%run_scoped3A : memref<!tpu.dma_semaphore, #tpu.memory_space<semaphore_mem>>) src(%dma_wait3A_74 : memref<640x128xf32, #tpu.memory_space<vmem_shared>>) dst(%dma_wait3A_72 : memref<640x128xf32, #tpu.memory_space<hbm>>)
      tpu.yield
    }) : () -> ()
    return
  }
}

#map = affine_map<(d0, d1) -> (0, 0, 0)>
#map1 = affine_map<(d0, d1) -> (0)>
#map2 = affine_map<(d0, d1) -> (0, 0)>
module attributes {stable_mosaic.version = 14 : i64} {
  func.func @body(%arg0: i32, %arg1: i32, %arg2: memref<4x10240x128xf32, #tpu.memory_space<hbm>>, %arg3: memref<81920xi32, #tpu.memory_space<hbm>>, %arg4: memref<81920xi32, #tpu.memory_space<hbm>>, %arg5: memref<81920x128xf32, #tpu.memory_space<hbm>>, %arg6: memref<81920x128xf32, #tpu.memory_space<hbm>>, %arg7: memref<2560xi32, #tpu.memory_space<vmem>>, %arg8: memref<2x128x128xf32, #tpu.memory_space<vmem>>, %arg9: memref<10240x128xf32, #tpu.memory_space<vmem_shared>>, %arg10: memref<!tpu.dma_semaphore, #tpu.memory_space<semaphore_mem>>, %arg11: memref<!tpu.dma_semaphore, #tpu.memory_space<semaphore_mem>>, %arg12: memref<!tpu.dma_semaphore, #tpu.memory_space<semaphore_mem>>, %arg13: memref<!tpu.dma_semaphore, #tpu.memory_space<semaphore_mem>>) attributes {dimension_semantics = [#tpu.dimension_semantics<core_parallel>, #tpu.dimension_semantics<subcore_parallel>], iteration_bounds = array<i64: 2, 16>, scalar_prefetch = 0 : i64, scratch_operands = 7 : i64, tpu.core_type = #tpu.core_type<sc_vector_subcore>, window_params = [{transform_indices = #map}, {transform_indices = #map1}, {transform_indices = #map1}, {transform_indices = #map2}, {transform_indices = #map2}]} {
    %mul3A = arith.constant 2 : i32
    %mul3A_0 = arith.muli %arg1, %mul3A : i32
    %add3A = arith.addi %mul3A_0, %arg0 : i32
    %mul3A_1 = arith.constant 640 : i32
    %mul3A_2 = arith.muli %arg1, %mul3A_1 : i32
    %mul3A_3 = arith.constant 640 : i32
    %mul3A_4 = arith.muli %arg1, %mul3A_3 : i32
    %run_scoped3A = arith.constant 2 : i32
    "tpu.region"() ({
      %run_scoped3A_177 = tpu.sem_alloc : memref<!tpu.dma_semaphore, #tpu.memory_space<semaphore_mem>>
      %dma_start3A_178 = arith.constant 0 : i32
      %dma_start3A_179 = tpu.memref_slice %arg9[%mul3A_4, %dma_start3A_178] : memref<10240x128xf32, #tpu.memory_space<vmem_shared>> -> memref<640x128xf32, #tpu.memory_space<vmem_shared>>
      %dma_start3A_180 = arith.constant 0 : i32
      %dma_start3A_181 = tpu.memref_slice %arg2[%run_scoped3A, %mul3A_2, %dma_start3A_180] : memref<4x10240x128xf32, #tpu.memory_space<hbm>> -> memref<1x640x128xf32, #tpu.memory_space<hbm>>
      %dma_start3A_182 = tpu.memref_squeeze %dma_start3A_181 : memref<1x640x128xf32, #tpu.memory_space<hbm>> -> memref<640x128xf32, #tpu.memory_space<hbm>>
      tpu.enqueue_dma source(%dma_start3A_182 : memref<640x128xf32, #tpu.memory_space<hbm>>) target(%dma_start3A_179 : memref<640x128xf32, #tpu.memory_space<vmem_shared>>) target_semaphore(%run_scoped3A_177 : memref<!tpu.dma_semaphore, #tpu.memory_space<semaphore_mem>>)
      %dma_wait3A_183 = arith.constant 0 : i32
      %dma_wait3A_184 = tpu.memref_slice %arg9[%mul3A_4, %dma_wait3A_183] : memref<10240x128xf32, #tpu.memory_space<vmem_shared>> -> memref<640x128xf32, #tpu.memory_space<vmem_shared>>
      %dma_wait3A_185 = arith.constant 0 : i32
      %dma_wait3A_186 = tpu.memref_slice %arg2[%run_scoped3A, %mul3A_2, %dma_wait3A_185] : memref<4x10240x128xf32, #tpu.memory_space<hbm>> -> memref<1x640x128xf32, #tpu.memory_space<hbm>>
      %dma_wait3A_187 = tpu.memref_squeeze %dma_wait3A_186 : memref<1x640x128xf32, #tpu.memory_space<hbm>> -> memref<640x128xf32, #tpu.memory_space<hbm>>
      tpu.wait_dma2 semaphore(%run_scoped3A_177 : memref<!tpu.dma_semaphore, #tpu.memory_space<semaphore_mem>>) src(%dma_wait3A_187 : memref<640x128xf32, #tpu.memory_space<hbm>>) dst(%dma_wait3A_184 : memref<640x128xf32, #tpu.memory_space<vmem_shared>>)
      tpu.yield
    }) : () -> ()
    %mul3A_5 = arith.constant 2560 : i32
    %mul3A_6 = arith.muli %add3A, %mul3A_5 : i32
    "tpu.region"() ({
      %run_scoped3A_177 = tpu.sem_alloc : memref<!tpu.dma_semaphore, #tpu.memory_space<semaphore_mem>>
      %dma_start3A_178 = tpu.memref_slice %arg3[%mul3A_6] : memref<81920xi32, #tpu.memory_space<hbm>> -> memref<2560xi32, #tpu.memory_space<hbm>>
      %dma_start3A_179 = tpu.memref_slice %arg3[%mul3A_6] : memref<81920xi32, #tpu.memory_space<hbm>> -> memref<2560xi32, #tpu.memory_space<hbm>>
      tpu.enqueue_dma source(%dma_start3A_179 : memref<2560xi32, #tpu.memory_space<hbm>>) target(%arg7 : memref<2560xi32, #tpu.memory_space<vmem>>) target_semaphore(%run_scoped3A_177 : memref<!tpu.dma_semaphore, #tpu.memory_space<semaphore_mem>>)
      %dma_wait3A_180 = tpu.memref_slice %arg3[%mul3A_6] : memref<81920xi32, #tpu.memory_space<hbm>> -> memref<2560xi32, #tpu.memory_space<hbm>>
      %dma_wait3A_181 = tpu.memref_slice %arg3[%mul3A_6] : memref<81920xi32, #tpu.memory_space<hbm>> -> memref<2560xi32, #tpu.memory_space<hbm>>
      tpu.wait_dma2 semaphore(%run_scoped3A_177 : memref<!tpu.dma_semaphore, #tpu.memory_space<semaphore_mem>>) src(%dma_wait3A_181 : memref<2560xi32, #tpu.memory_space<hbm>>) dst(%arg7 : memref<2560xi32, #tpu.memory_space<vmem>>)
      tpu.yield
    }) : () -> ()
    %barrier3A = arith.constant 0 : index
    tpu.barrier barrier_id(%barrier3A)
    %scan3A = arith.constant 0 : i32
    %scan3A_7 = arith.constant 0 : i32
    %scan3A_8 = arith.constant 10 : i32
    %scan3A_9 = arith.addi %scan3A_7, %scan3A_8 : i32
    %scan3A_10 = arith.constant 1 : i32
    %scan3A_11 = scf.for %scan3A_177 = %scan3A_7 to %scan3A_9 step %scan3A_10 iter_args(%scan3A_178 = %scan3A) -> (i32)  : i32 {
      %mul3A_179 = arith.constant 2 : i32
      %mul3A_180 = arith.muli %mul3A_179, %scan3A_177 : i32
      %add3A_181 = arith.constant 0 : i32
      %add3A_182 = arith.addi %mul3A_180, %add3A_181 : i32
      %ge3A = arith.constant 2 : i32
      %ge3A_183 = arith.cmpi sge, %add3A_182, %ge3A : i32
      %convert_element_type3A = arith.extui %ge3A_183 : i1 to i32
      %cond3A = arith.constant 0 : i32
      %cond3A_184 = arith.cmpi ne, %convert_element_type3A, %cond3A : i32
      scf.if %cond3A_184 {
        %mul3A_231 = arith.constant 20 : i32
        %mul3A_232 = arith.muli %add3A, %mul3A_231 : i32
        %add3A_233 = arith.addi %mul3A_232, %add3A_182 : i32
        %sub3A_234 = arith.constant 2 : i32
        %sub3A_235 = arith.subi %add3A_233, %sub3A_234 : i32
        %mul3A_236 = arith.constant 128 : i32
        %mul3A_237 = arith.muli %sub3A_235, %mul3A_236 : i32
        %dma_wait3A_238 = arith.constant 0 : i32
        %dma_wait3A_239 = arith.constant 0 : i32
        %dma_wait3A_240 = arith.constant 0 : i32
        %dma_wait3A_241 = tpu.memref_slice %arg8[%dma_wait3A_238, %dma_wait3A_239, %dma_wait3A_240] : memref<2x128x128xf32, #tpu.memory_space<vmem>> -> memref<1x128x128xf32, #tpu.memory_space<vmem>>
        %dma_wait3A_242 = tpu.memref_squeeze %dma_wait3A_241 : memref<1x128x128xf32, #tpu.memory_space<vmem>> -> memref<128x128xf32, #tpu.memory_space<vmem>>
        %dma_wait3A_243 = arith.constant 0 : i32
        %dma_wait3A_244 = tpu.memref_slice %arg5[%mul3A_237, %dma_wait3A_243] : memref<81920x128xf32, #tpu.memory_space<hbm>> -> memref<128x128xf32, #tpu.memory_space<hbm>>
        %dma_wait3A_245 = arith.constant 0 : i32
        %dma_wait3A_246 = tpu.memref_slice %arg5[%mul3A_237, %dma_wait3A_245] : memref<81920x128xf32, #tpu.memory_space<hbm>> -> memref<128x128xf32, #tpu.memory_space<hbm>>
        %dma_wait3A_247 = arith.constant 0 : i32
        %dma_wait3A_248 = arith.constant 0 : i32
        %dma_wait3A_249 = tpu.memref_slice %arg8[%dma_wait3A_238, %dma_wait3A_247, %dma_wait3A_248] : memref<2x128x128xf32, #tpu.memory_space<vmem>> -> memref<1x128x128xf32, #tpu.memory_space<vmem>>
        %dma_wait3A_250 = tpu.memref_squeeze %dma_wait3A_249 : memref<1x128x128xf32, #tpu.memory_space<vmem>> -> memref<128x128xf32, #tpu.memory_space<vmem>>
        tpu.wait_dma2 semaphore(%arg12 : memref<!tpu.dma_semaphore, #tpu.memory_space<semaphore_mem>>) src(%dma_wait3A_250 : memref<128x128xf32, #tpu.memory_space<vmem>>) dst(%dma_wait3A_246 : memref<128x128xf32, #tpu.memory_space<hbm>>)
      } else {
      }
      %mul3A_185 = arith.constant 128 : i32
      %mul3A_186 = arith.muli %add3A_182, %mul3A_185 : i32
      %dma_start3A_187 = arith.constant 0 : i32
      %dma_start3A_188 = arith.constant 0 : i32
      %dma_start3A_189 = arith.constant 0 : i32
      %dma_start3A_190 = tpu.memref_slice %arg8[%dma_start3A_187, %dma_start3A_188, %dma_start3A_189] : memref<2x128x128xf32, #tpu.memory_space<vmem>> -> memref<1x128x128xf32, #tpu.memory_space<vmem>>
      %dma_start3A_191 = tpu.memref_squeeze %dma_start3A_190 : memref<1x128x128xf32, #tpu.memory_space<vmem>> -> memref<128x128xf32, #tpu.memory_space<vmem>>
      %dma_start3A_192 = tpu.memref_slice %arg7[%mul3A_186] : memref<2560xi32, #tpu.memory_space<vmem>> -> memref<128xi32, #tpu.memory_space<vmem>>
      %dma_start3A_193 = arith.constant 0 : i32
      %dma_start3A_194 = arith.constant 0 : i32
      %dma_start3A_195 = tpu.memref_slice %arg9[%dma_start3A_193, %dma_start3A_194] : memref<10240x128xf32, #tpu.memory_space<vmem_shared>> -> memref<10240x128xf32, #tpu.memory_space<vmem_shared>>
      tpu.enqueue_indirect_dma source(%dma_start3A_195 : memref<10240x128xf32, #tpu.memory_space<vmem_shared>>) target(%dma_start3A_191 : memref<128x128xf32, #tpu.memory_space<vmem>>) offsets(%dma_start3A_192 : memref<128xi32, #tpu.memory_space<vmem>>) semaphore(%arg10 : memref<!tpu.dma_semaphore, #tpu.memory_space<semaphore_mem>>)
      %sub3A_196 = arith.constant 1 : i32
      %sub3A_197 = arith.subi %add3A_182, %sub3A_196 : i32
      %ge3A_198 = arith.constant 0 : i32
      %ge3A_199 = arith.cmpi sge, %sub3A_197, %ge3A_198 : i32
      %convert_element_type3A_200 = arith.extui %ge3A_199 : i1 to i32
      %cond3A_201 = arith.constant 0 : i32
      %cond3A_202 = arith.cmpi ne, %convert_element_type3A_200, %cond3A_201 : i32
      scf.if %cond3A_202 {
        %mul3A_231 = arith.constant 128 : i32
        %mul3A_232 = arith.muli %sub3A_197, %mul3A_231 : i32
        %dma_wait3A_233 = arith.constant 1 : i32
        %dma_wait3A_234 = arith.constant 0 : i32
        %dma_wait3A_235 = arith.constant 0 : i32
        %dma_wait3A_236 = tpu.memref_slice %arg8[%dma_wait3A_233, %dma_wait3A_234, %dma_wait3A_235] : memref<2x128x128xf32, #tpu.memory_space<vmem>> -> memref<1x128x128xf32, #tpu.memory_space<vmem>>
        %dma_wait3A_237 = tpu.memref_squeeze %dma_wait3A_236 : memref<1x128x128xf32, #tpu.memory_space<vmem>> -> memref<128x128xf32, #tpu.memory_space<vmem>>
        %dma_wait3A_238 = tpu.memref_slice %arg7[%mul3A_232] : memref<2560xi32, #tpu.memory_space<vmem>> -> memref<128xi32, #tpu.memory_space<vmem>>
        %dma_wait3A_239 = arith.constant 0 : i32
        %dma_wait3A_240 = arith.constant 0 : i32
        %dma_wait3A_241 = tpu.memref_slice %arg9[%dma_wait3A_239, %dma_wait3A_240] : memref<10240x128xf32, #tpu.memory_space<vmem_shared>> -> memref<10240x128xf32, #tpu.memory_space<vmem_shared>>
        tpu.wait_indirect_dma semaphore(%arg11 : memref<!tpu.dma_semaphore, #tpu.memory_space<semaphore_mem>>) src(%dma_wait3A_241 : memref<10240x128xf32, #tpu.memory_space<vmem_shared>>) dst(%dma_wait3A_237 : memref<128x128xf32, #tpu.memory_space<vmem>>)
        %mul3A_242 = arith.constant 20 : i32
        %mul3A_243 = arith.muli %add3A, %mul3A_242 : i32
        %add3A_244 = arith.addi %mul3A_243, %sub3A_197 : i32
        %mul3A_245 = arith.constant 128 : i32
        %mul3A_246 = arith.muli %add3A_244, %mul3A_245 : i32
        %dma_start3A_247 = arith.constant 1 : i32
        %dma_start3A_248 = arith.constant 0 : i32
        %dma_start3A_249 = arith.constant 0 : i32
        %dma_start3A_250 = tpu.memref_slice %arg8[%dma_start3A_247, %dma_start3A_248, %dma_start3A_249] : memref<2x128x128xf32, #tpu.memory_space<vmem>> -> memref<1x128x128xf32, #tpu.memory_space<vmem>>
        %dma_start3A_251 = tpu.memref_squeeze %dma_start3A_250 : memref<1x128x128xf32, #tpu.memory_space<vmem>> -> memref<128x128xf32, #tpu.memory_space<vmem>>
        %dma_start3A_252 = arith.constant 0 : i32
        %dma_start3A_253 = tpu.memref_slice %arg5[%mul3A_246, %dma_start3A_252] : memref<81920x128xf32, #tpu.memory_space<hbm>> -> memref<128x128xf32, #tpu.memory_space<hbm>>
        %dma_start3A_254 = arith.constant 0 : i32
        %dma_start3A_255 = tpu.memref_slice %arg5[%mul3A_246, %dma_start3A_254] : memref<81920x128xf32, #tpu.memory_space<hbm>> -> memref<128x128xf32, #tpu.memory_space<hbm>>
        %dma_start3A_256 = arith.constant 0 : i32
        %dma_start3A_257 = arith.constant 0 : i32
        %dma_start3A_258 = tpu.memref_slice %arg8[%dma_start3A_247, %dma_start3A_256, %dma_start3A_257] : memref<2x128x128xf32, #tpu.memory_space<vmem>> -> memref<1x128x128xf32, #tpu.memory_space<vmem>>
        %dma_start3A_259 = tpu.memref_squeeze %dma_start3A_258 : memref<1x128x128xf32, #tpu.memory_space<vmem>> -> memref<128x128xf32, #tpu.memory_space<vmem>>
        tpu.enqueue_dma source(%dma_start3A_259 : memref<128x128xf32, #tpu.memory_space<vmem>>) target(%dma_start3A_255 : memref<128x128xf32, #tpu.memory_space<hbm>>) target_semaphore(%arg13 : memref<!tpu.dma_semaphore, #tpu.memory_space<semaphore_mem>>)
      } else {
      }
      %mul3A_203 = arith.constant 2 : i32
      %mul3A_204 = arith.muli %mul3A_203, %scan3A_177 : i32
      %add3A_205 = arith.constant 1 : i32
      %add3A_206 = arith.addi %mul3A_204, %add3A_205 : i32
      %ge3A_207 = arith.constant 2 : i32
      %ge3A_208 = arith.cmpi sge, %add3A_206, %ge3A_207 : i32
      %convert_element_type3A_209 = arith.extui %ge3A_208 : i1 to i32
      %cond3A_210 = arith.constant 0 : i32
      %cond3A_211 = arith.cmpi ne, %convert_element_type3A_209, %cond3A_210 : i32
      scf.if %cond3A_211 {
        %mul3A_231 = arith.constant 20 : i32
        %mul3A_232 = arith.muli %add3A, %mul3A_231 : i32
        %add3A_233 = arith.addi %mul3A_232, %add3A_206 : i32
        %sub3A_234 = arith.constant 2 : i32
        %sub3A_235 = arith.subi %add3A_233, %sub3A_234 : i32
        %mul3A_236 = arith.constant 128 : i32
        %mul3A_237 = arith.muli %sub3A_235, %mul3A_236 : i32
        %dma_wait3A_238 = arith.constant 1 : i32
        %dma_wait3A_239 = arith.constant 0 : i32
        %dma_wait3A_240 = arith.constant 0 : i32
        %dma_wait3A_241 = tpu.memref_slice %arg8[%dma_wait3A_238, %dma_wait3A_239, %dma_wait3A_240] : memref<2x128x128xf32, #tpu.memory_space<vmem>> -> memref<1x128x128xf32, #tpu.memory_space<vmem>>
        %dma_wait3A_242 = tpu.memref_squeeze %dma_wait3A_241 : memref<1x128x128xf32, #tpu.memory_space<vmem>> -> memref<128x128xf32, #tpu.memory_space<vmem>>
        %dma_wait3A_243 = arith.constant 0 : i32
        %dma_wait3A_244 = tpu.memref_slice %arg5[%mul3A_237, %dma_wait3A_243] : memref<81920x128xf32, #tpu.memory_space<hbm>> -> memref<128x128xf32, #tpu.memory_space<hbm>>
        %dma_wait3A_245 = arith.constant 0 : i32
        %dma_wait3A_246 = tpu.memref_slice %arg5[%mul3A_237, %dma_wait3A_245] : memref<81920x128xf32, #tpu.memory_space<hbm>> -> memref<128x128xf32, #tpu.memory_space<hbm>>
        %dma_wait3A_247 = arith.constant 0 : i32
        %dma_wait3A_248 = arith.constant 0 : i32
        %dma_wait3A_249 = tpu.memref_slice %arg8[%dma_wait3A_238, %dma_wait3A_247, %dma_wait3A_248] : memref<2x128x128xf32, #tpu.memory_space<vmem>> -> memref<1x128x128xf32, #tpu.memory_space<vmem>>
        %dma_wait3A_250 = tpu.memref_squeeze %dma_wait3A_249 : memref<1x128x128xf32, #tpu.memory_space<vmem>> -> memref<128x128xf32, #tpu.memory_space<vmem>>
        tpu.wait_dma2 semaphore(%arg13 : memref<!tpu.dma_semaphore, #tpu.memory_space<semaphore_mem>>) src(%dma_wait3A_250 : memref<128x128xf32, #tpu.memory_space<vmem>>) dst(%dma_wait3A_246 : memref<128x128xf32, #tpu.memory_space<hbm>>)
      } else {
      }
      %mul3A_212 = arith.constant 128 : i32
      %mul3A_213 = arith.muli %add3A_206, %mul3A_212 : i32
      %dma_start3A_214 = arith.constant 1 : i32
      %dma_start3A_215 = arith.constant 0 : i32
      %dma_start3A_216 = arith.constant 0 : i32
      %dma_start3A_217 = tpu.memref_slice %arg8[%dma_start3A_214, %dma_start3A_215, %dma_start3A_216] : memref<2x128x128xf32, #tpu.memory_space<vmem>> -> memref<1x128x128xf32, #tpu.memory_space<vmem>>
      %dma_start3A_218 = tpu.memref_squeeze %dma_start3A_217 : memref<1x128x128xf32, #tpu.memory_space<vmem>> -> memref<128x128xf32, #tpu.memory_space<vmem>>
      %dma_start3A_219 = tpu.memref_slice %arg7[%mul3A_213] : memref<2560xi32, #tpu.memory_space<vmem>> -> memref<128xi32, #tpu.memory_space<vmem>>
      %dma_start3A_220 = arith.constant 0 : i32
      %dma_start3A_221 = arith.constant 0 : i32
      %dma_start3A_222 = tpu.memref_slice %arg9[%dma_start3A_220, %dma_start3A_221] : memref<10240x128xf32, #tpu.memory_space<vmem_shared>> -> memref<10240x128xf32, #tpu.memory_space<vmem_shared>>
      tpu.enqueue_indirect_dma source(%dma_start3A_222 : memref<10240x128xf32, #tpu.memory_space<vmem_shared>>) target(%dma_start3A_218 : memref<128x128xf32, #tpu.memory_space<vmem>>) offsets(%dma_start3A_219 : memref<128xi32, #tpu.memory_space<vmem>>) semaphore(%arg11 : memref<!tpu.dma_semaphore, #tpu.memory_space<semaphore_mem>>)
      %sub3A_223 = arith.constant 1 : i32
      %sub3A_224 = arith.subi %add3A_206, %sub3A_223 : i32
      %ge3A_225 = arith.constant 0 : i32
      %ge3A_226 = arith.cmpi sge, %sub3A_224, %ge3A_225 : i32
      %convert_element_type3A_227 = arith.extui %ge3A_226 : i1 to i32
      %cond3A_228 = arith.constant 0 : i32
      %cond3A_229 = arith.cmpi ne, %convert_element_type3A_227, %cond3A_228 : i32
      scf.if %cond3A_229 {
        %mul3A_231 = arith.constant 128 : i32
        %mul3A_232 = arith.muli %sub3A_224, %mul3A_231 : i32
        %dma_wait3A_233 = arith.constant 0 : i32
        %dma_wait3A_234 = arith.constant 0 : i32
        %dma_wait3A_235 = arith.constant 0 : i32
        %dma_wait3A_236 = tpu.memref_slice %arg8[%dma_wait3A_233, %dma_wait3A_234, %dma_wait3A_235] : memref<2x128x128xf32, #tpu.memory_space<vmem>> -> memref<1x128x128xf32, #tpu.memory_space<vmem>>
        %dma_wait3A_237 = tpu.memref_squeeze %dma_wait3A_236 : memref<1x128x128xf32, #tpu.memory_space<vmem>> -> memref<128x128xf32, #tpu.memory_space<vmem>>
        %dma_wait3A_238 = tpu.memref_slice %arg7[%mul3A_232] : memref<2560xi32, #tpu.memory_space<vmem>> -> memref<128xi32, #tpu.memory_space<vmem>>
        %dma_wait3A_239 = arith.constant 0 : i32
        %dma_wait3A_240 = arith.constant 0 : i32
        %dma_wait3A_241 = tpu.memref_slice %arg9[%dma_wait3A_239, %dma_wait3A_240] : memref<10240x128xf32, #tpu.memory_space<vmem_shared>> -> memref<10240x128xf32, #tpu.memory_space<vmem_shared>>
        tpu.wait_indirect_dma semaphore(%arg10 : memref<!tpu.dma_semaphore, #tpu.memory_space<semaphore_mem>>) src(%dma_wait3A_241 : memref<10240x128xf32, #tpu.memory_space<vmem_shared>>) dst(%dma_wait3A_237 : memref<128x128xf32, #tpu.memory_space<vmem>>)
        %mul3A_242 = arith.constant 20 : i32
        %mul3A_243 = arith.muli %add3A, %mul3A_242 : i32
        %add3A_244 = arith.addi %mul3A_243, %sub3A_224 : i32
        %mul3A_245 = arith.constant 128 : i32
        %mul3A_246 = arith.muli %add3A_244, %mul3A_245 : i32
        %dma_start3A_247 = arith.constant 0 : i32
        %dma_start3A_248 = arith.constant 0 : i32
        %dma_start3A_249 = arith.constant 0 : i32
        %dma_start3A_250 = tpu.memref_slice %arg8[%dma_start3A_247, %dma_start3A_248, %dma_start3A_249] : memref<2x128x128xf32, #tpu.memory_space<vmem>> -> memref<1x128x128xf32, #tpu.memory_space<vmem>>
        %dma_start3A_251 = tpu.memref_squeeze %dma_start3A_250 : memref<1x128x128xf32, #tpu.memory_space<vmem>> -> memref<128x128xf32, #tpu.memory_space<vmem>>
        %dma_start3A_252 = arith.constant 0 : i32
        %dma_start3A_253 = tpu.memref_slice %arg5[%mul3A_246, %dma_start3A_252] : memref<81920x128xf32, #tpu.memory_space<hbm>> -> memref<128x128xf32, #tpu.memory_space<hbm>>
        %dma_start3A_254 = arith.constant 0 : i32
        %dma_start3A_255 = tpu.memref_slice %arg5[%mul3A_246, %dma_start3A_254] : memref<81920x128xf32, #tpu.memory_space<hbm>> -> memref<128x128xf32, #tpu.memory_space<hbm>>
        %dma_start3A_256 = arith.constant 0 : i32
        %dma_start3A_257 = arith.constant 0 : i32
        %dma_start3A_258 = tpu.memref_slice %arg8[%dma_start3A_247, %dma_start3A_256, %dma_start3A_257] : memref<2x128x128xf32, #tpu.memory_space<vmem>> -> memref<1x128x128xf32, #tpu.memory_space<vmem>>
        %dma_start3A_259 = tpu.memref_squeeze %dma_start3A_258 : memref<1x128x128xf32, #tpu.memory_space<vmem>> -> memref<128x128xf32, #tpu.memory_space<vmem>>
        tpu.enqueue_dma source(%dma_start3A_259 : memref<128x128xf32, #tpu.memory_space<vmem>>) target(%dma_start3A_255 : memref<128x128xf32, #tpu.memory_space<hbm>>) target_semaphore(%arg12 : memref<!tpu.dma_semaphore, #tpu.memory_space<semaphore_mem>>)
      } else {
      }
      %scan3A_230 = arith.constant 0 : i32
      scf.yield %scan3A_230 : i32
    }
    %scan3A_12 = arith.constant 10 : i32
    %dma_wait3A = arith.constant 1 : i32
    %dma_wait3A_13 = arith.constant 0 : i32
    %dma_wait3A_14 = arith.constant 0 : i32
    %dma_wait3A_15 = tpu.memref_slice %arg8[%dma_wait3A, %dma_wait3A_13, %dma_wait3A_14] : memref<2x128x128xf32, #tpu.memory_space<vmem>> -> memref<1x128x128xf32, #tpu.memory_space<vmem>>
    %dma_wait3A_16 = tpu.memref_squeeze %dma_wait3A_15 : memref<1x128x128xf32, #tpu.memory_space<vmem>> -> memref<128x128xf32, #tpu.memory_space<vmem>>
    %dma_wait3A_17 = arith.constant 2432 : i32
    %dma_wait3A_18 = tpu.memref_slice %arg7[%dma_wait3A_17] : memref<2560xi32, #tpu.memory_space<vmem>> -> memref<128xi32, #tpu.memory_space<vmem>>
    %dma_wait3A_19 = arith.constant 0 : i32
    %dma_wait3A_20 = arith.constant 0 : i32
    %dma_wait3A_21 = tpu.memref_slice %arg9[%dma_wait3A_19, %dma_wait3A_20] : memref<10240x128xf32, #tpu.memory_space<vmem_shared>> -> memref<10240x128xf32, #tpu.memory_space<vmem_shared>>
    tpu.wait_indirect_dma semaphore(%arg11 : memref<!tpu.dma_semaphore, #tpu.memory_space<semaphore_mem>>) src(%dma_wait3A_21 : memref<10240x128xf32, #tpu.memory_space<vmem_shared>>) dst(%dma_wait3A_16 : memref<128x128xf32, #tpu.memory_space<vmem>>)
    %mul3A_22 = arith.constant 20 : i32
    %mul3A_23 = arith.muli %add3A, %mul3A_22 : i32
    %add3A_24 = arith.constant 19 : i32
    %add3A_25 = arith.addi %mul3A_23, %add3A_24 : i32
    %mul3A_26 = arith.constant 128 : i32
    %mul3A_27 = arith.muli %add3A_25, %mul3A_26 : i32
    %dma_start3A = arith.constant 1 : i32
    %dma_start3A_28 = arith.constant 0 : i32
    %dma_start3A_29 = arith.constant 0 : i32
    %dma_start3A_30 = tpu.memref_slice %arg8[%dma_start3A, %dma_start3A_28, %dma_start3A_29] : memref<2x128x128xf32, #tpu.memory_space<vmem>> -> memref<1x128x128xf32, #tpu.memory_space<vmem>>
    %dma_start3A_31 = tpu.memref_squeeze %dma_start3A_30 : memref<1x128x128xf32, #tpu.memory_space<vmem>> -> memref<128x128xf32, #tpu.memory_space<vmem>>
    %dma_start3A_32 = arith.constant 0 : i32
    %dma_start3A_33 = tpu.memref_slice %arg5[%mul3A_27, %dma_start3A_32] : memref<81920x128xf32, #tpu.memory_space<hbm>> -> memref<128x128xf32, #tpu.memory_space<hbm>>
    %dma_start3A_34 = arith.constant 0 : i32
    %dma_start3A_35 = tpu.memref_slice %arg5[%mul3A_27, %dma_start3A_34] : memref<81920x128xf32, #tpu.memory_space<hbm>> -> memref<128x128xf32, #tpu.memory_space<hbm>>
    %dma_start3A_36 = arith.constant 0 : i32
    %dma_start3A_37 = arith.constant 0 : i32
    %dma_start3A_38 = tpu.memref_slice %arg8[%dma_start3A, %dma_start3A_36, %dma_start3A_37] : memref<2x128x128xf32, #tpu.memory_space<vmem>> -> memref<1x128x128xf32, #tpu.memory_space<vmem>>
    %dma_start3A_39 = tpu.memref_squeeze %dma_start3A_38 : memref<1x128x128xf32, #tpu.memory_space<vmem>> -> memref<128x128xf32, #tpu.memory_space<vmem>>
    tpu.enqueue_dma source(%dma_start3A_39 : memref<128x128xf32, #tpu.memory_space<vmem>>) target(%dma_start3A_35 : memref<128x128xf32, #tpu.memory_space<hbm>>) target_semaphore(%arg13 : memref<!tpu.dma_semaphore, #tpu.memory_space<semaphore_mem>>)
    %mul3A_40 = arith.constant 20 : i32
    %mul3A_41 = arith.muli %add3A, %mul3A_40 : i32
    %add3A_42 = arith.constant 20 : i32
    %add3A_43 = arith.addi %mul3A_41, %add3A_42 : i32
    %sub3A = arith.constant 2 : i32
    %sub3A_44 = arith.subi %add3A_43, %sub3A : i32
    %add3A_45 = arith.constant 0 : i32
    %add3A_46 = arith.addi %sub3A_44, %add3A_45 : i32
    %mul3A_47 = arith.constant 128 : i32
    %mul3A_48 = arith.muli %add3A_46, %mul3A_47 : i32
    %dma_wait3A_49 = arith.constant 0 : i32
    %dma_wait3A_50 = arith.constant 0 : i32
    %dma_wait3A_51 = arith.constant 0 : i32
    %dma_wait3A_52 = tpu.memref_slice %arg8[%dma_wait3A_49, %dma_wait3A_50, %dma_wait3A_51] : memref<2x128x128xf32, #tpu.memory_space<vmem>> -> memref<1x128x128xf32, #tpu.memory_space<vmem>>
    %dma_wait3A_53 = tpu.memref_squeeze %dma_wait3A_52 : memref<1x128x128xf32, #tpu.memory_space<vmem>> -> memref<128x128xf32, #tpu.memory_space<vmem>>
    %dma_wait3A_54 = arith.constant 0 : i32
    %dma_wait3A_55 = tpu.memref_slice %arg5[%mul3A_48, %dma_wait3A_54] : memref<81920x128xf32, #tpu.memory_space<hbm>> -> memref<128x128xf32, #tpu.memory_space<hbm>>
    %dma_wait3A_56 = arith.constant 0 : i32
    %dma_wait3A_57 = tpu.memref_slice %arg5[%mul3A_48, %dma_wait3A_56] : memref<81920x128xf32, #tpu.memory_space<hbm>> -> memref<128x128xf32, #tpu.memory_space<hbm>>
    %dma_wait3A_58 = arith.constant 0 : i32
    %dma_wait3A_59 = arith.constant 0 : i32
    %dma_wait3A_60 = tpu.memref_slice %arg8[%dma_wait3A_49, %dma_wait3A_58, %dma_wait3A_59] : memref<2x128x128xf32, #tpu.memory_space<vmem>> -> memref<1x128x128xf32, #tpu.memory_space<vmem>>
    %dma_wait3A_61 = tpu.memref_squeeze %dma_wait3A_60 : memref<1x128x128xf32, #tpu.memory_space<vmem>> -> memref<128x128xf32, #tpu.memory_space<vmem>>
    tpu.wait_dma2 semaphore(%arg12 : memref<!tpu.dma_semaphore, #tpu.memory_space<semaphore_mem>>) src(%dma_wait3A_61 : memref<128x128xf32, #tpu.memory_space<vmem>>) dst(%dma_wait3A_57 : memref<128x128xf32, #tpu.memory_space<hbm>>)
    %mul3A_62 = arith.constant 20 : i32
    %mul3A_63 = arith.muli %add3A, %mul3A_62 : i32
    %add3A_64 = arith.constant 20 : i32
    %add3A_65 = arith.addi %mul3A_63, %add3A_64 : i32
    %sub3A_66 = arith.constant 2 : i32
    %sub3A_67 = arith.subi %add3A_65, %sub3A_66 : i32
    %add3A_68 = arith.constant 1 : i32
    %add3A_69 = arith.addi %sub3A_67, %add3A_68 : i32
    %mul3A_70 = arith.constant 128 : i32
    %mul3A_71 = arith.muli %add3A_69, %mul3A_70 : i32
    %dma_wait3A_72 = arith.constant 1 : i32
    %dma_wait3A_73 = arith.constant 0 : i32
    %dma_wait3A_74 = arith.constant 0 : i32
    %dma_wait3A_75 = tpu.memref_slice %arg8[%dma_wait3A_72, %dma_wait3A_73, %dma_wait3A_74] : memref<2x128x128xf32, #tpu.memory_space<vmem>> -> memref<1x128x128xf32, #tpu.memory_space<vmem>>
    %dma_wait3A_76 = tpu.memref_squeeze %dma_wait3A_75 : memref<1x128x128xf32, #tpu.memory_space<vmem>> -> memref<128x128xf32, #tpu.memory_space<vmem>>
    %dma_wait3A_77 = arith.constant 0 : i32
    %dma_wait3A_78 = tpu.memref_slice %arg5[%mul3A_71, %dma_wait3A_77] : memref<81920x128xf32, #tpu.memory_space<hbm>> -> memref<128x128xf32, #tpu.memory_space<hbm>>
    %dma_wait3A_79 = arith.constant 0 : i32
    %dma_wait3A_80 = tpu.memref_slice %arg5[%mul3A_71, %dma_wait3A_79] : memref<81920x128xf32, #tpu.memory_space<hbm>> -> memref<128x128xf32, #tpu.memory_space<hbm>>
    %dma_wait3A_81 = arith.constant 0 : i32
    %dma_wait3A_82 = arith.constant 0 : i32
    %dma_wait3A_83 = tpu.memref_slice %arg8[%dma_wait3A_72, %dma_wait3A_81, %dma_wait3A_82] : memref<2x128x128xf32, #tpu.memory_space<vmem>> -> memref<1x128x128xf32, #tpu.memory_space<vmem>>
    %dma_wait3A_84 = tpu.memref_squeeze %dma_wait3A_83 : memref<1x128x128xf32, #tpu.memory_space<vmem>> -> memref<128x128xf32, #tpu.memory_space<vmem>>
    tpu.wait_dma2 semaphore(%arg13 : memref<!tpu.dma_semaphore, #tpu.memory_space<semaphore_mem>>) src(%dma_wait3A_84 : memref<128x128xf32, #tpu.memory_space<vmem>>) dst(%dma_wait3A_80 : memref<128x128xf32, #tpu.memory_space<hbm>>)
    %barrier3A_85 = arith.constant 0 : index
    tpu.barrier barrier_id(%barrier3A_85)
    %mul3A_86 = arith.constant 640 : i32
    %mul3A_87 = arith.muli %arg1, %mul3A_86 : i32
    %mul3A_88 = arith.constant 640 : i32
    %mul3A_89 = arith.muli %arg1, %mul3A_88 : i32
    %run_scoped3A_90 = arith.constant 3 : i32
    "tpu.region"() ({
      %run_scoped3A_177 = tpu.sem_alloc : memref<!tpu.dma_semaphore, #tpu.memory_space<semaphore_mem>>
      %dma_start3A_178 = arith.constant 0 : i32
      %dma_start3A_179 = tpu.memref_slice %arg9[%mul3A_89, %dma_start3A_178] : memref<10240x128xf32, #tpu.memory_space<vmem_shared>> -> memref<640x128xf32, #tpu.memory_space<vmem_shared>>
      %dma_start3A_180 = arith.constant 0 : i32
      %dma_start3A_181 = tpu.memref_slice %arg2[%run_scoped3A_90, %mul3A_87, %dma_start3A_180] : memref<4x10240x128xf32, #tpu.memory_space<hbm>> -> memref<1x640x128xf32, #tpu.memory_space<hbm>>
      %dma_start3A_182 = tpu.memref_squeeze %dma_start3A_181 : memref<1x640x128xf32, #tpu.memory_space<hbm>> -> memref<640x128xf32, #tpu.memory_space<hbm>>
      tpu.enqueue_dma source(%dma_start3A_182 : memref<640x128xf32, #tpu.memory_space<hbm>>) target(%dma_start3A_179 : memref<640x128xf32, #tpu.memory_space<vmem_shared>>) target_semaphore(%run_scoped3A_177 : memref<!tpu.dma_semaphore, #tpu.memory_space<semaphore_mem>>)
      %dma_wait3A_183 = arith.constant 0 : i32
      %dma_wait3A_184 = tpu.memref_slice %arg9[%mul3A_89, %dma_wait3A_183] : memref<10240x128xf32, #tpu.memory_space<vmem_shared>> -> memref<640x128xf32, #tpu.memory_space<vmem_shared>>
      %dma_wait3A_185 = arith.constant 0 : i32
      %dma_wait3A_186 = tpu.memref_slice %arg2[%run_scoped3A_90, %mul3A_87, %dma_wait3A_185] : memref<4x10240x128xf32, #tpu.memory_space<hbm>> -> memref<1x640x128xf32, #tpu.memory_space<hbm>>
      %dma_wait3A_187 = tpu.memref_squeeze %dma_wait3A_186 : memref<1x640x128xf32, #tpu.memory_space<hbm>> -> memref<640x128xf32, #tpu.memory_space<hbm>>
      tpu.wait_dma2 semaphore(%run_scoped3A_177 : memref<!tpu.dma_semaphore, #tpu.memory_space<semaphore_mem>>) src(%dma_wait3A_187 : memref<640x128xf32, #tpu.memory_space<hbm>>) dst(%dma_wait3A_184 : memref<640x128xf32, #tpu.memory_space<vmem_shared>>)
      tpu.yield
    }) : () -> ()
    %mul3A_91 = arith.constant 2560 : i32
    %mul3A_92 = arith.muli %add3A, %mul3A_91 : i32
    "tpu.region"() ({
      %run_scoped3A_177 = tpu.sem_alloc : memref<!tpu.dma_semaphore, #tpu.memory_space<semaphore_mem>>
      %dma_start3A_178 = tpu.memref_slice %arg4[%mul3A_92] : memref<81920xi32, #tpu.memory_space<hbm>> -> memref<2560xi32, #tpu.memory_space<hbm>>
      %dma_start3A_179 = tpu.memref_slice %arg4[%mul3A_92] : memref<81920xi32, #tpu.memory_space<hbm>> -> memref<2560xi32, #tpu.memory_space<hbm>>
      tpu.enqueue_dma source(%dma_start3A_179 : memref<2560xi32, #tpu.memory_space<hbm>>) target(%arg7 : memref<2560xi32, #tpu.memory_space<vmem>>) target_semaphore(%run_scoped3A_177 : memref<!tpu.dma_semaphore, #tpu.memory_space<semaphore_mem>>)
      %dma_wait3A_180 = tpu.memref_slice %arg4[%mul3A_92] : memref<81920xi32, #tpu.memory_space<hbm>> -> memref<2560xi32, #tpu.memory_space<hbm>>
      %dma_wait3A_181 = tpu.memref_slice %arg4[%mul3A_92] : memref<81920xi32, #tpu.memory_space<hbm>> -> memref<2560xi32, #tpu.memory_space<hbm>>
      tpu.wait_dma2 semaphore(%run_scoped3A_177 : memref<!tpu.dma_semaphore, #tpu.memory_space<semaphore_mem>>) src(%dma_wait3A_181 : memref<2560xi32, #tpu.memory_space<hbm>>) dst(%arg7 : memref<2560xi32, #tpu.memory_space<vmem>>)
      tpu.yield
    }) : () -> ()
    %barrier3A_93 = arith.constant 0 : index
    tpu.barrier barrier_id(%barrier3A_93)
    %scan3A_94 = arith.constant 0 : i32
    %scan3A_95 = arith.constant 0 : i32
    %scan3A_96 = arith.constant 10 : i32
    %scan3A_97 = arith.addi %scan3A_95, %scan3A_96 : i32
    %scan3A_98 = arith.constant 1 : i32
    %scan3A_99 = scf.for %scan3A_177 = %scan3A_95 to %scan3A_97 step %scan3A_98 iter_args(%scan3A_178 = %scan3A_94) -> (i32)  : i32 {
      %mul3A_179 = arith.constant 2 : i32
      %mul3A_180 = arith.muli %mul3A_179, %scan3A_177 : i32
      %add3A_181 = arith.constant 0 : i32
      %add3A_182 = arith.addi %mul3A_180, %add3A_181 : i32
      %ge3A = arith.constant 2 : i32
      %ge3A_183 = arith.cmpi sge, %add3A_182, %ge3A : i32
      %convert_element_type3A = arith.extui %ge3A_183 : i1 to i32
      %cond3A = arith.constant 0 : i32
      %cond3A_184 = arith.cmpi ne, %convert_element_type3A, %cond3A : i32
      scf.if %cond3A_184 {
        %mul3A_231 = arith.constant 20 : i32
        %mul3A_232 = arith.muli %add3A, %mul3A_231 : i32
        %add3A_233 = arith.addi %mul3A_232, %add3A_182 : i32
        %sub3A_234 = arith.constant 2 : i32
        %sub3A_235 = arith.subi %add3A_233, %sub3A_234 : i32
        %mul3A_236 = arith.constant 128 : i32
        %mul3A_237 = arith.muli %sub3A_235, %mul3A_236 : i32
        %dma_wait3A_238 = arith.constant 0 : i32
        %dma_wait3A_239 = arith.constant 0 : i32
        %dma_wait3A_240 = arith.constant 0 : i32
        %dma_wait3A_241 = tpu.memref_slice %arg8[%dma_wait3A_238, %dma_wait3A_239, %dma_wait3A_240] : memref<2x128x128xf32, #tpu.memory_space<vmem>> -> memref<1x128x128xf32, #tpu.memory_space<vmem>>
        %dma_wait3A_242 = tpu.memref_squeeze %dma_wait3A_241 : memref<1x128x128xf32, #tpu.memory_space<vmem>> -> memref<128x128xf32, #tpu.memory_space<vmem>>
        %dma_wait3A_243 = arith.constant 0 : i32
        %dma_wait3A_244 = tpu.memref_slice %arg6[%mul3A_237, %dma_wait3A_243] : memref<81920x128xf32, #tpu.memory_space<hbm>> -> memref<128x128xf32, #tpu.memory_space<hbm>>
        %dma_wait3A_245 = arith.constant 0 : i32
        %dma_wait3A_246 = tpu.memref_slice %arg6[%mul3A_237, %dma_wait3A_245] : memref<81920x128xf32, #tpu.memory_space<hbm>> -> memref<128x128xf32, #tpu.memory_space<hbm>>
        %dma_wait3A_247 = arith.constant 0 : i32
        %dma_wait3A_248 = arith.constant 0 : i32
        %dma_wait3A_249 = tpu.memref_slice %arg8[%dma_wait3A_238, %dma_wait3A_247, %dma_wait3A_248] : memref<2x128x128xf32, #tpu.memory_space<vmem>> -> memref<1x128x128xf32, #tpu.memory_space<vmem>>
        %dma_wait3A_250 = tpu.memref_squeeze %dma_wait3A_249 : memref<1x128x128xf32, #tpu.memory_space<vmem>> -> memref<128x128xf32, #tpu.memory_space<vmem>>
        tpu.wait_dma2 semaphore(%arg12 : memref<!tpu.dma_semaphore, #tpu.memory_space<semaphore_mem>>) src(%dma_wait3A_250 : memref<128x128xf32, #tpu.memory_space<vmem>>) dst(%dma_wait3A_246 : memref<128x128xf32, #tpu.memory_space<hbm>>)
      } else {
      }
      %mul3A_185 = arith.constant 128 : i32
      %mul3A_186 = arith.muli %add3A_182, %mul3A_185 : i32
      %dma_start3A_187 = arith.constant 0 : i32
      %dma_start3A_188 = arith.constant 0 : i32
      %dma_start3A_189 = arith.constant 0 : i32
      %dma_start3A_190 = tpu.memref_slice %arg8[%dma_start3A_187, %dma_start3A_188, %dma_start3A_189] : memref<2x128x128xf32, #tpu.memory_space<vmem>> -> memref<1x128x128xf32, #tpu.memory_space<vmem>>
      %dma_start3A_191 = tpu.memref_squeeze %dma_start3A_190 : memref<1x128x128xf32, #tpu.memory_space<vmem>> -> memref<128x128xf32, #tpu.memory_space<vmem>>
      %dma_start3A_192 = tpu.memref_slice %arg7[%mul3A_186] : memref<2560xi32, #tpu.memory_space<vmem>> -> memref<128xi32, #tpu.memory_space<vmem>>
      %dma_start3A_193 = arith.constant 0 : i32
      %dma_start3A_194 = arith.constant 0 : i32
      %dma_start3A_195 = tpu.memref_slice %arg9[%dma_start3A_193, %dma_start3A_194] : memref<10240x128xf32, #tpu.memory_space<vmem_shared>> -> memref<10240x128xf32, #tpu.memory_space<vmem_shared>>
      tpu.enqueue_indirect_dma source(%dma_start3A_195 : memref<10240x128xf32, #tpu.memory_space<vmem_shared>>) target(%dma_start3A_191 : memref<128x128xf32, #tpu.memory_space<vmem>>) offsets(%dma_start3A_192 : memref<128xi32, #tpu.memory_space<vmem>>) semaphore(%arg10 : memref<!tpu.dma_semaphore, #tpu.memory_space<semaphore_mem>>)
      %sub3A_196 = arith.constant 1 : i32
      %sub3A_197 = arith.subi %add3A_182, %sub3A_196 : i32
      %ge3A_198 = arith.constant 0 : i32
      %ge3A_199 = arith.cmpi sge, %sub3A_197, %ge3A_198 : i32
      %convert_element_type3A_200 = arith.extui %ge3A_199 : i1 to i32
      %cond3A_201 = arith.constant 0 : i32
      %cond3A_202 = arith.cmpi ne, %convert_element_type3A_200, %cond3A_201 : i32
      scf.if %cond3A_202 {
        %mul3A_231 = arith.constant 128 : i32
        %mul3A_232 = arith.muli %sub3A_197, %mul3A_231 : i32
        %dma_wait3A_233 = arith.constant 1 : i32
        %dma_wait3A_234 = arith.constant 0 : i32
        %dma_wait3A_235 = arith.constant 0 : i32
        %dma_wait3A_236 = tpu.memref_slice %arg8[%dma_wait3A_233, %dma_wait3A_234, %dma_wait3A_235] : memref<2x128x128xf32, #tpu.memory_space<vmem>> -> memref<1x128x128xf32, #tpu.memory_space<vmem>>
        %dma_wait3A_237 = tpu.memref_squeeze %dma_wait3A_236 : memref<1x128x128xf32, #tpu.memory_space<vmem>> -> memref<128x128xf32, #tpu.memory_space<vmem>>
        %dma_wait3A_238 = tpu.memref_slice %arg7[%mul3A_232] : memref<2560xi32, #tpu.memory_space<vmem>> -> memref<128xi32, #tpu.memory_space<vmem>>
        %dma_wait3A_239 = arith.constant 0 : i32
        %dma_wait3A_240 = arith.constant 0 : i32
        %dma_wait3A_241 = tpu.memref_slice %arg9[%dma_wait3A_239, %dma_wait3A_240] : memref<10240x128xf32, #tpu.memory_space<vmem_shared>> -> memref<10240x128xf32, #tpu.memory_space<vmem_shared>>
        tpu.wait_indirect_dma semaphore(%arg11 : memref<!tpu.dma_semaphore, #tpu.memory_space<semaphore_mem>>) src(%dma_wait3A_241 : memref<10240x128xf32, #tpu.memory_space<vmem_shared>>) dst(%dma_wait3A_237 : memref<128x128xf32, #tpu.memory_space<vmem>>)
        %mul3A_242 = arith.constant 20 : i32
        %mul3A_243 = arith.muli %add3A, %mul3A_242 : i32
        %add3A_244 = arith.addi %mul3A_243, %sub3A_197 : i32
        %mul3A_245 = arith.constant 128 : i32
        %mul3A_246 = arith.muli %add3A_244, %mul3A_245 : i32
        %dma_start3A_247 = arith.constant 1 : i32
        %dma_start3A_248 = arith.constant 0 : i32
        %dma_start3A_249 = arith.constant 0 : i32
        %dma_start3A_250 = tpu.memref_slice %arg8[%dma_start3A_247, %dma_start3A_248, %dma_start3A_249] : memref<2x128x128xf32, #tpu.memory_space<vmem>> -> memref<1x128x128xf32, #tpu.memory_space<vmem>>
        %dma_start3A_251 = tpu.memref_squeeze %dma_start3A_250 : memref<1x128x128xf32, #tpu.memory_space<vmem>> -> memref<128x128xf32, #tpu.memory_space<vmem>>
        %dma_start3A_252 = arith.constant 0 : i32
        %dma_start3A_253 = tpu.memref_slice %arg6[%mul3A_246, %dma_start3A_252] : memref<81920x128xf32, #tpu.memory_space<hbm>> -> memref<128x128xf32, #tpu.memory_space<hbm>>
        %dma_start3A_254 = arith.constant 0 : i32
        %dma_start3A_255 = tpu.memref_slice %arg6[%mul3A_246, %dma_start3A_254] : memref<81920x128xf32, #tpu.memory_space<hbm>> -> memref<128x128xf32, #tpu.memory_space<hbm>>
        %dma_start3A_256 = arith.constant 0 : i32
        %dma_start3A_257 = arith.constant 0 : i32
        %dma_start3A_258 = tpu.memref_slice %arg8[%dma_start3A_247, %dma_start3A_256, %dma_start3A_257] : memref<2x128x128xf32, #tpu.memory_space<vmem>> -> memref<1x128x128xf32, #tpu.memory_space<vmem>>
        %dma_start3A_259 = tpu.memref_squeeze %dma_start3A_258 : memref<1x128x128xf32, #tpu.memory_space<vmem>> -> memref<128x128xf32, #tpu.memory_space<vmem>>
        tpu.enqueue_dma source(%dma_start3A_259 : memref<128x128xf32, #tpu.memory_space<vmem>>) target(%dma_start3A_255 : memref<128x128xf32, #tpu.memory_space<hbm>>) target_semaphore(%arg13 : memref<!tpu.dma_semaphore, #tpu.memory_space<semaphore_mem>>)
      } else {
      }
      %mul3A_203 = arith.constant 2 : i32
      %mul3A_204 = arith.muli %mul3A_203, %scan3A_177 : i32
      %add3A_205 = arith.constant 1 : i32
      %add3A_206 = arith.addi %mul3A_204, %add3A_205 : i32
      %ge3A_207 = arith.constant 2 : i32
      %ge3A_208 = arith.cmpi sge, %add3A_206, %ge3A_207 : i32
      %convert_element_type3A_209 = arith.extui %ge3A_208 : i1 to i32
      %cond3A_210 = arith.constant 0 : i32
      %cond3A_211 = arith.cmpi ne, %convert_element_type3A_209, %cond3A_210 : i32
      scf.if %cond3A_211 {
        %mul3A_231 = arith.constant 20 : i32
        %mul3A_232 = arith.muli %add3A, %mul3A_231 : i32
        %add3A_233 = arith.addi %mul3A_232, %add3A_206 : i32
        %sub3A_234 = arith.constant 2 : i32
        %sub3A_235 = arith.subi %add3A_233, %sub3A_234 : i32
        %mul3A_236 = arith.constant 128 : i32
        %mul3A_237 = arith.muli %sub3A_235, %mul3A_236 : i32
        %dma_wait3A_238 = arith.constant 1 : i32
        %dma_wait3A_239 = arith.constant 0 : i32
        %dma_wait3A_240 = arith.constant 0 : i32
        %dma_wait3A_241 = tpu.memref_slice %arg8[%dma_wait3A_238, %dma_wait3A_239, %dma_wait3A_240] : memref<2x128x128xf32, #tpu.memory_space<vmem>> -> memref<1x128x128xf32, #tpu.memory_space<vmem>>
        %dma_wait3A_242 = tpu.memref_squeeze %dma_wait3A_241 : memref<1x128x128xf32, #tpu.memory_space<vmem>> -> memref<128x128xf32, #tpu.memory_space<vmem>>
        %dma_wait3A_243 = arith.constant 0 : i32
        %dma_wait3A_244 = tpu.memref_slice %arg6[%mul3A_237, %dma_wait3A_243] : memref<81920x128xf32, #tpu.memory_space<hbm>> -> memref<128x128xf32, #tpu.memory_space<hbm>>
        %dma_wait3A_245 = arith.constant 0 : i32
        %dma_wait3A_246 = tpu.memref_slice %arg6[%mul3A_237, %dma_wait3A_245] : memref<81920x128xf32, #tpu.memory_space<hbm>> -> memref<128x128xf32, #tpu.memory_space<hbm>>
        %dma_wait3A_247 = arith.constant 0 : i32
        %dma_wait3A_248 = arith.constant 0 : i32
        %dma_wait3A_249 = tpu.memref_slice %arg8[%dma_wait3A_238, %dma_wait3A_247, %dma_wait3A_248] : memref<2x128x128xf32, #tpu.memory_space<vmem>> -> memref<1x128x128xf32, #tpu.memory_space<vmem>>
        %dma_wait3A_250 = tpu.memref_squeeze %dma_wait3A_249 : memref<1x128x128xf32, #tpu.memory_space<vmem>> -> memref<128x128xf32, #tpu.memory_space<vmem>>
        tpu.wait_dma2 semaphore(%arg13 : memref<!tpu.dma_semaphore, #tpu.memory_space<semaphore_mem>>) src(%dma_wait3A_250 : memref<128x128xf32, #tpu.memory_space<vmem>>) dst(%dma_wait3A_246 : memref<128x128xf32, #tpu.memory_space<hbm>>)
      } else {
      }
      %mul3A_212 = arith.constant 128 : i32
      %mul3A_213 = arith.muli %add3A_206, %mul3A_212 : i32
      %dma_start3A_214 = arith.constant 1 : i32
      %dma_start3A_215 = arith.constant 0 : i32
      %dma_start3A_216 = arith.constant 0 : i32
      %dma_start3A_217 = tpu.memref_slice %arg8[%dma_start3A_214, %dma_start3A_215, %dma_start3A_216] : memref<2x128x128xf32, #tpu.memory_space<vmem>> -> memref<1x128x128xf32, #tpu.memory_space<vmem>>
      %dma_start3A_218 = tpu.memref_squeeze %dma_start3A_217 : memref<1x128x128xf32, #tpu.memory_space<vmem>> -> memref<128x128xf32, #tpu.memory_space<vmem>>
      %dma_start3A_219 = tpu.memref_slice %arg7[%mul3A_213] : memref<2560xi32, #tpu.memory_space<vmem>> -> memref<128xi32, #tpu.memory_space<vmem>>
      %dma_start3A_220 = arith.constant 0 : i32
      %dma_start3A_221 = arith.constant 0 : i32
      %dma_start3A_222 = tpu.memref_slice %arg9[%dma_start3A_220, %dma_start3A_221] : memref<10240x128xf32, #tpu.memory_space<vmem_shared>> -> memref<10240x128xf32, #tpu.memory_space<vmem_shared>>
      tpu.enqueue_indirect_dma source(%dma_start3A_222 : memref<10240x128xf32, #tpu.memory_space<vmem_shared>>) target(%dma_start3A_218 : memref<128x128xf32, #tpu.memory_space<vmem>>) offsets(%dma_start3A_219 : memref<128xi32, #tpu.memory_space<vmem>>) semaphore(%arg11 : memref<!tpu.dma_semaphore, #tpu.memory_space<semaphore_mem>>)
      %sub3A_223 = arith.constant 1 : i32
      %sub3A_224 = arith.subi %add3A_206, %sub3A_223 : i32
      %ge3A_225 = arith.constant 0 : i32
      %ge3A_226 = arith.cmpi sge, %sub3A_224, %ge3A_225 : i32
      %convert_element_type3A_227 = arith.extui %ge3A_226 : i1 to i32
      %cond3A_228 = arith.constant 0 : i32
      %cond3A_229 = arith.cmpi ne, %convert_element_type3A_227, %cond3A_228 : i32
      scf.if %cond3A_229 {
        %mul3A_231 = arith.constant 128 : i32
        %mul3A_232 = arith.muli %sub3A_224, %mul3A_231 : i32
        %dma_wait3A_233 = arith.constant 0 : i32
        %dma_wait3A_234 = arith.constant 0 : i32
        %dma_wait3A_235 = arith.constant 0 : i32
        %dma_wait3A_236 = tpu.memref_slice %arg8[%dma_wait3A_233, %dma_wait3A_234, %dma_wait3A_235] : memref<2x128x128xf32, #tpu.memory_space<vmem>> -> memref<1x128x128xf32, #tpu.memory_space<vmem>>
        %dma_wait3A_237 = tpu.memref_squeeze %dma_wait3A_236 : memref<1x128x128xf32, #tpu.memory_space<vmem>> -> memref<128x128xf32, #tpu.memory_space<vmem>>
        %dma_wait3A_238 = tpu.memref_slice %arg7[%mul3A_232] : memref<2560xi32, #tpu.memory_space<vmem>> -> memref<128xi32, #tpu.memory_space<vmem>>
        %dma_wait3A_239 = arith.constant 0 : i32
        %dma_wait3A_240 = arith.constant 0 : i32
        %dma_wait3A_241 = tpu.memref_slice %arg9[%dma_wait3A_239, %dma_wait3A_240] : memref<10240x128xf32, #tpu.memory_space<vmem_shared>> -> memref<10240x128xf32, #tpu.memory_space<vmem_shared>>
        tpu.wait_indirect_dma semaphore(%arg10 : memref<!tpu.dma_semaphore, #tpu.memory_space<semaphore_mem>>) src(%dma_wait3A_241 : memref<10240x128xf32, #tpu.memory_space<vmem_shared>>) dst(%dma_wait3A_237 : memref<128x128xf32, #tpu.memory_space<vmem>>)
        %mul3A_242 = arith.constant 20 : i32
        %mul3A_243 = arith.muli %add3A, %mul3A_242 : i32
        %add3A_244 = arith.addi %mul3A_243, %sub3A_224 : i32
        %mul3A_245 = arith.constant 128 : i32
        %mul3A_246 = arith.muli %add3A_244, %mul3A_245 : i32
        %dma_start3A_247 = arith.constant 0 : i32
        %dma_start3A_248 = arith.constant 0 : i32
        %dma_start3A_249 = arith.constant 0 : i32
        %dma_start3A_250 = tpu.memref_slice %arg8[%dma_start3A_247, %dma_start3A_248, %dma_start3A_249] : memref<2x128x128xf32, #tpu.memory_space<vmem>> -> memref<1x128x128xf32, #tpu.memory_space<vmem>>
        %dma_start3A_251 = tpu.memref_squeeze %dma_start3A_250 : memref<1x128x128xf32, #tpu.memory_space<vmem>> -> memref<128x128xf32, #tpu.memory_space<vmem>>
        %dma_start3A_252 = arith.constant 0 : i32
        %dma_start3A_253 = tpu.memref_slice %arg6[%mul3A_246, %dma_start3A_252] : memref<81920x128xf32, #tpu.memory_space<hbm>> -> memref<128x128xf32, #tpu.memory_space<hbm>>
        %dma_start3A_254 = arith.constant 0 : i32
        %dma_start3A_255 = tpu.memref_slice %arg6[%mul3A_246, %dma_start3A_254] : memref<81920x128xf32, #tpu.memory_space<hbm>> -> memref<128x128xf32, #tpu.memory_space<hbm>>
        %dma_start3A_256 = arith.constant 0 : i32
        %dma_start3A_257 = arith.constant 0 : i32
        %dma_start3A_258 = tpu.memref_slice %arg8[%dma_start3A_247, %dma_start3A_256, %dma_start3A_257] : memref<2x128x128xf32, #tpu.memory_space<vmem>> -> memref<1x128x128xf32, #tpu.memory_space<vmem>>
        %dma_start3A_259 = tpu.memref_squeeze %dma_start3A_258 : memref<1x128x128xf32, #tpu.memory_space<vmem>> -> memref<128x128xf32, #tpu.memory_space<vmem>>
        tpu.enqueue_dma source(%dma_start3A_259 : memref<128x128xf32, #tpu.memory_space<vmem>>) target(%dma_start3A_255 : memref<128x128xf32, #tpu.memory_space<hbm>>) target_semaphore(%arg12 : memref<!tpu.dma_semaphore, #tpu.memory_space<semaphore_mem>>)
      } else {
      }
      %scan3A_230 = arith.constant 0 : i32
      scf.yield %scan3A_230 : i32
    }
    %scan3A_100 = arith.constant 10 : i32
    %dma_wait3A_101 = arith.constant 1 : i32
    %dma_wait3A_102 = arith.constant 0 : i32
    %dma_wait3A_103 = arith.constant 0 : i32
    %dma_wait3A_104 = tpu.memref_slice %arg8[%dma_wait3A_101, %dma_wait3A_102, %dma_wait3A_103] : memref<2x128x128xf32, #tpu.memory_space<vmem>> -> memref<1x128x128xf32, #tpu.memory_space<vmem>>
    %dma_wait3A_105 = tpu.memref_squeeze %dma_wait3A_104 : memref<1x128x128xf32, #tpu.memory_space<vmem>> -> memref<128x128xf32, #tpu.memory_space<vmem>>
    %dma_wait3A_106 = arith.constant 2432 : i32
    %dma_wait3A_107 = tpu.memref_slice %arg7[%dma_wait3A_106] : memref<2560xi32, #tpu.memory_space<vmem>> -> memref<128xi32, #tpu.memory_space<vmem>>
    %dma_wait3A_108 = arith.constant 0 : i32
    %dma_wait3A_109 = arith.constant 0 : i32
    %dma_wait3A_110 = tpu.memref_slice %arg9[%dma_wait3A_108, %dma_wait3A_109] : memref<10240x128xf32, #tpu.memory_space<vmem_shared>> -> memref<10240x128xf32, #tpu.memory_space<vmem_shared>>
    tpu.wait_indirect_dma semaphore(%arg11 : memref<!tpu.dma_semaphore, #tpu.memory_space<semaphore_mem>>) src(%dma_wait3A_110 : memref<10240x128xf32, #tpu.memory_space<vmem_shared>>) dst(%dma_wait3A_105 : memref<128x128xf32, #tpu.memory_space<vmem>>)
    %mul3A_111 = arith.constant 20 : i32
    %mul3A_112 = arith.muli %add3A, %mul3A_111 : i32
    %add3A_113 = arith.constant 19 : i32
    %add3A_114 = arith.addi %mul3A_112, %add3A_113 : i32
    %mul3A_115 = arith.constant 128 : i32
    %mul3A_116 = arith.muli %add3A_114, %mul3A_115 : i32
    %dma_start3A_117 = arith.constant 1 : i32
    %dma_start3A_118 = arith.constant 0 : i32
    %dma_start3A_119 = arith.constant 0 : i32
    %dma_start3A_120 = tpu.memref_slice %arg8[%dma_start3A_117, %dma_start3A_118, %dma_start3A_119] : memref<2x128x128xf32, #tpu.memory_space<vmem>> -> memref<1x128x128xf32, #tpu.memory_space<vmem>>
    %dma_start3A_121 = tpu.memref_squeeze %dma_start3A_120 : memref<1x128x128xf32, #tpu.memory_space<vmem>> -> memref<128x128xf32, #tpu.memory_space<vmem>>
    %dma_start3A_122 = arith.constant 0 : i32
    %dma_start3A_123 = tpu.memref_slice %arg6[%mul3A_116, %dma_start3A_122] : memref<81920x128xf32, #tpu.memory_space<hbm>> -> memref<128x128xf32, #tpu.memory_space<hbm>>
    %dma_start3A_124 = arith.constant 0 : i32
    %dma_start3A_125 = tpu.memref_slice %arg6[%mul3A_116, %dma_start3A_124] : memref<81920x128xf32, #tpu.memory_space<hbm>> -> memref<128x128xf32, #tpu.memory_space<hbm>>
    %dma_start3A_126 = arith.constant 0 : i32
    %dma_start3A_127 = arith.constant 0 : i32
    %dma_start3A_128 = tpu.memref_slice %arg8[%dma_start3A_117, %dma_start3A_126, %dma_start3A_127] : memref<2x128x128xf32, #tpu.memory_space<vmem>> -> memref<1x128x128xf32, #tpu.memory_space<vmem>>
    %dma_start3A_129 = tpu.memref_squeeze %dma_start3A_128 : memref<1x128x128xf32, #tpu.memory_space<vmem>> -> memref<128x128xf32, #tpu.memory_space<vmem>>
    tpu.enqueue_dma source(%dma_start3A_129 : memref<128x128xf32, #tpu.memory_space<vmem>>) target(%dma_start3A_125 : memref<128x128xf32, #tpu.memory_space<hbm>>) target_semaphore(%arg13 : memref<!tpu.dma_semaphore, #tpu.memory_space<semaphore_mem>>)
    %mul3A_130 = arith.constant 20 : i32
    %mul3A_131 = arith.muli %add3A, %mul3A_130 : i32
    %add3A_132 = arith.constant 20 : i32
    %add3A_133 = arith.addi %mul3A_131, %add3A_132 : i32
    %sub3A_134 = arith.constant 2 : i32
    %sub3A_135 = arith.subi %add3A_133, %sub3A_134 : i32
    %add3A_136 = arith.constant 0 : i32
    %add3A_137 = arith.addi %sub3A_135, %add3A_136 : i32
    %mul3A_138 = arith.constant 128 : i32
    %mul3A_139 = arith.muli %add3A_137, %mul3A_138 : i32
    %dma_wait3A_140 = arith.constant 0 : i32
    %dma_wait3A_141 = arith.constant 0 : i32
    %dma_wait3A_142 = arith.constant 0 : i32
    %dma_wait3A_143 = tpu.memref_slice %arg8[%dma_wait3A_140, %dma_wait3A_141, %dma_wait3A_142] : memref<2x128x128xf32, #tpu.memory_space<vmem>> -> memref<1x128x128xf32, #tpu.memory_space<vmem>>
    %dma_wait3A_144 = tpu.memref_squeeze %dma_wait3A_143 : memref<1x128x128xf32, #tpu.memory_space<vmem>> -> memref<128x128xf32, #tpu.memory_space<vmem>>
    %dma_wait3A_145 = arith.constant 0 : i32
    %dma_wait3A_146 = tpu.memref_slice %arg6[%mul3A_139, %dma_wait3A_145] : memref<81920x128xf32, #tpu.memory_space<hbm>> -> memref<128x128xf32, #tpu.memory_space<hbm>>
    %dma_wait3A_147 = arith.constant 0 : i32
    %dma_wait3A_148 = tpu.memref_slice %arg6[%mul3A_139, %dma_wait3A_147] : memref<81920x128xf32, #tpu.memory_space<hbm>> -> memref<128x128xf32, #tpu.memory_space<hbm>>
    %dma_wait3A_149 = arith.constant 0 : i32
    %dma_wait3A_150 = arith.constant 0 : i32
    %dma_wait3A_151 = tpu.memref_slice %arg8[%dma_wait3A_140, %dma_wait3A_149, %dma_wait3A_150] : memref<2x128x128xf32, #tpu.memory_space<vmem>> -> memref<1x128x128xf32, #tpu.memory_space<vmem>>
    %dma_wait3A_152 = tpu.memref_squeeze %dma_wait3A_151 : memref<1x128x128xf32, #tpu.memory_space<vmem>> -> memref<128x128xf32, #tpu.memory_space<vmem>>
    tpu.wait_dma2 semaphore(%arg12 : memref<!tpu.dma_semaphore, #tpu.memory_space<semaphore_mem>>) src(%dma_wait3A_152 : memref<128x128xf32, #tpu.memory_space<vmem>>) dst(%dma_wait3A_148 : memref<128x128xf32, #tpu.memory_space<hbm>>)
    %mul3A_153 = arith.constant 20 : i32
    %mul3A_154 = arith.muli %add3A, %mul3A_153 : i32
    %add3A_155 = arith.constant 20 : i32
    %add3A_156 = arith.addi %mul3A_154, %add3A_155 : i32
    %sub3A_157 = arith.constant 2 : i32
    %sub3A_158 = arith.subi %add3A_156, %sub3A_157 : i32
    %add3A_159 = arith.constant 1 : i32
    %add3A_160 = arith.addi %sub3A_158, %add3A_159 : i32
    %mul3A_161 = arith.constant 128 : i32
    %mul3A_162 = arith.muli %add3A_160, %mul3A_161 : i32
    %dma_wait3A_163 = arith.constant 1 : i32
    %dma_wait3A_164 = arith.constant 0 : i32
    %dma_wait3A_165 = arith.constant 0 : i32
    %dma_wait3A_166 = tpu.memref_slice %arg8[%dma_wait3A_163, %dma_wait3A_164, %dma_wait3A_165] : memref<2x128x128xf32, #tpu.memory_space<vmem>> -> memref<1x128x128xf32, #tpu.memory_space<vmem>>
    %dma_wait3A_167 = tpu.memref_squeeze %dma_wait3A_166 : memref<1x128x128xf32, #tpu.memory_space<vmem>> -> memref<128x128xf32, #tpu.memory_space<vmem>>
    %dma_wait3A_168 = arith.constant 0 : i32
    %dma_wait3A_169 = tpu.memref_slice %arg6[%mul3A_162, %dma_wait3A_168] : memref<81920x128xf32, #tpu.memory_space<hbm>> -> memref<128x128xf32, #tpu.memory_space<hbm>>
    %dma_wait3A_170 = arith.constant 0 : i32
    %dma_wait3A_171 = tpu.memref_slice %arg6[%mul3A_162, %dma_wait3A_170] : memref<81920x128xf32, #tpu.memory_space<hbm>> -> memref<128x128xf32, #tpu.memory_space<hbm>>
    %dma_wait3A_172 = arith.constant 0 : i32
    %dma_wait3A_173 = arith.constant 0 : i32
    %dma_wait3A_174 = tpu.memref_slice %arg8[%dma_wait3A_163, %dma_wait3A_172, %dma_wait3A_173] : memref<2x128x128xf32, #tpu.memory_space<vmem>> -> memref<1x128x128xf32, #tpu.memory_space<vmem>>
    %dma_wait3A_175 = tpu.memref_squeeze %dma_wait3A_174 : memref<1x128x128xf32, #tpu.memory_space<vmem>> -> memref<128x128xf32, #tpu.memory_space<vmem>>
    tpu.wait_dma2 semaphore(%arg13 : memref<!tpu.dma_semaphore, #tpu.memory_space<semaphore_mem>>) src(%dma_wait3A_175 : memref<128x128xf32, #tpu.memory_space<vmem>>) dst(%dma_wait3A_171 : memref<128x128xf32, #tpu.memory_space<hbm>>)
    %barrier3A_176 = arith.constant 0 : index
    tpu.barrier barrier_id(%barrier3A_176)
    return
  }
}

#map = affine_map<(d0, d1) -> (0, 0, 0)>
#map1 = affine_map<(d0, d1) -> (0)>
#map2 = affine_map<(d0, d1) -> (0, 0)>
module attributes {stable_mosaic.version = 14 : i64} {
  func.func @body(%arg0: i32, %arg1: i32, %arg2: memref<4x10240x128xf32, #tpu.memory_space<hbm>>, %arg3: memref<327680xi32, #tpu.memory_space<hbm>>, %arg4: memref<327680xi32, #tpu.memory_space<hbm>>, %arg5: memref<327680x128xf32, #tpu.memory_space<hbm>>, %arg6: memref<327680x128xf32, #tpu.memory_space<hbm>>, %arg7: memref<10240xi32, #tpu.memory_space<vmem>>, %arg8: memref<2x128x128xf32, #tpu.memory_space<vmem>>, %arg9: memref<10240x128xf32, #tpu.memory_space<vmem_shared>>, %arg10: memref<!tpu.dma_semaphore, #tpu.memory_space<semaphore_mem>>, %arg11: memref<!tpu.dma_semaphore, #tpu.memory_space<semaphore_mem>>, %arg12: memref<!tpu.dma_semaphore, #tpu.memory_space<semaphore_mem>>, %arg13: memref<!tpu.dma_semaphore, #tpu.memory_space<semaphore_mem>>) attributes {dimension_semantics = [#tpu.dimension_semantics<core_parallel>, #tpu.dimension_semantics<subcore_parallel>], iteration_bounds = array<i64: 2, 16>, scalar_prefetch = 0 : i64, scratch_operands = 7 : i64, tpu.core_type = #tpu.core_type<sc_vector_subcore>, window_params = [{transform_indices = #map}, {transform_indices = #map1}, {transform_indices = #map1}, {transform_indices = #map2}, {transform_indices = #map2}]} {
    %mul3A = arith.constant 2 : i32
    %mul3A_0 = arith.muli %arg1, %mul3A : i32
    %add3A = arith.addi %mul3A_0, %arg0 : i32
    %mul3A_1 = arith.constant 640 : i32
    %mul3A_2 = arith.muli %arg1, %mul3A_1 : i32
    %mul3A_3 = arith.constant 640 : i32
    %mul3A_4 = arith.muli %arg1, %mul3A_3 : i32
    %run_scoped3A = arith.constant 0 : i32
    "tpu.region"() ({
      %run_scoped3A_177 = tpu.sem_alloc : memref<!tpu.dma_semaphore, #tpu.memory_space<semaphore_mem>>
      %dma_start3A_178 = arith.constant 0 : i32
      %dma_start3A_179 = tpu.memref_slice %arg9[%mul3A_4, %dma_start3A_178] : memref<10240x128xf32, #tpu.memory_space<vmem_shared>> -> memref<640x128xf32, #tpu.memory_space<vmem_shared>>
      %dma_start3A_180 = arith.constant 0 : i32
      %dma_start3A_181 = tpu.memref_slice %arg2[%run_scoped3A, %mul3A_2, %dma_start3A_180] : memref<4x10240x128xf32, #tpu.memory_space<hbm>> -> memref<1x640x128xf32, #tpu.memory_space<hbm>>
      %dma_start3A_182 = tpu.memref_squeeze %dma_start3A_181 : memref<1x640x128xf32, #tpu.memory_space<hbm>> -> memref<640x128xf32, #tpu.memory_space<hbm>>
      tpu.enqueue_dma source(%dma_start3A_182 : memref<640x128xf32, #tpu.memory_space<hbm>>) target(%dma_start3A_179 : memref<640x128xf32, #tpu.memory_space<vmem_shared>>) target_semaphore(%run_scoped3A_177 : memref<!tpu.dma_semaphore, #tpu.memory_space<semaphore_mem>>)
      %dma_wait3A_183 = arith.constant 0 : i32
      %dma_wait3A_184 = tpu.memref_slice %arg9[%mul3A_4, %dma_wait3A_183] : memref<10240x128xf32, #tpu.memory_space<vmem_shared>> -> memref<640x128xf32, #tpu.memory_space<vmem_shared>>
      %dma_wait3A_185 = arith.constant 0 : i32
      %dma_wait3A_186 = tpu.memref_slice %arg2[%run_scoped3A, %mul3A_2, %dma_wait3A_185] : memref<4x10240x128xf32, #tpu.memory_space<hbm>> -> memref<1x640x128xf32, #tpu.memory_space<hbm>>
      %dma_wait3A_187 = tpu.memref_squeeze %dma_wait3A_186 : memref<1x640x128xf32, #tpu.memory_space<hbm>> -> memref<640x128xf32, #tpu.memory_space<hbm>>
      tpu.wait_dma2 semaphore(%run_scoped3A_177 : memref<!tpu.dma_semaphore, #tpu.memory_space<semaphore_mem>>) src(%dma_wait3A_187 : memref<640x128xf32, #tpu.memory_space<hbm>>) dst(%dma_wait3A_184 : memref<640x128xf32, #tpu.memory_space<vmem_shared>>)
      tpu.yield
    }) : () -> ()
    %mul3A_5 = arith.constant 10240 : i32
    %mul3A_6 = arith.muli %add3A, %mul3A_5 : i32
    "tpu.region"() ({
      %run_scoped3A_177 = tpu.sem_alloc : memref<!tpu.dma_semaphore, #tpu.memory_space<semaphore_mem>>
      %dma_start3A_178 = tpu.memref_slice %arg3[%mul3A_6] : memref<327680xi32, #tpu.memory_space<hbm>> -> memref<10240xi32, #tpu.memory_space<hbm>>
      %dma_start3A_179 = tpu.memref_slice %arg3[%mul3A_6] : memref<327680xi32, #tpu.memory_space<hbm>> -> memref<10240xi32, #tpu.memory_space<hbm>>
      tpu.enqueue_dma source(%dma_start3A_179 : memref<10240xi32, #tpu.memory_space<hbm>>) target(%arg7 : memref<10240xi32, #tpu.memory_space<vmem>>) target_semaphore(%run_scoped3A_177 : memref<!tpu.dma_semaphore, #tpu.memory_space<semaphore_mem>>)
      %dma_wait3A_180 = tpu.memref_slice %arg3[%mul3A_6] : memref<327680xi32, #tpu.memory_space<hbm>> -> memref<10240xi32, #tpu.memory_space<hbm>>
      %dma_wait3A_181 = tpu.memref_slice %arg3[%mul3A_6] : memref<327680xi32, #tpu.memory_space<hbm>> -> memref<10240xi32, #tpu.memory_space<hbm>>
      tpu.wait_dma2 semaphore(%run_scoped3A_177 : memref<!tpu.dma_semaphore, #tpu.memory_space<semaphore_mem>>) src(%dma_wait3A_181 : memref<10240xi32, #tpu.memory_space<hbm>>) dst(%arg7 : memref<10240xi32, #tpu.memory_space<vmem>>)
      tpu.yield
    }) : () -> ()
    %barrier3A = arith.constant 0 : index
    tpu.barrier barrier_id(%barrier3A)
    %scan3A = arith.constant 0 : i32
    %scan3A_7 = arith.constant 0 : i32
    %scan3A_8 = arith.constant 40 : i32
    %scan3A_9 = arith.addi %scan3A_7, %scan3A_8 : i32
    %scan3A_10 = arith.constant 1 : i32
    %scan3A_11 = scf.for %scan3A_177 = %scan3A_7 to %scan3A_9 step %scan3A_10 iter_args(%scan3A_178 = %scan3A) -> (i32)  : i32 {
      %mul3A_179 = arith.constant 2 : i32
      %mul3A_180 = arith.muli %mul3A_179, %scan3A_177 : i32
      %add3A_181 = arith.constant 0 : i32
      %add3A_182 = arith.addi %mul3A_180, %add3A_181 : i32
      %ge3A = arith.constant 2 : i32
      %ge3A_183 = arith.cmpi sge, %add3A_182, %ge3A : i32
      %convert_element_type3A = arith.extui %ge3A_183 : i1 to i32
      %cond3A = arith.constant 0 : i32
      %cond3A_184 = arith.cmpi ne, %convert_element_type3A, %cond3A : i32
      scf.if %cond3A_184 {
        %mul3A_231 = arith.constant 80 : i32
        %mul3A_232 = arith.muli %add3A, %mul3A_231 : i32
        %add3A_233 = arith.addi %mul3A_232, %add3A_182 : i32
        %sub3A_234 = arith.constant 2 : i32
        %sub3A_235 = arith.subi %add3A_233, %sub3A_234 : i32
        %mul3A_236 = arith.constant 128 : i32
        %mul3A_237 = arith.muli %sub3A_235, %mul3A_236 : i32
        %dma_wait3A_238 = arith.constant 0 : i32
        %dma_wait3A_239 = arith.constant 0 : i32
        %dma_wait3A_240 = arith.constant 0 : i32
        %dma_wait3A_241 = tpu.memref_slice %arg8[%dma_wait3A_238, %dma_wait3A_239, %dma_wait3A_240] : memref<2x128x128xf32, #tpu.memory_space<vmem>> -> memref<1x128x128xf32, #tpu.memory_space<vmem>>
        %dma_wait3A_242 = tpu.memref_squeeze %dma_wait3A_241 : memref<1x128x128xf32, #tpu.memory_space<vmem>> -> memref<128x128xf32, #tpu.memory_space<vmem>>
        %dma_wait3A_243 = arith.constant 0 : i32
        %dma_wait3A_244 = tpu.memref_slice %arg5[%mul3A_237, %dma_wait3A_243] : memref<327680x128xf32, #tpu.memory_space<hbm>> -> memref<128x128xf32, #tpu.memory_space<hbm>>
        %dma_wait3A_245 = arith.constant 0 : i32
        %dma_wait3A_246 = tpu.memref_slice %arg5[%mul3A_237, %dma_wait3A_245] : memref<327680x128xf32, #tpu.memory_space<hbm>> -> memref<128x128xf32, #tpu.memory_space<hbm>>
        %dma_wait3A_247 = arith.constant 0 : i32
        %dma_wait3A_248 = arith.constant 0 : i32
        %dma_wait3A_249 = tpu.memref_slice %arg8[%dma_wait3A_238, %dma_wait3A_247, %dma_wait3A_248] : memref<2x128x128xf32, #tpu.memory_space<vmem>> -> memref<1x128x128xf32, #tpu.memory_space<vmem>>
        %dma_wait3A_250 = tpu.memref_squeeze %dma_wait3A_249 : memref<1x128x128xf32, #tpu.memory_space<vmem>> -> memref<128x128xf32, #tpu.memory_space<vmem>>
        tpu.wait_dma2 semaphore(%arg12 : memref<!tpu.dma_semaphore, #tpu.memory_space<semaphore_mem>>) src(%dma_wait3A_250 : memref<128x128xf32, #tpu.memory_space<vmem>>) dst(%dma_wait3A_246 : memref<128x128xf32, #tpu.memory_space<hbm>>)
      } else {
      }
      %mul3A_185 = arith.constant 128 : i32
      %mul3A_186 = arith.muli %add3A_182, %mul3A_185 : i32
      %dma_start3A_187 = arith.constant 0 : i32
      %dma_start3A_188 = arith.constant 0 : i32
      %dma_start3A_189 = arith.constant 0 : i32
      %dma_start3A_190 = tpu.memref_slice %arg8[%dma_start3A_187, %dma_start3A_188, %dma_start3A_189] : memref<2x128x128xf32, #tpu.memory_space<vmem>> -> memref<1x128x128xf32, #tpu.memory_space<vmem>>
      %dma_start3A_191 = tpu.memref_squeeze %dma_start3A_190 : memref<1x128x128xf32, #tpu.memory_space<vmem>> -> memref<128x128xf32, #tpu.memory_space<vmem>>
      %dma_start3A_192 = tpu.memref_slice %arg7[%mul3A_186] : memref<10240xi32, #tpu.memory_space<vmem>> -> memref<128xi32, #tpu.memory_space<vmem>>
      %dma_start3A_193 = arith.constant 0 : i32
      %dma_start3A_194 = arith.constant 0 : i32
      %dma_start3A_195 = tpu.memref_slice %arg9[%dma_start3A_193, %dma_start3A_194] : memref<10240x128xf32, #tpu.memory_space<vmem_shared>> -> memref<10240x128xf32, #tpu.memory_space<vmem_shared>>
      tpu.enqueue_indirect_dma source(%dma_start3A_195 : memref<10240x128xf32, #tpu.memory_space<vmem_shared>>) target(%dma_start3A_191 : memref<128x128xf32, #tpu.memory_space<vmem>>) offsets(%dma_start3A_192 : memref<128xi32, #tpu.memory_space<vmem>>) semaphore(%arg10 : memref<!tpu.dma_semaphore, #tpu.memory_space<semaphore_mem>>)
      %sub3A_196 = arith.constant 1 : i32
      %sub3A_197 = arith.subi %add3A_182, %sub3A_196 : i32
      %ge3A_198 = arith.constant 0 : i32
      %ge3A_199 = arith.cmpi sge, %sub3A_197, %ge3A_198 : i32
      %convert_element_type3A_200 = arith.extui %ge3A_199 : i1 to i32
      %cond3A_201 = arith.constant 0 : i32
      %cond3A_202 = arith.cmpi ne, %convert_element_type3A_200, %cond3A_201 : i32
      scf.if %cond3A_202 {
        %mul3A_231 = arith.constant 128 : i32
        %mul3A_232 = arith.muli %sub3A_197, %mul3A_231 : i32
        %dma_wait3A_233 = arith.constant 1 : i32
        %dma_wait3A_234 = arith.constant 0 : i32
        %dma_wait3A_235 = arith.constant 0 : i32
        %dma_wait3A_236 = tpu.memref_slice %arg8[%dma_wait3A_233, %dma_wait3A_234, %dma_wait3A_235] : memref<2x128x128xf32, #tpu.memory_space<vmem>> -> memref<1x128x128xf32, #tpu.memory_space<vmem>>
        %dma_wait3A_237 = tpu.memref_squeeze %dma_wait3A_236 : memref<1x128x128xf32, #tpu.memory_space<vmem>> -> memref<128x128xf32, #tpu.memory_space<vmem>>
        %dma_wait3A_238 = tpu.memref_slice %arg7[%mul3A_232] : memref<10240xi32, #tpu.memory_space<vmem>> -> memref<128xi32, #tpu.memory_space<vmem>>
        %dma_wait3A_239 = arith.constant 0 : i32
        %dma_wait3A_240 = arith.constant 0 : i32
        %dma_wait3A_241 = tpu.memref_slice %arg9[%dma_wait3A_239, %dma_wait3A_240] : memref<10240x128xf32, #tpu.memory_space<vmem_shared>> -> memref<10240x128xf32, #tpu.memory_space<vmem_shared>>
        tpu.wait_indirect_dma semaphore(%arg11 : memref<!tpu.dma_semaphore, #tpu.memory_space<semaphore_mem>>) src(%dma_wait3A_241 : memref<10240x128xf32, #tpu.memory_space<vmem_shared>>) dst(%dma_wait3A_237 : memref<128x128xf32, #tpu.memory_space<vmem>>)
        %mul3A_242 = arith.constant 80 : i32
        %mul3A_243 = arith.muli %add3A, %mul3A_242 : i32
        %add3A_244 = arith.addi %mul3A_243, %sub3A_197 : i32
        %mul3A_245 = arith.constant 128 : i32
        %mul3A_246 = arith.muli %add3A_244, %mul3A_245 : i32
        %dma_start3A_247 = arith.constant 1 : i32
        %dma_start3A_248 = arith.constant 0 : i32
        %dma_start3A_249 = arith.constant 0 : i32
        %dma_start3A_250 = tpu.memref_slice %arg8[%dma_start3A_247, %dma_start3A_248, %dma_start3A_249] : memref<2x128x128xf32, #tpu.memory_space<vmem>> -> memref<1x128x128xf32, #tpu.memory_space<vmem>>
        %dma_start3A_251 = tpu.memref_squeeze %dma_start3A_250 : memref<1x128x128xf32, #tpu.memory_space<vmem>> -> memref<128x128xf32, #tpu.memory_space<vmem>>
        %dma_start3A_252 = arith.constant 0 : i32
        %dma_start3A_253 = tpu.memref_slice %arg5[%mul3A_246, %dma_start3A_252] : memref<327680x128xf32, #tpu.memory_space<hbm>> -> memref<128x128xf32, #tpu.memory_space<hbm>>
        %dma_start3A_254 = arith.constant 0 : i32
        %dma_start3A_255 = tpu.memref_slice %arg5[%mul3A_246, %dma_start3A_254] : memref<327680x128xf32, #tpu.memory_space<hbm>> -> memref<128x128xf32, #tpu.memory_space<hbm>>
        %dma_start3A_256 = arith.constant 0 : i32
        %dma_start3A_257 = arith.constant 0 : i32
        %dma_start3A_258 = tpu.memref_slice %arg8[%dma_start3A_247, %dma_start3A_256, %dma_start3A_257] : memref<2x128x128xf32, #tpu.memory_space<vmem>> -> memref<1x128x128xf32, #tpu.memory_space<vmem>>
        %dma_start3A_259 = tpu.memref_squeeze %dma_start3A_258 : memref<1x128x128xf32, #tpu.memory_space<vmem>> -> memref<128x128xf32, #tpu.memory_space<vmem>>
        tpu.enqueue_dma source(%dma_start3A_259 : memref<128x128xf32, #tpu.memory_space<vmem>>) target(%dma_start3A_255 : memref<128x128xf32, #tpu.memory_space<hbm>>) target_semaphore(%arg13 : memref<!tpu.dma_semaphore, #tpu.memory_space<semaphore_mem>>)
      } else {
      }
      %mul3A_203 = arith.constant 2 : i32
      %mul3A_204 = arith.muli %mul3A_203, %scan3A_177 : i32
      %add3A_205 = arith.constant 1 : i32
      %add3A_206 = arith.addi %mul3A_204, %add3A_205 : i32
      %ge3A_207 = arith.constant 2 : i32
      %ge3A_208 = arith.cmpi sge, %add3A_206, %ge3A_207 : i32
      %convert_element_type3A_209 = arith.extui %ge3A_208 : i1 to i32
      %cond3A_210 = arith.constant 0 : i32
      %cond3A_211 = arith.cmpi ne, %convert_element_type3A_209, %cond3A_210 : i32
      scf.if %cond3A_211 {
        %mul3A_231 = arith.constant 80 : i32
        %mul3A_232 = arith.muli %add3A, %mul3A_231 : i32
        %add3A_233 = arith.addi %mul3A_232, %add3A_206 : i32
        %sub3A_234 = arith.constant 2 : i32
        %sub3A_235 = arith.subi %add3A_233, %sub3A_234 : i32
        %mul3A_236 = arith.constant 128 : i32
        %mul3A_237 = arith.muli %sub3A_235, %mul3A_236 : i32
        %dma_wait3A_238 = arith.constant 1 : i32
        %dma_wait3A_239 = arith.constant 0 : i32
        %dma_wait3A_240 = arith.constant 0 : i32
        %dma_wait3A_241 = tpu.memref_slice %arg8[%dma_wait3A_238, %dma_wait3A_239, %dma_wait3A_240] : memref<2x128x128xf32, #tpu.memory_space<vmem>> -> memref<1x128x128xf32, #tpu.memory_space<vmem>>
        %dma_wait3A_242 = tpu.memref_squeeze %dma_wait3A_241 : memref<1x128x128xf32, #tpu.memory_space<vmem>> -> memref<128x128xf32, #tpu.memory_space<vmem>>
        %dma_wait3A_243 = arith.constant 0 : i32
        %dma_wait3A_244 = tpu.memref_slice %arg5[%mul3A_237, %dma_wait3A_243] : memref<327680x128xf32, #tpu.memory_space<hbm>> -> memref<128x128xf32, #tpu.memory_space<hbm>>
        %dma_wait3A_245 = arith.constant 0 : i32
        %dma_wait3A_246 = tpu.memref_slice %arg5[%mul3A_237, %dma_wait3A_245] : memref<327680x128xf32, #tpu.memory_space<hbm>> -> memref<128x128xf32, #tpu.memory_space<hbm>>
        %dma_wait3A_247 = arith.constant 0 : i32
        %dma_wait3A_248 = arith.constant 0 : i32
        %dma_wait3A_249 = tpu.memref_slice %arg8[%dma_wait3A_238, %dma_wait3A_247, %dma_wait3A_248] : memref<2x128x128xf32, #tpu.memory_space<vmem>> -> memref<1x128x128xf32, #tpu.memory_space<vmem>>
        %dma_wait3A_250 = tpu.memref_squeeze %dma_wait3A_249 : memref<1x128x128xf32, #tpu.memory_space<vmem>> -> memref<128x128xf32, #tpu.memory_space<vmem>>
        tpu.wait_dma2 semaphore(%arg13 : memref<!tpu.dma_semaphore, #tpu.memory_space<semaphore_mem>>) src(%dma_wait3A_250 : memref<128x128xf32, #tpu.memory_space<vmem>>) dst(%dma_wait3A_246 : memref<128x128xf32, #tpu.memory_space<hbm>>)
      } else {
      }
      %mul3A_212 = arith.constant 128 : i32
      %mul3A_213 = arith.muli %add3A_206, %mul3A_212 : i32
      %dma_start3A_214 = arith.constant 1 : i32
      %dma_start3A_215 = arith.constant 0 : i32
      %dma_start3A_216 = arith.constant 0 : i32
      %dma_start3A_217 = tpu.memref_slice %arg8[%dma_start3A_214, %dma_start3A_215, %dma_start3A_216] : memref<2x128x128xf32, #tpu.memory_space<vmem>> -> memref<1x128x128xf32, #tpu.memory_space<vmem>>
      %dma_start3A_218 = tpu.memref_squeeze %dma_start3A_217 : memref<1x128x128xf32, #tpu.memory_space<vmem>> -> memref<128x128xf32, #tpu.memory_space<vmem>>
      %dma_start3A_219 = tpu.memref_slice %arg7[%mul3A_213] : memref<10240xi32, #tpu.memory_space<vmem>> -> memref<128xi32, #tpu.memory_space<vmem>>
      %dma_start3A_220 = arith.constant 0 : i32
      %dma_start3A_221 = arith.constant 0 : i32
      %dma_start3A_222 = tpu.memref_slice %arg9[%dma_start3A_220, %dma_start3A_221] : memref<10240x128xf32, #tpu.memory_space<vmem_shared>> -> memref<10240x128xf32, #tpu.memory_space<vmem_shared>>
      tpu.enqueue_indirect_dma source(%dma_start3A_222 : memref<10240x128xf32, #tpu.memory_space<vmem_shared>>) target(%dma_start3A_218 : memref<128x128xf32, #tpu.memory_space<vmem>>) offsets(%dma_start3A_219 : memref<128xi32, #tpu.memory_space<vmem>>) semaphore(%arg11 : memref<!tpu.dma_semaphore, #tpu.memory_space<semaphore_mem>>)
      %sub3A_223 = arith.constant 1 : i32
      %sub3A_224 = arith.subi %add3A_206, %sub3A_223 : i32
      %ge3A_225 = arith.constant 0 : i32
      %ge3A_226 = arith.cmpi sge, %sub3A_224, %ge3A_225 : i32
      %convert_element_type3A_227 = arith.extui %ge3A_226 : i1 to i32
      %cond3A_228 = arith.constant 0 : i32
      %cond3A_229 = arith.cmpi ne, %convert_element_type3A_227, %cond3A_228 : i32
      scf.if %cond3A_229 {
        %mul3A_231 = arith.constant 128 : i32
        %mul3A_232 = arith.muli %sub3A_224, %mul3A_231 : i32
        %dma_wait3A_233 = arith.constant 0 : i32
        %dma_wait3A_234 = arith.constant 0 : i32
        %dma_wait3A_235 = arith.constant 0 : i32
        %dma_wait3A_236 = tpu.memref_slice %arg8[%dma_wait3A_233, %dma_wait3A_234, %dma_wait3A_235] : memref<2x128x128xf32, #tpu.memory_space<vmem>> -> memref<1x128x128xf32, #tpu.memory_space<vmem>>
        %dma_wait3A_237 = tpu.memref_squeeze %dma_wait3A_236 : memref<1x128x128xf32, #tpu.memory_space<vmem>> -> memref<128x128xf32, #tpu.memory_space<vmem>>
        %dma_wait3A_238 = tpu.memref_slice %arg7[%mul3A_232] : memref<10240xi32, #tpu.memory_space<vmem>> -> memref<128xi32, #tpu.memory_space<vmem>>
        %dma_wait3A_239 = arith.constant 0 : i32
        %dma_wait3A_240 = arith.constant 0 : i32
        %dma_wait3A_241 = tpu.memref_slice %arg9[%dma_wait3A_239, %dma_wait3A_240] : memref<10240x128xf32, #tpu.memory_space<vmem_shared>> -> memref<10240x128xf32, #tpu.memory_space<vmem_shared>>
        tpu.wait_indirect_dma semaphore(%arg10 : memref<!tpu.dma_semaphore, #tpu.memory_space<semaphore_mem>>) src(%dma_wait3A_241 : memref<10240x128xf32, #tpu.memory_space<vmem_shared>>) dst(%dma_wait3A_237 : memref<128x128xf32, #tpu.memory_space<vmem>>)
        %mul3A_242 = arith.constant 80 : i32
        %mul3A_243 = arith.muli %add3A, %mul3A_242 : i32
        %add3A_244 = arith.addi %mul3A_243, %sub3A_224 : i32
        %mul3A_245 = arith.constant 128 : i32
        %mul3A_246 = arith.muli %add3A_244, %mul3A_245 : i32
        %dma_start3A_247 = arith.constant 0 : i32
        %dma_start3A_248 = arith.constant 0 : i32
        %dma_start3A_249 = arith.constant 0 : i32
        %dma_start3A_250 = tpu.memref_slice %arg8[%dma_start3A_247, %dma_start3A_248, %dma_start3A_249] : memref<2x128x128xf32, #tpu.memory_space<vmem>> -> memref<1x128x128xf32, #tpu.memory_space<vmem>>
        %dma_start3A_251 = tpu.memref_squeeze %dma_start3A_250 : memref<1x128x128xf32, #tpu.memory_space<vmem>> -> memref<128x128xf32, #tpu.memory_space<vmem>>
        %dma_start3A_252 = arith.constant 0 : i32
        %dma_start3A_253 = tpu.memref_slice %arg5[%mul3A_246, %dma_start3A_252] : memref<327680x128xf32, #tpu.memory_space<hbm>> -> memref<128x128xf32, #tpu.memory_space<hbm>>
        %dma_start3A_254 = arith.constant 0 : i32
        %dma_start3A_255 = tpu.memref_slice %arg5[%mul3A_246, %dma_start3A_254] : memref<327680x128xf32, #tpu.memory_space<hbm>> -> memref<128x128xf32, #tpu.memory_space<hbm>>
        %dma_start3A_256 = arith.constant 0 : i32
        %dma_start3A_257 = arith.constant 0 : i32
        %dma_start3A_258 = tpu.memref_slice %arg8[%dma_start3A_247, %dma_start3A_256, %dma_start3A_257] : memref<2x128x128xf32, #tpu.memory_space<vmem>> -> memref<1x128x128xf32, #tpu.memory_space<vmem>>
        %dma_start3A_259 = tpu.memref_squeeze %dma_start3A_258 : memref<1x128x128xf32, #tpu.memory_space<vmem>> -> memref<128x128xf32, #tpu.memory_space<vmem>>
        tpu.enqueue_dma source(%dma_start3A_259 : memref<128x128xf32, #tpu.memory_space<vmem>>) target(%dma_start3A_255 : memref<128x128xf32, #tpu.memory_space<hbm>>) target_semaphore(%arg12 : memref<!tpu.dma_semaphore, #tpu.memory_space<semaphore_mem>>)
      } else {
      }
      %scan3A_230 = arith.constant 0 : i32
      scf.yield %scan3A_230 : i32
    }
    %scan3A_12 = arith.constant 40 : i32
    %dma_wait3A = arith.constant 1 : i32
    %dma_wait3A_13 = arith.constant 0 : i32
    %dma_wait3A_14 = arith.constant 0 : i32
    %dma_wait3A_15 = tpu.memref_slice %arg8[%dma_wait3A, %dma_wait3A_13, %dma_wait3A_14] : memref<2x128x128xf32, #tpu.memory_space<vmem>> -> memref<1x128x128xf32, #tpu.memory_space<vmem>>
    %dma_wait3A_16 = tpu.memref_squeeze %dma_wait3A_15 : memref<1x128x128xf32, #tpu.memory_space<vmem>> -> memref<128x128xf32, #tpu.memory_space<vmem>>
    %dma_wait3A_17 = arith.constant 10112 : i32
    %dma_wait3A_18 = tpu.memref_slice %arg7[%dma_wait3A_17] : memref<10240xi32, #tpu.memory_space<vmem>> -> memref<128xi32, #tpu.memory_space<vmem>>
    %dma_wait3A_19 = arith.constant 0 : i32
    %dma_wait3A_20 = arith.constant 0 : i32
    %dma_wait3A_21 = tpu.memref_slice %arg9[%dma_wait3A_19, %dma_wait3A_20] : memref<10240x128xf32, #tpu.memory_space<vmem_shared>> -> memref<10240x128xf32, #tpu.memory_space<vmem_shared>>
    tpu.wait_indirect_dma semaphore(%arg11 : memref<!tpu.dma_semaphore, #tpu.memory_space<semaphore_mem>>) src(%dma_wait3A_21 : memref<10240x128xf32, #tpu.memory_space<vmem_shared>>) dst(%dma_wait3A_16 : memref<128x128xf32, #tpu.memory_space<vmem>>)
    %mul3A_22 = arith.constant 80 : i32
    %mul3A_23 = arith.muli %add3A, %mul3A_22 : i32
    %add3A_24 = arith.constant 79 : i32
    %add3A_25 = arith.addi %mul3A_23, %add3A_24 : i32
    %mul3A_26 = arith.constant 128 : i32
    %mul3A_27 = arith.muli %add3A_25, %mul3A_26 : i32
    %dma_start3A = arith.constant 1 : i32
    %dma_start3A_28 = arith.constant 0 : i32
    %dma_start3A_29 = arith.constant 0 : i32
    %dma_start3A_30 = tpu.memref_slice %arg8[%dma_start3A, %dma_start3A_28, %dma_start3A_29] : memref<2x128x128xf32, #tpu.memory_space<vmem>> -> memref<1x128x128xf32, #tpu.memory_space<vmem>>
    %dma_start3A_31 = tpu.memref_squeeze %dma_start3A_30 : memref<1x128x128xf32, #tpu.memory_space<vmem>> -> memref<128x128xf32, #tpu.memory_space<vmem>>
    %dma_start3A_32 = arith.constant 0 : i32
    %dma_start3A_33 = tpu.memref_slice %arg5[%mul3A_27, %dma_start3A_32] : memref<327680x128xf32, #tpu.memory_space<hbm>> -> memref<128x128xf32, #tpu.memory_space<hbm>>
    %dma_start3A_34 = arith.constant 0 : i32
    %dma_start3A_35 = tpu.memref_slice %arg5[%mul3A_27, %dma_start3A_34] : memref<327680x128xf32, #tpu.memory_space<hbm>> -> memref<128x128xf32, #tpu.memory_space<hbm>>
    %dma_start3A_36 = arith.constant 0 : i32
    %dma_start3A_37 = arith.constant 0 : i32
    %dma_start3A_38 = tpu.memref_slice %arg8[%dma_start3A, %dma_start3A_36, %dma_start3A_37] : memref<2x128x128xf32, #tpu.memory_space<vmem>> -> memref<1x128x128xf32, #tpu.memory_space<vmem>>
    %dma_start3A_39 = tpu.memref_squeeze %dma_start3A_38 : memref<1x128x128xf32, #tpu.memory_space<vmem>> -> memref<128x128xf32, #tpu.memory_space<vmem>>
    tpu.enqueue_dma source(%dma_start3A_39 : memref<128x128xf32, #tpu.memory_space<vmem>>) target(%dma_start3A_35 : memref<128x128xf32, #tpu.memory_space<hbm>>) target_semaphore(%arg13 : memref<!tpu.dma_semaphore, #tpu.memory_space<semaphore_mem>>)
    %mul3A_40 = arith.constant 80 : i32
    %mul3A_41 = arith.muli %add3A, %mul3A_40 : i32
    %add3A_42 = arith.constant 80 : i32
    %add3A_43 = arith.addi %mul3A_41, %add3A_42 : i32
    %sub3A = arith.constant 2 : i32
    %sub3A_44 = arith.subi %add3A_43, %sub3A : i32
    %add3A_45 = arith.constant 0 : i32
    %add3A_46 = arith.addi %sub3A_44, %add3A_45 : i32
    %mul3A_47 = arith.constant 128 : i32
    %mul3A_48 = arith.muli %add3A_46, %mul3A_47 : i32
    %dma_wait3A_49 = arith.constant 0 : i32
    %dma_wait3A_50 = arith.constant 0 : i32
    %dma_wait3A_51 = arith.constant 0 : i32
    %dma_wait3A_52 = tpu.memref_slice %arg8[%dma_wait3A_49, %dma_wait3A_50, %dma_wait3A_51] : memref<2x128x128xf32, #tpu.memory_space<vmem>> -> memref<1x128x128xf32, #tpu.memory_space<vmem>>
    %dma_wait3A_53 = tpu.memref_squeeze %dma_wait3A_52 : memref<1x128x128xf32, #tpu.memory_space<vmem>> -> memref<128x128xf32, #tpu.memory_space<vmem>>
    %dma_wait3A_54 = arith.constant 0 : i32
    %dma_wait3A_55 = tpu.memref_slice %arg5[%mul3A_48, %dma_wait3A_54] : memref<327680x128xf32, #tpu.memory_space<hbm>> -> memref<128x128xf32, #tpu.memory_space<hbm>>
    %dma_wait3A_56 = arith.constant 0 : i32
    %dma_wait3A_57 = tpu.memref_slice %arg5[%mul3A_48, %dma_wait3A_56] : memref<327680x128xf32, #tpu.memory_space<hbm>> -> memref<128x128xf32, #tpu.memory_space<hbm>>
    %dma_wait3A_58 = arith.constant 0 : i32
    %dma_wait3A_59 = arith.constant 0 : i32
    %dma_wait3A_60 = tpu.memref_slice %arg8[%dma_wait3A_49, %dma_wait3A_58, %dma_wait3A_59] : memref<2x128x128xf32, #tpu.memory_space<vmem>> -> memref<1x128x128xf32, #tpu.memory_space<vmem>>
    %dma_wait3A_61 = tpu.memref_squeeze %dma_wait3A_60 : memref<1x128x128xf32, #tpu.memory_space<vmem>> -> memref<128x128xf32, #tpu.memory_space<vmem>>
    tpu.wait_dma2 semaphore(%arg12 : memref<!tpu.dma_semaphore, #tpu.memory_space<semaphore_mem>>) src(%dma_wait3A_61 : memref<128x128xf32, #tpu.memory_space<vmem>>) dst(%dma_wait3A_57 : memref<128x128xf32, #tpu.memory_space<hbm>>)
    %mul3A_62 = arith.constant 80 : i32
    %mul3A_63 = arith.muli %add3A, %mul3A_62 : i32
    %add3A_64 = arith.constant 80 : i32
    %add3A_65 = arith.addi %mul3A_63, %add3A_64 : i32
    %sub3A_66 = arith.constant 2 : i32
    %sub3A_67 = arith.subi %add3A_65, %sub3A_66 : i32
    %add3A_68 = arith.constant 1 : i32
    %add3A_69 = arith.addi %sub3A_67, %add3A_68 : i32
    %mul3A_70 = arith.constant 128 : i32
    %mul3A_71 = arith.muli %add3A_69, %mul3A_70 : i32
    %dma_wait3A_72 = arith.constant 1 : i32
    %dma_wait3A_73 = arith.constant 0 : i32
    %dma_wait3A_74 = arith.constant 0 : i32
    %dma_wait3A_75 = tpu.memref_slice %arg8[%dma_wait3A_72, %dma_wait3A_73, %dma_wait3A_74] : memref<2x128x128xf32, #tpu.memory_space<vmem>> -> memref<1x128x128xf32, #tpu.memory_space<vmem>>
    %dma_wait3A_76 = tpu.memref_squeeze %dma_wait3A_75 : memref<1x128x128xf32, #tpu.memory_space<vmem>> -> memref<128x128xf32, #tpu.memory_space<vmem>>
    %dma_wait3A_77 = arith.constant 0 : i32
    %dma_wait3A_78 = tpu.memref_slice %arg5[%mul3A_71, %dma_wait3A_77] : memref<327680x128xf32, #tpu.memory_space<hbm>> -> memref<128x128xf32, #tpu.memory_space<hbm>>
    %dma_wait3A_79 = arith.constant 0 : i32
    %dma_wait3A_80 = tpu.memref_slice %arg5[%mul3A_71, %dma_wait3A_79] : memref<327680x128xf32, #tpu.memory_space<hbm>> -> memref<128x128xf32, #tpu.memory_space<hbm>>
    %dma_wait3A_81 = arith.constant 0 : i32
    %dma_wait3A_82 = arith.constant 0 : i32
    %dma_wait3A_83 = tpu.memref_slice %arg8[%dma_wait3A_72, %dma_wait3A_81, %dma_wait3A_82] : memref<2x128x128xf32, #tpu.memory_space<vmem>> -> memref<1x128x128xf32, #tpu.memory_space<vmem>>
    %dma_wait3A_84 = tpu.memref_squeeze %dma_wait3A_83 : memref<1x128x128xf32, #tpu.memory_space<vmem>> -> memref<128x128xf32, #tpu.memory_space<vmem>>
    tpu.wait_dma2 semaphore(%arg13 : memref<!tpu.dma_semaphore, #tpu.memory_space<semaphore_mem>>) src(%dma_wait3A_84 : memref<128x128xf32, #tpu.memory_space<vmem>>) dst(%dma_wait3A_80 : memref<128x128xf32, #tpu.memory_space<hbm>>)
    %barrier3A_85 = arith.constant 0 : index
    tpu.barrier barrier_id(%barrier3A_85)
    %mul3A_86 = arith.constant 640 : i32
    %mul3A_87 = arith.muli %arg1, %mul3A_86 : i32
    %mul3A_88 = arith.constant 640 : i32
    %mul3A_89 = arith.muli %arg1, %mul3A_88 : i32
    %run_scoped3A_90 = arith.constant 1 : i32
    "tpu.region"() ({
      %run_scoped3A_177 = tpu.sem_alloc : memref<!tpu.dma_semaphore, #tpu.memory_space<semaphore_mem>>
      %dma_start3A_178 = arith.constant 0 : i32
      %dma_start3A_179 = tpu.memref_slice %arg9[%mul3A_89, %dma_start3A_178] : memref<10240x128xf32, #tpu.memory_space<vmem_shared>> -> memref<640x128xf32, #tpu.memory_space<vmem_shared>>
      %dma_start3A_180 = arith.constant 0 : i32
      %dma_start3A_181 = tpu.memref_slice %arg2[%run_scoped3A_90, %mul3A_87, %dma_start3A_180] : memref<4x10240x128xf32, #tpu.memory_space<hbm>> -> memref<1x640x128xf32, #tpu.memory_space<hbm>>
      %dma_start3A_182 = tpu.memref_squeeze %dma_start3A_181 : memref<1x640x128xf32, #tpu.memory_space<hbm>> -> memref<640x128xf32, #tpu.memory_space<hbm>>
      tpu.enqueue_dma source(%dma_start3A_182 : memref<640x128xf32, #tpu.memory_space<hbm>>) target(%dma_start3A_179 : memref<640x128xf32, #tpu.memory_space<vmem_shared>>) target_semaphore(%run_scoped3A_177 : memref<!tpu.dma_semaphore, #tpu.memory_space<semaphore_mem>>)
      %dma_wait3A_183 = arith.constant 0 : i32
      %dma_wait3A_184 = tpu.memref_slice %arg9[%mul3A_89, %dma_wait3A_183] : memref<10240x128xf32, #tpu.memory_space<vmem_shared>> -> memref<640x128xf32, #tpu.memory_space<vmem_shared>>
      %dma_wait3A_185 = arith.constant 0 : i32
      %dma_wait3A_186 = tpu.memref_slice %arg2[%run_scoped3A_90, %mul3A_87, %dma_wait3A_185] : memref<4x10240x128xf32, #tpu.memory_space<hbm>> -> memref<1x640x128xf32, #tpu.memory_space<hbm>>
      %dma_wait3A_187 = tpu.memref_squeeze %dma_wait3A_186 : memref<1x640x128xf32, #tpu.memory_space<hbm>> -> memref<640x128xf32, #tpu.memory_space<hbm>>
      tpu.wait_dma2 semaphore(%run_scoped3A_177 : memref<!tpu.dma_semaphore, #tpu.memory_space<semaphore_mem>>) src(%dma_wait3A_187 : memref<640x128xf32, #tpu.memory_space<hbm>>) dst(%dma_wait3A_184 : memref<640x128xf32, #tpu.memory_space<vmem_shared>>)
      tpu.yield
    }) : () -> ()
    %mul3A_91 = arith.constant 10240 : i32
    %mul3A_92 = arith.muli %add3A, %mul3A_91 : i32
    "tpu.region"() ({
      %run_scoped3A_177 = tpu.sem_alloc : memref<!tpu.dma_semaphore, #tpu.memory_space<semaphore_mem>>
      %dma_start3A_178 = tpu.memref_slice %arg4[%mul3A_92] : memref<327680xi32, #tpu.memory_space<hbm>> -> memref<10240xi32, #tpu.memory_space<hbm>>
      %dma_start3A_179 = tpu.memref_slice %arg4[%mul3A_92] : memref<327680xi32, #tpu.memory_space<hbm>> -> memref<10240xi32, #tpu.memory_space<hbm>>
      tpu.enqueue_dma source(%dma_start3A_179 : memref<10240xi32, #tpu.memory_space<hbm>>) target(%arg7 : memref<10240xi32, #tpu.memory_space<vmem>>) target_semaphore(%run_scoped3A_177 : memref<!tpu.dma_semaphore, #tpu.memory_space<semaphore_mem>>)
      %dma_wait3A_180 = tpu.memref_slice %arg4[%mul3A_92] : memref<327680xi32, #tpu.memory_space<hbm>> -> memref<10240xi32, #tpu.memory_space<hbm>>
      %dma_wait3A_181 = tpu.memref_slice %arg4[%mul3A_92] : memref<327680xi32, #tpu.memory_space<hbm>> -> memref<10240xi32, #tpu.memory_space<hbm>>
      tpu.wait_dma2 semaphore(%run_scoped3A_177 : memref<!tpu.dma_semaphore, #tpu.memory_space<semaphore_mem>>) src(%dma_wait3A_181 : memref<10240xi32, #tpu.memory_space<hbm>>) dst(%arg7 : memref<10240xi32, #tpu.memory_space<vmem>>)
      tpu.yield
    }) : () -> ()
    %barrier3A_93 = arith.constant 0 : index
    tpu.barrier barrier_id(%barrier3A_93)
    %scan3A_94 = arith.constant 0 : i32
    %scan3A_95 = arith.constant 0 : i32
    %scan3A_96 = arith.constant 40 : i32
    %scan3A_97 = arith.addi %scan3A_95, %scan3A_96 : i32
    %scan3A_98 = arith.constant 1 : i32
    %scan3A_99 = scf.for %scan3A_177 = %scan3A_95 to %scan3A_97 step %scan3A_98 iter_args(%scan3A_178 = %scan3A_94) -> (i32)  : i32 {
      %mul3A_179 = arith.constant 2 : i32
      %mul3A_180 = arith.muli %mul3A_179, %scan3A_177 : i32
      %add3A_181 = arith.constant 0 : i32
      %add3A_182 = arith.addi %mul3A_180, %add3A_181 : i32
      %ge3A = arith.constant 2 : i32
      %ge3A_183 = arith.cmpi sge, %add3A_182, %ge3A : i32
      %convert_element_type3A = arith.extui %ge3A_183 : i1 to i32
      %cond3A = arith.constant 0 : i32
      %cond3A_184 = arith.cmpi ne, %convert_element_type3A, %cond3A : i32
      scf.if %cond3A_184 {
        %mul3A_231 = arith.constant 80 : i32
        %mul3A_232 = arith.muli %add3A, %mul3A_231 : i32
        %add3A_233 = arith.addi %mul3A_232, %add3A_182 : i32
        %sub3A_234 = arith.constant 2 : i32
        %sub3A_235 = arith.subi %add3A_233, %sub3A_234 : i32
        %mul3A_236 = arith.constant 128 : i32
        %mul3A_237 = arith.muli %sub3A_235, %mul3A_236 : i32
        %dma_wait3A_238 = arith.constant 0 : i32
        %dma_wait3A_239 = arith.constant 0 : i32
        %dma_wait3A_240 = arith.constant 0 : i32
        %dma_wait3A_241 = tpu.memref_slice %arg8[%dma_wait3A_238, %dma_wait3A_239, %dma_wait3A_240] : memref<2x128x128xf32, #tpu.memory_space<vmem>> -> memref<1x128x128xf32, #tpu.memory_space<vmem>>
        %dma_wait3A_242 = tpu.memref_squeeze %dma_wait3A_241 : memref<1x128x128xf32, #tpu.memory_space<vmem>> -> memref<128x128xf32, #tpu.memory_space<vmem>>
        %dma_wait3A_243 = arith.constant 0 : i32
        %dma_wait3A_244 = tpu.memref_slice %arg6[%mul3A_237, %dma_wait3A_243] : memref<327680x128xf32, #tpu.memory_space<hbm>> -> memref<128x128xf32, #tpu.memory_space<hbm>>
        %dma_wait3A_245 = arith.constant 0 : i32
        %dma_wait3A_246 = tpu.memref_slice %arg6[%mul3A_237, %dma_wait3A_245] : memref<327680x128xf32, #tpu.memory_space<hbm>> -> memref<128x128xf32, #tpu.memory_space<hbm>>
        %dma_wait3A_247 = arith.constant 0 : i32
        %dma_wait3A_248 = arith.constant 0 : i32
        %dma_wait3A_249 = tpu.memref_slice %arg8[%dma_wait3A_238, %dma_wait3A_247, %dma_wait3A_248] : memref<2x128x128xf32, #tpu.memory_space<vmem>> -> memref<1x128x128xf32, #tpu.memory_space<vmem>>
        %dma_wait3A_250 = tpu.memref_squeeze %dma_wait3A_249 : memref<1x128x128xf32, #tpu.memory_space<vmem>> -> memref<128x128xf32, #tpu.memory_space<vmem>>
        tpu.wait_dma2 semaphore(%arg12 : memref<!tpu.dma_semaphore, #tpu.memory_space<semaphore_mem>>) src(%dma_wait3A_250 : memref<128x128xf32, #tpu.memory_space<vmem>>) dst(%dma_wait3A_246 : memref<128x128xf32, #tpu.memory_space<hbm>>)
      } else {
      }
      %mul3A_185 = arith.constant 128 : i32
      %mul3A_186 = arith.muli %add3A_182, %mul3A_185 : i32
      %dma_start3A_187 = arith.constant 0 : i32
      %dma_start3A_188 = arith.constant 0 : i32
      %dma_start3A_189 = arith.constant 0 : i32
      %dma_start3A_190 = tpu.memref_slice %arg8[%dma_start3A_187, %dma_start3A_188, %dma_start3A_189] : memref<2x128x128xf32, #tpu.memory_space<vmem>> -> memref<1x128x128xf32, #tpu.memory_space<vmem>>
      %dma_start3A_191 = tpu.memref_squeeze %dma_start3A_190 : memref<1x128x128xf32, #tpu.memory_space<vmem>> -> memref<128x128xf32, #tpu.memory_space<vmem>>
      %dma_start3A_192 = tpu.memref_slice %arg7[%mul3A_186] : memref<10240xi32, #tpu.memory_space<vmem>> -> memref<128xi32, #tpu.memory_space<vmem>>
      %dma_start3A_193 = arith.constant 0 : i32
      %dma_start3A_194 = arith.constant 0 : i32
      %dma_start3A_195 = tpu.memref_slice %arg9[%dma_start3A_193, %dma_start3A_194] : memref<10240x128xf32, #tpu.memory_space<vmem_shared>> -> memref<10240x128xf32, #tpu.memory_space<vmem_shared>>
      tpu.enqueue_indirect_dma source(%dma_start3A_195 : memref<10240x128xf32, #tpu.memory_space<vmem_shared>>) target(%dma_start3A_191 : memref<128x128xf32, #tpu.memory_space<vmem>>) offsets(%dma_start3A_192 : memref<128xi32, #tpu.memory_space<vmem>>) semaphore(%arg10 : memref<!tpu.dma_semaphore, #tpu.memory_space<semaphore_mem>>)
      %sub3A_196 = arith.constant 1 : i32
      %sub3A_197 = arith.subi %add3A_182, %sub3A_196 : i32
      %ge3A_198 = arith.constant 0 : i32
      %ge3A_199 = arith.cmpi sge, %sub3A_197, %ge3A_198 : i32
      %convert_element_type3A_200 = arith.extui %ge3A_199 : i1 to i32
      %cond3A_201 = arith.constant 0 : i32
      %cond3A_202 = arith.cmpi ne, %convert_element_type3A_200, %cond3A_201 : i32
      scf.if %cond3A_202 {
        %mul3A_231 = arith.constant 128 : i32
        %mul3A_232 = arith.muli %sub3A_197, %mul3A_231 : i32
        %dma_wait3A_233 = arith.constant 1 : i32
        %dma_wait3A_234 = arith.constant 0 : i32
        %dma_wait3A_235 = arith.constant 0 : i32
        %dma_wait3A_236 = tpu.memref_slice %arg8[%dma_wait3A_233, %dma_wait3A_234, %dma_wait3A_235] : memref<2x128x128xf32, #tpu.memory_space<vmem>> -> memref<1x128x128xf32, #tpu.memory_space<vmem>>
        %dma_wait3A_237 = tpu.memref_squeeze %dma_wait3A_236 : memref<1x128x128xf32, #tpu.memory_space<vmem>> -> memref<128x128xf32, #tpu.memory_space<vmem>>
        %dma_wait3A_238 = tpu.memref_slice %arg7[%mul3A_232] : memref<10240xi32, #tpu.memory_space<vmem>> -> memref<128xi32, #tpu.memory_space<vmem>>
        %dma_wait3A_239 = arith.constant 0 : i32
        %dma_wait3A_240 = arith.constant 0 : i32
        %dma_wait3A_241 = tpu.memref_slice %arg9[%dma_wait3A_239, %dma_wait3A_240] : memref<10240x128xf32, #tpu.memory_space<vmem_shared>> -> memref<10240x128xf32, #tpu.memory_space<vmem_shared>>
        tpu.wait_indirect_dma semaphore(%arg11 : memref<!tpu.dma_semaphore, #tpu.memory_space<semaphore_mem>>) src(%dma_wait3A_241 : memref<10240x128xf32, #tpu.memory_space<vmem_shared>>) dst(%dma_wait3A_237 : memref<128x128xf32, #tpu.memory_space<vmem>>)
        %mul3A_242 = arith.constant 80 : i32
        %mul3A_243 = arith.muli %add3A, %mul3A_242 : i32
        %add3A_244 = arith.addi %mul3A_243, %sub3A_197 : i32
        %mul3A_245 = arith.constant 128 : i32
        %mul3A_246 = arith.muli %add3A_244, %mul3A_245 : i32
        %dma_start3A_247 = arith.constant 1 : i32
        %dma_start3A_248 = arith.constant 0 : i32
        %dma_start3A_249 = arith.constant 0 : i32
        %dma_start3A_250 = tpu.memref_slice %arg8[%dma_start3A_247, %dma_start3A_248, %dma_start3A_249] : memref<2x128x128xf32, #tpu.memory_space<vmem>> -> memref<1x128x128xf32, #tpu.memory_space<vmem>>
        %dma_start3A_251 = tpu.memref_squeeze %dma_start3A_250 : memref<1x128x128xf32, #tpu.memory_space<vmem>> -> memref<128x128xf32, #tpu.memory_space<vmem>>
        %dma_start3A_252 = arith.constant 0 : i32
        %dma_start3A_253 = tpu.memref_slice %arg6[%mul3A_246, %dma_start3A_252] : memref<327680x128xf32, #tpu.memory_space<hbm>> -> memref<128x128xf32, #tpu.memory_space<hbm>>
        %dma_start3A_254 = arith.constant 0 : i32
        %dma_start3A_255 = tpu.memref_slice %arg6[%mul3A_246, %dma_start3A_254] : memref<327680x128xf32, #tpu.memory_space<hbm>> -> memref<128x128xf32, #tpu.memory_space<hbm>>
        %dma_start3A_256 = arith.constant 0 : i32
        %dma_start3A_257 = arith.constant 0 : i32
        %dma_start3A_258 = tpu.memref_slice %arg8[%dma_start3A_247, %dma_start3A_256, %dma_start3A_257] : memref<2x128x128xf32, #tpu.memory_space<vmem>> -> memref<1x128x128xf32, #tpu.memory_space<vmem>>
        %dma_start3A_259 = tpu.memref_squeeze %dma_start3A_258 : memref<1x128x128xf32, #tpu.memory_space<vmem>> -> memref<128x128xf32, #tpu.memory_space<vmem>>
        tpu.enqueue_dma source(%dma_start3A_259 : memref<128x128xf32, #tpu.memory_space<vmem>>) target(%dma_start3A_255 : memref<128x128xf32, #tpu.memory_space<hbm>>) target_semaphore(%arg13 : memref<!tpu.dma_semaphore, #tpu.memory_space<semaphore_mem>>)
      } else {
      }
      %mul3A_203 = arith.constant 2 : i32
      %mul3A_204 = arith.muli %mul3A_203, %scan3A_177 : i32
      %add3A_205 = arith.constant 1 : i32
      %add3A_206 = arith.addi %mul3A_204, %add3A_205 : i32
      %ge3A_207 = arith.constant 2 : i32
      %ge3A_208 = arith.cmpi sge, %add3A_206, %ge3A_207 : i32
      %convert_element_type3A_209 = arith.extui %ge3A_208 : i1 to i32
      %cond3A_210 = arith.constant 0 : i32
      %cond3A_211 = arith.cmpi ne, %convert_element_type3A_209, %cond3A_210 : i32
      scf.if %cond3A_211 {
        %mul3A_231 = arith.constant 80 : i32
        %mul3A_232 = arith.muli %add3A, %mul3A_231 : i32
        %add3A_233 = arith.addi %mul3A_232, %add3A_206 : i32
        %sub3A_234 = arith.constant 2 : i32
        %sub3A_235 = arith.subi %add3A_233, %sub3A_234 : i32
        %mul3A_236 = arith.constant 128 : i32
        %mul3A_237 = arith.muli %sub3A_235, %mul3A_236 : i32
        %dma_wait3A_238 = arith.constant 1 : i32
        %dma_wait3A_239 = arith.constant 0 : i32
        %dma_wait3A_240 = arith.constant 0 : i32
        %dma_wait3A_241 = tpu.memref_slice %arg8[%dma_wait3A_238, %dma_wait3A_239, %dma_wait3A_240] : memref<2x128x128xf32, #tpu.memory_space<vmem>> -> memref<1x128x128xf32, #tpu.memory_space<vmem>>
        %dma_wait3A_242 = tpu.memref_squeeze %dma_wait3A_241 : memref<1x128x128xf32, #tpu.memory_space<vmem>> -> memref<128x128xf32, #tpu.memory_space<vmem>>
        %dma_wait3A_243 = arith.constant 0 : i32
        %dma_wait3A_244 = tpu.memref_slice %arg6[%mul3A_237, %dma_wait3A_243] : memref<327680x128xf32, #tpu.memory_space<hbm>> -> memref<128x128xf32, #tpu.memory_space<hbm>>
        %dma_wait3A_245 = arith.constant 0 : i32
        %dma_wait3A_246 = tpu.memref_slice %arg6[%mul3A_237, %dma_wait3A_245] : memref<327680x128xf32, #tpu.memory_space<hbm>> -> memref<128x128xf32, #tpu.memory_space<hbm>>
        %dma_wait3A_247 = arith.constant 0 : i32
        %dma_wait3A_248 = arith.constant 0 : i32
        %dma_wait3A_249 = tpu.memref_slice %arg8[%dma_wait3A_238, %dma_wait3A_247, %dma_wait3A_248] : memref<2x128x128xf32, #tpu.memory_space<vmem>> -> memref<1x128x128xf32, #tpu.memory_space<vmem>>
        %dma_wait3A_250 = tpu.memref_squeeze %dma_wait3A_249 : memref<1x128x128xf32, #tpu.memory_space<vmem>> -> memref<128x128xf32, #tpu.memory_space<vmem>>
        tpu.wait_dma2 semaphore(%arg13 : memref<!tpu.dma_semaphore, #tpu.memory_space<semaphore_mem>>) src(%dma_wait3A_250 : memref<128x128xf32, #tpu.memory_space<vmem>>) dst(%dma_wait3A_246 : memref<128x128xf32, #tpu.memory_space<hbm>>)
      } else {
      }
      %mul3A_212 = arith.constant 128 : i32
      %mul3A_213 = arith.muli %add3A_206, %mul3A_212 : i32
      %dma_start3A_214 = arith.constant 1 : i32
      %dma_start3A_215 = arith.constant 0 : i32
      %dma_start3A_216 = arith.constant 0 : i32
      %dma_start3A_217 = tpu.memref_slice %arg8[%dma_start3A_214, %dma_start3A_215, %dma_start3A_216] : memref<2x128x128xf32, #tpu.memory_space<vmem>> -> memref<1x128x128xf32, #tpu.memory_space<vmem>>
      %dma_start3A_218 = tpu.memref_squeeze %dma_start3A_217 : memref<1x128x128xf32, #tpu.memory_space<vmem>> -> memref<128x128xf32, #tpu.memory_space<vmem>>
      %dma_start3A_219 = tpu.memref_slice %arg7[%mul3A_213] : memref<10240xi32, #tpu.memory_space<vmem>> -> memref<128xi32, #tpu.memory_space<vmem>>
      %dma_start3A_220 = arith.constant 0 : i32
      %dma_start3A_221 = arith.constant 0 : i32
      %dma_start3A_222 = tpu.memref_slice %arg9[%dma_start3A_220, %dma_start3A_221] : memref<10240x128xf32, #tpu.memory_space<vmem_shared>> -> memref<10240x128xf32, #tpu.memory_space<vmem_shared>>
      tpu.enqueue_indirect_dma source(%dma_start3A_222 : memref<10240x128xf32, #tpu.memory_space<vmem_shared>>) target(%dma_start3A_218 : memref<128x128xf32, #tpu.memory_space<vmem>>) offsets(%dma_start3A_219 : memref<128xi32, #tpu.memory_space<vmem>>) semaphore(%arg11 : memref<!tpu.dma_semaphore, #tpu.memory_space<semaphore_mem>>)
      %sub3A_223 = arith.constant 1 : i32
      %sub3A_224 = arith.subi %add3A_206, %sub3A_223 : i32
      %ge3A_225 = arith.constant 0 : i32
      %ge3A_226 = arith.cmpi sge, %sub3A_224, %ge3A_225 : i32
      %convert_element_type3A_227 = arith.extui %ge3A_226 : i1 to i32
      %cond3A_228 = arith.constant 0 : i32
      %cond3A_229 = arith.cmpi ne, %convert_element_type3A_227, %cond3A_228 : i32
      scf.if %cond3A_229 {
        %mul3A_231 = arith.constant 128 : i32
        %mul3A_232 = arith.muli %sub3A_224, %mul3A_231 : i32
        %dma_wait3A_233 = arith.constant 0 : i32
        %dma_wait3A_234 = arith.constant 0 : i32
        %dma_wait3A_235 = arith.constant 0 : i32
        %dma_wait3A_236 = tpu.memref_slice %arg8[%dma_wait3A_233, %dma_wait3A_234, %dma_wait3A_235] : memref<2x128x128xf32, #tpu.memory_space<vmem>> -> memref<1x128x128xf32, #tpu.memory_space<vmem>>
        %dma_wait3A_237 = tpu.memref_squeeze %dma_wait3A_236 : memref<1x128x128xf32, #tpu.memory_space<vmem>> -> memref<128x128xf32, #tpu.memory_space<vmem>>
        %dma_wait3A_238 = tpu.memref_slice %arg7[%mul3A_232] : memref<10240xi32, #tpu.memory_space<vmem>> -> memref<128xi32, #tpu.memory_space<vmem>>
        %dma_wait3A_239 = arith.constant 0 : i32
        %dma_wait3A_240 = arith.constant 0 : i32
        %dma_wait3A_241 = tpu.memref_slice %arg9[%dma_wait3A_239, %dma_wait3A_240] : memref<10240x128xf32, #tpu.memory_space<vmem_shared>> -> memref<10240x128xf32, #tpu.memory_space<vmem_shared>>
        tpu.wait_indirect_dma semaphore(%arg10 : memref<!tpu.dma_semaphore, #tpu.memory_space<semaphore_mem>>) src(%dma_wait3A_241 : memref<10240x128xf32, #tpu.memory_space<vmem_shared>>) dst(%dma_wait3A_237 : memref<128x128xf32, #tpu.memory_space<vmem>>)
        %mul3A_242 = arith.constant 80 : i32
        %mul3A_243 = arith.muli %add3A, %mul3A_242 : i32
        %add3A_244 = arith.addi %mul3A_243, %sub3A_224 : i32
        %mul3A_245 = arith.constant 128 : i32
        %mul3A_246 = arith.muli %add3A_244, %mul3A_245 : i32
        %dma_start3A_247 = arith.constant 0 : i32
        %dma_start3A_248 = arith.constant 0 : i32
        %dma_start3A_249 = arith.constant 0 : i32
        %dma_start3A_250 = tpu.memref_slice %arg8[%dma_start3A_247, %dma_start3A_248, %dma_start3A_249] : memref<2x128x128xf32, #tpu.memory_space<vmem>> -> memref<1x128x128xf32, #tpu.memory_space<vmem>>
        %dma_start3A_251 = tpu.memref_squeeze %dma_start3A_250 : memref<1x128x128xf32, #tpu.memory_space<vmem>> -> memref<128x128xf32, #tpu.memory_space<vmem>>
        %dma_start3A_252 = arith.constant 0 : i32
        %dma_start3A_253 = tpu.memref_slice %arg6[%mul3A_246, %dma_start3A_252] : memref<327680x128xf32, #tpu.memory_space<hbm>> -> memref<128x128xf32, #tpu.memory_space<hbm>>
        %dma_start3A_254 = arith.constant 0 : i32
        %dma_start3A_255 = tpu.memref_slice %arg6[%mul3A_246, %dma_start3A_254] : memref<327680x128xf32, #tpu.memory_space<hbm>> -> memref<128x128xf32, #tpu.memory_space<hbm>>
        %dma_start3A_256 = arith.constant 0 : i32
        %dma_start3A_257 = arith.constant 0 : i32
        %dma_start3A_258 = tpu.memref_slice %arg8[%dma_start3A_247, %dma_start3A_256, %dma_start3A_257] : memref<2x128x128xf32, #tpu.memory_space<vmem>> -> memref<1x128x128xf32, #tpu.memory_space<vmem>>
        %dma_start3A_259 = tpu.memref_squeeze %dma_start3A_258 : memref<1x128x128xf32, #tpu.memory_space<vmem>> -> memref<128x128xf32, #tpu.memory_space<vmem>>
        tpu.enqueue_dma source(%dma_start3A_259 : memref<128x128xf32, #tpu.memory_space<vmem>>) target(%dma_start3A_255 : memref<128x128xf32, #tpu.memory_space<hbm>>) target_semaphore(%arg12 : memref<!tpu.dma_semaphore, #tpu.memory_space<semaphore_mem>>)
      } else {
      }
      %scan3A_230 = arith.constant 0 : i32
      scf.yield %scan3A_230 : i32
    }
    %scan3A_100 = arith.constant 40 : i32
    %dma_wait3A_101 = arith.constant 1 : i32
    %dma_wait3A_102 = arith.constant 0 : i32
    %dma_wait3A_103 = arith.constant 0 : i32
    %dma_wait3A_104 = tpu.memref_slice %arg8[%dma_wait3A_101, %dma_wait3A_102, %dma_wait3A_103] : memref<2x128x128xf32, #tpu.memory_space<vmem>> -> memref<1x128x128xf32, #tpu.memory_space<vmem>>
    %dma_wait3A_105 = tpu.memref_squeeze %dma_wait3A_104 : memref<1x128x128xf32, #tpu.memory_space<vmem>> -> memref<128x128xf32, #tpu.memory_space<vmem>>
    %dma_wait3A_106 = arith.constant 10112 : i32
    %dma_wait3A_107 = tpu.memref_slice %arg7[%dma_wait3A_106] : memref<10240xi32, #tpu.memory_space<vmem>> -> memref<128xi32, #tpu.memory_space<vmem>>
    %dma_wait3A_108 = arith.constant 0 : i32
    %dma_wait3A_109 = arith.constant 0 : i32
    %dma_wait3A_110 = tpu.memref_slice %arg9[%dma_wait3A_108, %dma_wait3A_109] : memref<10240x128xf32, #tpu.memory_space<vmem_shared>> -> memref<10240x128xf32, #tpu.memory_space<vmem_shared>>
    tpu.wait_indirect_dma semaphore(%arg11 : memref<!tpu.dma_semaphore, #tpu.memory_space<semaphore_mem>>) src(%dma_wait3A_110 : memref<10240x128xf32, #tpu.memory_space<vmem_shared>>) dst(%dma_wait3A_105 : memref<128x128xf32, #tpu.memory_space<vmem>>)
    %mul3A_111 = arith.constant 80 : i32
    %mul3A_112 = arith.muli %add3A, %mul3A_111 : i32
    %add3A_113 = arith.constant 79 : i32
    %add3A_114 = arith.addi %mul3A_112, %add3A_113 : i32
    %mul3A_115 = arith.constant 128 : i32
    %mul3A_116 = arith.muli %add3A_114, %mul3A_115 : i32
    %dma_start3A_117 = arith.constant 1 : i32
    %dma_start3A_118 = arith.constant 0 : i32
    %dma_start3A_119 = arith.constant 0 : i32
    %dma_start3A_120 = tpu.memref_slice %arg8[%dma_start3A_117, %dma_start3A_118, %dma_start3A_119] : memref<2x128x128xf32, #tpu.memory_space<vmem>> -> memref<1x128x128xf32, #tpu.memory_space<vmem>>
    %dma_start3A_121 = tpu.memref_squeeze %dma_start3A_120 : memref<1x128x128xf32, #tpu.memory_space<vmem>> -> memref<128x128xf32, #tpu.memory_space<vmem>>
    %dma_start3A_122 = arith.constant 0 : i32
    %dma_start3A_123 = tpu.memref_slice %arg6[%mul3A_116, %dma_start3A_122] : memref<327680x128xf32, #tpu.memory_space<hbm>> -> memref<128x128xf32, #tpu.memory_space<hbm>>
    %dma_start3A_124 = arith.constant 0 : i32
    %dma_start3A_125 = tpu.memref_slice %arg6[%mul3A_116, %dma_start3A_124] : memref<327680x128xf32, #tpu.memory_space<hbm>> -> memref<128x128xf32, #tpu.memory_space<hbm>>
    %dma_start3A_126 = arith.constant 0 : i32
    %dma_start3A_127 = arith.constant 0 : i32
    %dma_start3A_128 = tpu.memref_slice %arg8[%dma_start3A_117, %dma_start3A_126, %dma_start3A_127] : memref<2x128x128xf32, #tpu.memory_space<vmem>> -> memref<1x128x128xf32, #tpu.memory_space<vmem>>
    %dma_start3A_129 = tpu.memref_squeeze %dma_start3A_128 : memref<1x128x128xf32, #tpu.memory_space<vmem>> -> memref<128x128xf32, #tpu.memory_space<vmem>>
    tpu.enqueue_dma source(%dma_start3A_129 : memref<128x128xf32, #tpu.memory_space<vmem>>) target(%dma_start3A_125 : memref<128x128xf32, #tpu.memory_space<hbm>>) target_semaphore(%arg13 : memref<!tpu.dma_semaphore, #tpu.memory_space<semaphore_mem>>)
    %mul3A_130 = arith.constant 80 : i32
    %mul3A_131 = arith.muli %add3A, %mul3A_130 : i32
    %add3A_132 = arith.constant 80 : i32
    %add3A_133 = arith.addi %mul3A_131, %add3A_132 : i32
    %sub3A_134 = arith.constant 2 : i32
    %sub3A_135 = arith.subi %add3A_133, %sub3A_134 : i32
    %add3A_136 = arith.constant 0 : i32
    %add3A_137 = arith.addi %sub3A_135, %add3A_136 : i32
    %mul3A_138 = arith.constant 128 : i32
    %mul3A_139 = arith.muli %add3A_137, %mul3A_138 : i32
    %dma_wait3A_140 = arith.constant 0 : i32
    %dma_wait3A_141 = arith.constant 0 : i32
    %dma_wait3A_142 = arith.constant 0 : i32
    %dma_wait3A_143 = tpu.memref_slice %arg8[%dma_wait3A_140, %dma_wait3A_141, %dma_wait3A_142] : memref<2x128x128xf32, #tpu.memory_space<vmem>> -> memref<1x128x128xf32, #tpu.memory_space<vmem>>
    %dma_wait3A_144 = tpu.memref_squeeze %dma_wait3A_143 : memref<1x128x128xf32, #tpu.memory_space<vmem>> -> memref<128x128xf32, #tpu.memory_space<vmem>>
    %dma_wait3A_145 = arith.constant 0 : i32
    %dma_wait3A_146 = tpu.memref_slice %arg6[%mul3A_139, %dma_wait3A_145] : memref<327680x128xf32, #tpu.memory_space<hbm>> -> memref<128x128xf32, #tpu.memory_space<hbm>>
    %dma_wait3A_147 = arith.constant 0 : i32
    %dma_wait3A_148 = tpu.memref_slice %arg6[%mul3A_139, %dma_wait3A_147] : memref<327680x128xf32, #tpu.memory_space<hbm>> -> memref<128x128xf32, #tpu.memory_space<hbm>>
    %dma_wait3A_149 = arith.constant 0 : i32
    %dma_wait3A_150 = arith.constant 0 : i32
    %dma_wait3A_151 = tpu.memref_slice %arg8[%dma_wait3A_140, %dma_wait3A_149, %dma_wait3A_150] : memref<2x128x128xf32, #tpu.memory_space<vmem>> -> memref<1x128x128xf32, #tpu.memory_space<vmem>>
    %dma_wait3A_152 = tpu.memref_squeeze %dma_wait3A_151 : memref<1x128x128xf32, #tpu.memory_space<vmem>> -> memref<128x128xf32, #tpu.memory_space<vmem>>
    tpu.wait_dma2 semaphore(%arg12 : memref<!tpu.dma_semaphore, #tpu.memory_space<semaphore_mem>>) src(%dma_wait3A_152 : memref<128x128xf32, #tpu.memory_space<vmem>>) dst(%dma_wait3A_148 : memref<128x128xf32, #tpu.memory_space<hbm>>)
    %mul3A_153 = arith.constant 80 : i32
    %mul3A_154 = arith.muli %add3A, %mul3A_153 : i32
    %add3A_155 = arith.constant 80 : i32
    %add3A_156 = arith.addi %mul3A_154, %add3A_155 : i32
    %sub3A_157 = arith.constant 2 : i32
    %sub3A_158 = arith.subi %add3A_156, %sub3A_157 : i32
    %add3A_159 = arith.constant 1 : i32
    %add3A_160 = arith.addi %sub3A_158, %add3A_159 : i32
    %mul3A_161 = arith.constant 128 : i32
    %mul3A_162 = arith.muli %add3A_160, %mul3A_161 : i32
    %dma_wait3A_163 = arith.constant 1 : i32
    %dma_wait3A_164 = arith.constant 0 : i32
    %dma_wait3A_165 = arith.constant 0 : i32
    %dma_wait3A_166 = tpu.memref_slice %arg8[%dma_wait3A_163, %dma_wait3A_164, %dma_wait3A_165] : memref<2x128x128xf32, #tpu.memory_space<vmem>> -> memref<1x128x128xf32, #tpu.memory_space<vmem>>
    %dma_wait3A_167 = tpu.memref_squeeze %dma_wait3A_166 : memref<1x128x128xf32, #tpu.memory_space<vmem>> -> memref<128x128xf32, #tpu.memory_space<vmem>>
    %dma_wait3A_168 = arith.constant 0 : i32
    %dma_wait3A_169 = tpu.memref_slice %arg6[%mul3A_162, %dma_wait3A_168] : memref<327680x128xf32, #tpu.memory_space<hbm>> -> memref<128x128xf32, #tpu.memory_space<hbm>>
    %dma_wait3A_170 = arith.constant 0 : i32
    %dma_wait3A_171 = tpu.memref_slice %arg6[%mul3A_162, %dma_wait3A_170] : memref<327680x128xf32, #tpu.memory_space<hbm>> -> memref<128x128xf32, #tpu.memory_space<hbm>>
    %dma_wait3A_172 = arith.constant 0 : i32
    %dma_wait3A_173 = arith.constant 0 : i32
    %dma_wait3A_174 = tpu.memref_slice %arg8[%dma_wait3A_163, %dma_wait3A_172, %dma_wait3A_173] : memref<2x128x128xf32, #tpu.memory_space<vmem>> -> memref<1x128x128xf32, #tpu.memory_space<vmem>>
    %dma_wait3A_175 = tpu.memref_squeeze %dma_wait3A_174 : memref<1x128x128xf32, #tpu.memory_space<vmem>> -> memref<128x128xf32, #tpu.memory_space<vmem>>
    tpu.wait_dma2 semaphore(%arg13 : memref<!tpu.dma_semaphore, #tpu.memory_space<semaphore_mem>>) src(%dma_wait3A_175 : memref<128x128xf32, #tpu.memory_space<vmem>>) dst(%dma_wait3A_171 : memref<128x128xf32, #tpu.memory_space<hbm>>)
    %barrier3A_176 = arith.constant 0 : index
    tpu.barrier barrier_id(%barrier3A_176)
    return
  }
}

module attributes {stable_mosaic.version = 14 : i64} {
  func.func @_proj_body(%arg0: i32, %arg1: i32, %arg2: memref<1000x128xf32, #tpu.memory_space<vmem>>, %arg3: memref<1x128x128xf32, #tpu.memory_space<vmem>>, %arg4: memref<1x1000x128xf32, #tpu.memory_space<vmem>>) attributes {dimension_semantics = [#tpu.dimension_semantics<arbitrary>, #tpu.dimension_semantics<arbitrary>], iteration_bounds = array<i64: 4, 10>, scalar_prefetch = 0 : i64, scratch_operands = 0 : i64, tpu.core_type = #tpu.core_type<tc>, window_params = [{transform_indices = @transform_0, window_bounds = array<i64: 1000, 128>}, {transform_indices = @transform_1, window_bounds = array<i64: 1, 128, 128>}, {transform_indices = @transform_2, window_bounds = array<i64: 1, 1000, 128>}]} {
    %get3A = arith.constant 0 : index
    %get3A_0 = arith.constant 0 : index
    %get3A_1 = vector.load %arg2[%get3A, %get3A_0] : memref<1000x128xf32, #tpu.memory_space<vmem>>, vector<1000x128xf32>
    %get3A_2 = arith.constant 0 : index
    %get3A_3 = arith.constant 0 : index
    %get3A_4 = arith.constant 0 : index
    %get3A_5 = vector.load %arg3[%get3A_2, %get3A_3, %get3A_4] : memref<1x128x128xf32, #tpu.memory_space<vmem>>, vector<1x128x128xf32>
    %get3A_6 = vector.shape_cast %get3A_5 : vector<1x128x128xf32> to vector<128x128xf32>
    %dot_general3A = arith.constant dense<0.000000e+00> : vector<1000x128xf32>
    %dot_general3A_7 = tpu.matmul %get3A_1, %get3A_6, %dot_general3A {dimension_numbers = #tpu.dot_dimension_numbers<[1], [0], [0], [1], [0, 0, 1, 1], [], []>, transpose_lhs_hint = false} : vector<1000x128xf32>, vector<128x128xf32>, vector<1000x128xf32> -> vector<1000x128xf32>
    %swap3A = arith.constant 0 : index
    %swap3A_8 = arith.constant 0 : index
    %swap3A_9 = arith.constant 0 : index
    %swap3A_10 = vector.load %arg4[%swap3A, %swap3A_8, %swap3A_9] : memref<1x1000x128xf32, #tpu.memory_space<vmem>>, vector<1x1000x128xf32>
    %swap3A_11 = vector.shape_cast %swap3A_10 : vector<1x1000x128xf32> to vector<1000x128xf32>
    %swap3A_12 = vector.shape_cast %dot_general3A_7 : vector<1000x128xf32> to vector<1x1000x128xf32>
    tpu.vector_store %arg4[%swap3A, %swap3A_8, %swap3A_9], %swap3A_12 {strides = array<i32>} : memref<1x1000x128xf32, #tpu.memory_space<vmem>>, vector<1x1000x128xf32>,
    return
  }
  func.func @transform_0(%arg0: i32, %arg1: i32) -> (i32, i32) {
    %c0_i32 = arith.constant 0 : i32
    %c0_i32_0 = arith.constant 0 : i32
    return %arg1, %c0_i32 : i32, i32
  }
  func.func @transform_1(%arg0: i32, %arg1: i32) -> (i32, i32, i32) {
    %c0_i32 = arith.constant 0 : i32
    %c0_i32_0 = arith.constant 0 : i32
    %c0_i32_1 = arith.constant 0 : i32
    return %arg0, %c0_i32, %c0_i32_0 : i32, i32, i32
  }
  func.func @transform_2(%arg0: i32, %arg1: i32) -> (i32, i32, i32) {
    %c0_i32 = arith.constant 0 : i32
    %c0_i32_0 = arith.constant 0 : i32
    return %arg0, %arg1, %c0_i32 : i32, i32, i32
  }
}

module attributes {stable_mosaic.version = 14 : i64} {
  func.func @_edge_body(%arg0: i32, %arg1: memref<2048x128xf32, #tpu.memory_space<vmem>>, %arg2: memref<2048x128xf32, #tpu.memory_space<vmem>>, %arg3: memref<2048x128xf32, #tpu.memory_space<vmem>>, %arg4: memref<128x128xf32, #tpu.memory_space<vmem>>, %arg5: memref<1x128xf32, #tpu.memory_space<vmem>>, %arg6: memref<128x128xf32, #tpu.memory_space<vmem>>, %arg7: memref<1x128xf32, #tpu.memory_space<vmem>>, %arg8: memref<2048x128xf32, #tpu.memory_space<vmem>>, %arg9: memref<2048x128xf32, #tpu.memory_space<vmem>>) attributes {dimension_semantics = [#tpu.dimension_semantics<arbitrary>], iteration_bounds = array<i64: 157>, scalar_prefetch = 0 : i64, scratch_operands = 0 : i64, tpu.core_type = #tpu.core_type<tc>, window_params = [{transform_indices = @transform_0, window_bounds = array<i64: 2048, 128>}, {transform_indices = @transform_1, window_bounds = array<i64: 2048, 128>}, {transform_indices = @transform_2, window_bounds = array<i64: 2048, 128>}, {pipeline_mode = #tpu.pipeline_mode<synchronous>, transform_indices = @transform_3, window_bounds = array<i64: 128, 128>}, {pipeline_mode = #tpu.pipeline_mode<synchronous>, transform_indices = @transform_4, window_bounds = array<i64: 1, 128>}, {pipeline_mode = #tpu.pipeline_mode<synchronous>, transform_indices = @transform_5, window_bounds = array<i64: 128, 128>}, {pipeline_mode = #tpu.pipeline_mode<synchronous>, transform_indices = @transform_6, window_bounds = array<i64: 1, 128>}, {transform_indices = @transform_7, window_bounds = array<i64: 2048, 128>}, {transform_indices = @transform_8, window_bounds = array<i64: 2048, 128>}]} {
    %get3A = arith.constant 0 : index
    %get3A_0 = arith.constant 0 : index
    %get3A_1 = vector.load %arg3[%get3A, %get3A_0] : memref<2048x128xf32, #tpu.memory_space<vmem>>, vector<2048x128xf32>
    %get3A_2 = arith.constant 0 : index
    %get3A_3 = arith.constant 0 : index
    %get3A_4 = vector.load %arg1[%get3A_2, %get3A_3] : memref<2048x128xf32, #tpu.memory_space<vmem>>, vector<2048x128xf32>
    %get3A_5 = arith.constant 0 : index
    %get3A_6 = arith.constant 0 : index
    %get3A_7 = vector.load %arg2[%get3A_5, %get3A_6] : memref<2048x128xf32, #tpu.memory_space<vmem>>, vector<2048x128xf32>
    %add3A = arith.addf %get3A_4, %get3A_7 : vector<2048x128xf32>
    %get3A_8 = arith.constant 0 : index
    %get3A_9 = arith.constant 0 : index
    %get3A_10 = vector.load %arg4[%get3A_8, %get3A_9] : memref<128x128xf32, #tpu.memory_space<vmem>>, vector<128x128xf32>
    %dot_general3A = arith.constant dense<0.000000e+00> : vector<2048x128xf32>
    %dot_general3A_11 = tpu.matmul %get3A_1, %get3A_10, %dot_general3A {dimension_numbers = #tpu.dot_dimension_numbers<[1], [0], [0], [1], [0, 0, 1, 1], [], []>, transpose_lhs_hint = false} : vector<2048x128xf32>, vector<128x128xf32>, vector<2048x128xf32> -> vector<2048x128xf32>
    %add3A_12 = arith.addf %add3A, %dot_general3A_11 : vector<2048x128xf32>
    %get3A_13 = arith.constant 0 : index
    %get3A_14 = arith.constant 0 : index
    %get3A_15 = vector.load %arg5[%get3A_13, %get3A_14] : memref<1x128xf32, #tpu.memory_space<vmem>>, vector<1x128xf32>
    %add3A_16 = vector.broadcast %get3A_15 : vector<1x128xf32> to vector<2048x128xf32>
    %add3A_17 = arith.addf %add3A_12, %add3A_16 : vector<2048x128xf32>
    %max3A = arith.constant 0.000000e+00 : f32
    %max3A_18 = vector.broadcast %max3A : f32 to vector<2048x128xf32>
    %max3A_19 = arith.maximumf %add3A_17, %max3A_18 : vector<2048x128xf32>
    %get3A_20 = arith.constant 0 : index
    %get3A_21 = arith.constant 0 : index
    %get3A_22 = vector.load %arg6[%get3A_20, %get3A_21] : memref<128x128xf32, #tpu.memory_space<vmem>>, vector<128x128xf32>
    %dot_general3A_23 = arith.constant dense<0.000000e+00> : vector<2048x128xf32>
    %dot_general3A_24 = tpu.matmul %max3A_19, %get3A_22, %dot_general3A_23 {dimension_numbers = #tpu.dot_dimension_numbers<[1], [0], [0], [1], [0, 0, 1, 1], [], []>, transpose_lhs_hint = false} : vector<2048x128xf32>, vector<128x128xf32>, vector<2048x128xf32> -> vector<2048x128xf32>
    %get3A_25 = arith.constant 0 : index
    %get3A_26 = arith.constant 0 : index
    %get3A_27 = vector.load %arg7[%get3A_25, %get3A_26] : memref<1x128xf32, #tpu.memory_space<vmem>>, vector<1x128xf32>
    %add3A_28 = vector.broadcast %get3A_27 : vector<1x128xf32> to vector<2048x128xf32>
    %add3A_29 = arith.addf %dot_general3A_24, %add3A_28 : vector<2048x128xf32>
    %swap3A = arith.constant 0 : index
    %swap3A_30 = arith.constant 0 : index
    %swap3A_31 = vector.load %arg8[%swap3A, %swap3A_30] : memref<2048x128xf32, #tpu.memory_space<vmem>>, vector<2048x128xf32>
    tpu.vector_store %arg8[%swap3A, %swap3A_30], %add3A_29 {strides = array<i32>} : memref<2048x128xf32, #tpu.memory_space<vmem>>, vector<2048x128xf32>,
    %add3A_32 = arith.addf %add3A_29, %get3A_1 : vector<2048x128xf32>
    %swap3A_33 = arith.constant 0 : index
    %swap3A_34 = arith.constant 0 : index
    %swap3A_35 = vector.load %arg9[%swap3A_33, %swap3A_34] : memref<2048x128xf32, #tpu.memory_space<vmem>>, vector<2048x128xf32>
    tpu.vector_store %arg9[%swap3A_33, %swap3A_34], %add3A_32 {strides = array<i32>} : memref<2048x128xf32, #tpu.memory_space<vmem>>, vector<2048x128xf32>,
    return
  }
  func.func @transform_0(%arg0: i32) -> (i32, i32) {
    %c0_i32 = arith.constant 0 : i32
    %c0_i32_0 = arith.constant 0 : i32
    return %arg0, %c0_i32 : i32, i32
  }
  func.func @transform_1(%arg0: i32) -> (i32, i32) {
    %c0_i32 = arith.constant 0 : i32
    %c0_i32_0 = arith.constant 0 : i32
    return %arg0, %c0_i32 : i32, i32
  }
  func.func @transform_2(%arg0: i32) -> (i32, i32) {
    %c0_i32 = arith.constant 0 : i32
    %c0_i32_0 = arith.constant 0 : i32
    return %arg0, %c0_i32 : i32, i32
  }
  func.func @transform_3(%arg0: i32) -> (i32, i32) {
    %c0_i32 = arith.constant 0 : i32
    %c0_i32_0 = arith.constant 0 : i32
    %c0_i32_1 = arith.constant 0 : i32
    return %c0_i32, %c0_i32_0 : i32, i32
  }
  func.func @transform_4(%arg0: i32) -> (i32, i32) {
    %c0_i32 = arith.constant 0 : i32
    %c0_i32_0 = arith.constant 0 : i32
    %c0_i32_1 = arith.constant 0 : i32
    return %c0_i32, %c0_i32_0 : i32, i32
  }
  func.func @transform_5(%arg0: i32) -> (i32, i32) {
    %c0_i32 = arith.constant 0 : i32
    %c0_i32_0 = arith.constant 0 : i32
    %c0_i32_1 = arith.constant 0 : i32
    return %c0_i32, %c0_i32_0 : i32, i32
  }
  func.func @transform_6(%arg0: i32) -> (i32, i32) {
    %c0_i32 = arith.constant 0 : i32
    %c0_i32_0 = arith.constant 0 : i32
    %c0_i32_1 = arith.constant 0 : i32
    return %c0_i32, %c0_i32_0 : i32, i32
  }
  func.func @transform_7(%arg0: i32) -> (i32, i32) {
    %c0_i32 = arith.constant 0 : i32
    %c0_i32_0 = arith.constant 0 : i32
    return %arg0, %c0_i32 : i32, i32
  }
  func.func @transform_8(%arg0: i32) -> (i32, i32) {
    %c0_i32 = arith.constant 0 : i32
    %c0_i32_0 = arith.constant 0 : i32
    return %arg0, %c0_i32 : i32, i32
  }
}

module attributes {stable_mosaic.version = 14 : i64} {
  func.func @_edge_body(%arg0: i32, %arg1: memref<2048x128xf32, #tpu.memory_space<vmem>>, %arg2: memref<2048x128xf32, #tpu.memory_space<vmem>>, %arg3: memref<2048x128xf32, #tpu.memory_space<vmem>>, %arg4: memref<128x128xf32, #tpu.memory_space<vmem>>, %arg5: memref<1x128xf32, #tpu.memory_space<vmem>>, %arg6: memref<128x128xf32, #tpu.memory_space<vmem>>, %arg7: memref<1x128xf32, #tpu.memory_space<vmem>>, %arg8: memref<2048x128xf32, #tpu.memory_space<vmem>>, %arg9: memref<2048x128xf32, #tpu.memory_space<vmem>>) attributes {dimension_semantics = [#tpu.dimension_semantics<arbitrary>], iteration_bounds = array<i64: 40>, scalar_prefetch = 0 : i64, scratch_operands = 0 : i64, tpu.core_type = #tpu.core_type<tc>, window_params = [{transform_indices = @transform_0, window_bounds = array<i64: 2048, 128>}, {transform_indices = @transform_1, window_bounds = array<i64: 2048, 128>}, {transform_indices = @transform_2, window_bounds = array<i64: 2048, 128>}, {pipeline_mode = #tpu.pipeline_mode<synchronous>, transform_indices = @transform_3, window_bounds = array<i64: 128, 128>}, {pipeline_mode = #tpu.pipeline_mode<synchronous>, transform_indices = @transform_4, window_bounds = array<i64: 1, 128>}, {pipeline_mode = #tpu.pipeline_mode<synchronous>, transform_indices = @transform_5, window_bounds = array<i64: 128, 128>}, {pipeline_mode = #tpu.pipeline_mode<synchronous>, transform_indices = @transform_6, window_bounds = array<i64: 1, 128>}, {transform_indices = @transform_7, window_bounds = array<i64: 2048, 128>}, {transform_indices = @transform_8, window_bounds = array<i64: 2048, 128>}]} {
    %get3A = arith.constant 0 : index
    %get3A_0 = arith.constant 0 : index
    %get3A_1 = vector.load %arg3[%get3A, %get3A_0] : memref<2048x128xf32, #tpu.memory_space<vmem>>, vector<2048x128xf32>
    %get3A_2 = arith.constant 0 : index
    %get3A_3 = arith.constant 0 : index
    %get3A_4 = vector.load %arg1[%get3A_2, %get3A_3] : memref<2048x128xf32, #tpu.memory_space<vmem>>, vector<2048x128xf32>
    %get3A_5 = arith.constant 0 : index
    %get3A_6 = arith.constant 0 : index
    %get3A_7 = vector.load %arg2[%get3A_5, %get3A_6] : memref<2048x128xf32, #tpu.memory_space<vmem>>, vector<2048x128xf32>
    %add3A = arith.addf %get3A_4, %get3A_7 : vector<2048x128xf32>
    %get3A_8 = arith.constant 0 : index
    %get3A_9 = arith.constant 0 : index
    %get3A_10 = vector.load %arg4[%get3A_8, %get3A_9] : memref<128x128xf32, #tpu.memory_space<vmem>>, vector<128x128xf32>
    %dot_general3A = arith.constant dense<0.000000e+00> : vector<2048x128xf32>
    %dot_general3A_11 = tpu.matmul %get3A_1, %get3A_10, %dot_general3A {dimension_numbers = #tpu.dot_dimension_numbers<[1], [0], [0], [1], [0, 0, 1, 1], [], []>, transpose_lhs_hint = false} : vector<2048x128xf32>, vector<128x128xf32>, vector<2048x128xf32> -> vector<2048x128xf32>
    %add3A_12 = arith.addf %add3A, %dot_general3A_11 : vector<2048x128xf32>
    %get3A_13 = arith.constant 0 : index
    %get3A_14 = arith.constant 0 : index
    %get3A_15 = vector.load %arg5[%get3A_13, %get3A_14] : memref<1x128xf32, #tpu.memory_space<vmem>>, vector<1x128xf32>
    %add3A_16 = vector.broadcast %get3A_15 : vector<1x128xf32> to vector<2048x128xf32>
    %add3A_17 = arith.addf %add3A_12, %add3A_16 : vector<2048x128xf32>
    %max3A = arith.constant 0.000000e+00 : f32
    %max3A_18 = vector.broadcast %max3A : f32 to vector<2048x128xf32>
    %max3A_19 = arith.maximumf %add3A_17, %max3A_18 : vector<2048x128xf32>
    %get3A_20 = arith.constant 0 : index
    %get3A_21 = arith.constant 0 : index
    %get3A_22 = vector.load %arg6[%get3A_20, %get3A_21] : memref<128x128xf32, #tpu.memory_space<vmem>>, vector<128x128xf32>
    %dot_general3A_23 = arith.constant dense<0.000000e+00> : vector<2048x128xf32>
    %dot_general3A_24 = tpu.matmul %max3A_19, %get3A_22, %dot_general3A_23 {dimension_numbers = #tpu.dot_dimension_numbers<[1], [0], [0], [1], [0, 0, 1, 1], [], []>, transpose_lhs_hint = false} : vector<2048x128xf32>, vector<128x128xf32>, vector<2048x128xf32> -> vector<2048x128xf32>
    %get3A_25 = arith.constant 0 : index
    %get3A_26 = arith.constant 0 : index
    %get3A_27 = vector.load %arg7[%get3A_25, %get3A_26] : memref<1x128xf32, #tpu.memory_space<vmem>>, vector<1x128xf32>
    %add3A_28 = vector.broadcast %get3A_27 : vector<1x128xf32> to vector<2048x128xf32>
    %add3A_29 = arith.addf %dot_general3A_24, %add3A_28 : vector<2048x128xf32>
    %swap3A = arith.constant 0 : index
    %swap3A_30 = arith.constant 0 : index
    %swap3A_31 = vector.load %arg8[%swap3A, %swap3A_30] : memref<2048x128xf32, #tpu.memory_space<vmem>>, vector<2048x128xf32>
    tpu.vector_store %arg8[%swap3A, %swap3A_30], %add3A_29 {strides = array<i32>} : memref<2048x128xf32, #tpu.memory_space<vmem>>, vector<2048x128xf32>,
    %add3A_32 = arith.addf %add3A_29, %get3A_1 : vector<2048x128xf32>
    %swap3A_33 = arith.constant 0 : index
    %swap3A_34 = arith.constant 0 : index
    %swap3A_35 = vector.load %arg9[%swap3A_33, %swap3A_34] : memref<2048x128xf32, #tpu.memory_space<vmem>>, vector<2048x128xf32>
    tpu.vector_store %arg9[%swap3A_33, %swap3A_34], %add3A_32 {strides = array<i32>} : memref<2048x128xf32, #tpu.memory_space<vmem>>, vector<2048x128xf32>,
    return
  }
  func.func @transform_0(%arg0: i32) -> (i32, i32) {
    %c0_i32 = arith.constant 0 : i32
    %c0_i32_0 = arith.constant 0 : i32
    return %arg0, %c0_i32 : i32, i32
  }
  func.func @transform_1(%arg0: i32) -> (i32, i32) {
    %c0_i32 = arith.constant 0 : i32
    %c0_i32_0 = arith.constant 0 : i32
    return %arg0, %c0_i32 : i32, i32
  }
  func.func @transform_2(%arg0: i32) -> (i32, i32) {
    %c0_i32 = arith.constant 0 : i32
    %c0_i32_0 = arith.constant 0 : i32
    return %arg0, %c0_i32 : i32, i32
  }
  func.func @transform_3(%arg0: i32) -> (i32, i32) {
    %c0_i32 = arith.constant 0 : i32
    %c0_i32_0 = arith.constant 0 : i32
    %c0_i32_1 = arith.constant 0 : i32
    return %c0_i32, %c0_i32_0 : i32, i32
  }
  func.func @transform_4(%arg0: i32) -> (i32, i32) {
    %c0_i32 = arith.constant 0 : i32
    %c0_i32_0 = arith.constant 0 : i32
    %c0_i32_1 = arith.constant 0 : i32
    return %c0_i32, %c0_i32_0 : i32, i32
  }
  func.func @transform_5(%arg0: i32) -> (i32, i32) {
    %c0_i32 = arith.constant 0 : i32
    %c0_i32_0 = arith.constant 0 : i32
    %c0_i32_1 = arith.constant 0 : i32
    return %c0_i32, %c0_i32_0 : i32, i32
  }
  func.func @transform_6(%arg0: i32) -> (i32, i32) {
    %c0_i32 = arith.constant 0 : i32
    %c0_i32_0 = arith.constant 0 : i32
    %c0_i32_1 = arith.constant 0 : i32
    return %c0_i32, %c0_i32_0 : i32, i32
  }
  func.func @transform_7(%arg0: i32) -> (i32, i32) {
    %c0_i32 = arith.constant 0 : i32
    %c0_i32_0 = arith.constant 0 : i32
    return %arg0, %c0_i32 : i32, i32
  }
  func.func @transform_8(%arg0: i32) -> (i32, i32) {
    %c0_i32 = arith.constant 0 : i32
    %c0_i32_0 = arith.constant 0 : i32
    return %arg0, %c0_i32 : i32, i32
  }
}

module attributes {stable_mosaic.version = 14 : i64} {
  func.func @_node_body(%arg0: i32, %arg1: memref<1000x128xf32, #tpu.memory_space<vmem>>, %arg2: memref<2x1000x128xf32, #tpu.memory_space<vmem>>, %arg3: memref<2x1000x128xf32, #tpu.memory_space<vmem>>, %arg4: memref<3x128x128xf32, #tpu.memory_space<vmem>>, %arg5: memref<1x128xf32, #tpu.memory_space<vmem>>, %arg6: memref<128x128xf32, #tpu.memory_space<vmem>>, %arg7: memref<1x128xf32, #tpu.memory_space<vmem>>, %arg8: memref<1000x128xf32, #tpu.memory_space<vmem>>) attributes {dimension_semantics = [#tpu.dimension_semantics<arbitrary>], iteration_bounds = array<i64: 10>, scalar_prefetch = 0 : i64, scratch_operands = 0 : i64, tpu.core_type = #tpu.core_type<tc>, window_params = [{transform_indices = @transform_0, window_bounds = array<i64: 1000, 128>}, {transform_indices = @transform_1, window_bounds = array<i64: 2, 1000, 128>}, {transform_indices = @transform_2, window_bounds = array<i64: 2, 1000, 128>}, {pipeline_mode = #tpu.pipeline_mode<synchronous>, transform_indices = @transform_3, window_bounds = array<i64: 3, 128, 128>}, {pipeline_mode = #tpu.pipeline_mode<synchronous>, transform_indices = @transform_4, window_bounds = array<i64: 1, 128>}, {pipeline_mode = #tpu.pipeline_mode<synchronous>, transform_indices = @transform_5, window_bounds = array<i64: 128, 128>}, {pipeline_mode = #tpu.pipeline_mode<synchronous>, transform_indices = @transform_6, window_bounds = array<i64: 1, 128>}, {transform_indices = @transform_7, window_bounds = array<i64: 1000, 128>}]} {
    %get3A = arith.constant 0 : index
    %get3A_0 = arith.constant 0 : index
    %get3A_1 = vector.load %arg1[%get3A, %get3A_0] : memref<1000x128xf32, #tpu.memory_space<vmem>>, vector<1000x128xf32>
    %get3A_2 = arith.constant 0 : index
    %get3A_3 = arith.constant 0 : index
    %get3A_4 = arith.constant 0 : index
    %get3A_5 = vector.load %arg2[%get3A_2, %get3A_3, %get3A_4] : memref<2x1000x128xf32, #tpu.memory_space<vmem>>, vector<1x1000x128xf32>
    %get3A_6 = vector.shape_cast %get3A_5 : vector<1x1000x128xf32> to vector<1000x128xf32>
    %get3A_7 = arith.constant 1 : index
    %get3A_8 = arith.constant 0 : index
    %get3A_9 = arith.constant 0 : index
    %get3A_10 = vector.load %arg2[%get3A_7, %get3A_8, %get3A_9] : memref<2x1000x128xf32, #tpu.memory_space<vmem>>, vector<1x1000x128xf32>
    %get3A_11 = vector.shape_cast %get3A_10 : vector<1x1000x128xf32> to vector<1000x128xf32>
    %add3A = arith.addf %get3A_6, %get3A_11 : vector<1000x128xf32>
    %get3A_12 = arith.constant 0 : index
    %get3A_13 = arith.constant 0 : index
    %get3A_14 = arith.constant 0 : index
    %get3A_15 = vector.load %arg3[%get3A_12, %get3A_13, %get3A_14] : memref<2x1000x128xf32, #tpu.memory_space<vmem>>, vector<1x1000x128xf32>
    %get3A_16 = vector.shape_cast %get3A_15 : vector<1x1000x128xf32> to vector<1000x128xf32>
    %get3A_17 = arith.constant 1 : index
    %get3A_18 = arith.constant 0 : index
    %get3A_19 = arith.constant 0 : index
    %get3A_20 = vector.load %arg3[%get3A_17, %get3A_18, %get3A_19] : memref<2x1000x128xf32, #tpu.memory_space<vmem>>, vector<1x1000x128xf32>
    %get3A_21 = vector.shape_cast %get3A_20 : vector<1x1000x128xf32> to vector<1000x128xf32>
    %add3A_22 = arith.addf %get3A_16, %get3A_21 : vector<1000x128xf32>
    %get3A_23 = arith.constant 0 : index
    %get3A_24 = arith.constant 0 : index
    %get3A_25 = arith.constant 0 : index
    %get3A_26 = vector.load %arg4[%get3A_23, %get3A_24, %get3A_25] : memref<3x128x128xf32, #tpu.memory_space<vmem>>, vector<1x128x128xf32>
    %get3A_27 = vector.shape_cast %get3A_26 : vector<1x128x128xf32> to vector<128x128xf32>
    %dot_general3A = arith.constant dense<0.000000e+00> : vector<1000x128xf32>
    %dot_general3A_28 = tpu.matmul %get3A_1, %get3A_27, %dot_general3A {dimension_numbers = #tpu.dot_dimension_numbers<[1], [0], [0], [1], [0, 0, 1, 1], [], []>, transpose_lhs_hint = false} : vector<1000x128xf32>, vector<128x128xf32>, vector<1000x128xf32> -> vector<1000x128xf32>
    %get3A_29 = arith.constant 1 : index
    %get3A_30 = arith.constant 0 : index
    %get3A_31 = arith.constant 0 : index
    %get3A_32 = vector.load %arg4[%get3A_29, %get3A_30, %get3A_31] : memref<3x128x128xf32, #tpu.memory_space<vmem>>, vector<1x128x128xf32>
    %get3A_33 = vector.shape_cast %get3A_32 : vector<1x128x128xf32> to vector<128x128xf32>
    %dot_general3A_34 = arith.constant dense<0.000000e+00> : vector<1000x128xf32>
    %dot_general3A_35 = tpu.matmul %add3A, %get3A_33, %dot_general3A_34 {dimension_numbers = #tpu.dot_dimension_numbers<[1], [0], [0], [1], [0, 0, 1, 1], [], []>, transpose_lhs_hint = false} : vector<1000x128xf32>, vector<128x128xf32>, vector<1000x128xf32> -> vector<1000x128xf32>
    %add3A_36 = arith.addf %dot_general3A_28, %dot_general3A_35 : vector<1000x128xf32>
    %get3A_37 = arith.constant 2 : index
    %get3A_38 = arith.constant 0 : index
    %get3A_39 = arith.constant 0 : index
    %get3A_40 = vector.load %arg4[%get3A_37, %get3A_38, %get3A_39] : memref<3x128x128xf32, #tpu.memory_space<vmem>>, vector<1x128x128xf32>
    %get3A_41 = vector.shape_cast %get3A_40 : vector<1x128x128xf32> to vector<128x128xf32>
    %dot_general3A_42 = arith.constant dense<0.000000e+00> : vector<1000x128xf32>
    %dot_general3A_43 = tpu.matmul %add3A_22, %get3A_41, %dot_general3A_42 {dimension_numbers = #tpu.dot_dimension_numbers<[1], [0], [0], [1], [0, 0, 1, 1], [], []>, transpose_lhs_hint = false} : vector<1000x128xf32>, vector<128x128xf32>, vector<1000x128xf32> -> vector<1000x128xf32>
    %add3A_44 = arith.addf %add3A_36, %dot_general3A_43 : vector<1000x128xf32>
    %get3A_45 = arith.constant 0 : index
    %get3A_46 = arith.constant 0 : index
    %get3A_47 = vector.load %arg5[%get3A_45, %get3A_46] : memref<1x128xf32, #tpu.memory_space<vmem>>, vector<1x128xf32>
    %add3A_48 = vector.broadcast %get3A_47 : vector<1x128xf32> to vector<1000x128xf32>
    %add3A_49 = arith.addf %add3A_44, %add3A_48 : vector<1000x128xf32>
    %max3A = arith.constant 0.000000e+00 : f32
    %max3A_50 = vector.broadcast %max3A : f32 to vector<1000x128xf32>
    %max3A_51 = arith.maximumf %add3A_49, %max3A_50 : vector<1000x128xf32>
    %get3A_52 = arith.constant 0 : index
    %get3A_53 = arith.constant 0 : index
    %get3A_54 = vector.load %arg6[%get3A_52, %get3A_53] : memref<128x128xf32, #tpu.memory_space<vmem>>, vector<128x128xf32>
    %dot_general3A_55 = arith.constant dense<0.000000e+00> : vector<1000x128xf32>
    %dot_general3A_56 = tpu.matmul %max3A_51, %get3A_54, %dot_general3A_55 {dimension_numbers = #tpu.dot_dimension_numbers<[1], [0], [0], [1], [0, 0, 1, 1], [], []>, transpose_lhs_hint = false} : vector<1000x128xf32>, vector<128x128xf32>, vector<1000x128xf32> -> vector<1000x128xf32>
    %get3A_57 = arith.constant 0 : index
    %get3A_58 = arith.constant 0 : index
    %get3A_59 = vector.load %arg7[%get3A_57, %get3A_58] : memref<1x128xf32, #tpu.memory_space<vmem>>, vector<1x128xf32>
    %add3A_60 = vector.broadcast %get3A_59 : vector<1x128xf32> to vector<1000x128xf32>
    %add3A_61 = arith.addf %dot_general3A_56, %add3A_60 : vector<1000x128xf32>
    %add3A_62 = arith.addf %add3A_61, %get3A_1 : vector<1000x128xf32>
    %swap3A = arith.constant 0 : index
    %swap3A_63 = arith.constant 0 : index
    %swap3A_64 = vector.load %arg8[%swap3A, %swap3A_63] : memref<1000x128xf32, #tpu.memory_space<vmem>>, vector<1000x128xf32>
    tpu.vector_store %arg8[%swap3A, %swap3A_63], %add3A_62 {strides = array<i32>} : memref<1000x128xf32, #tpu.memory_space<vmem>>, vector<1000x128xf32>,
    return
  }
  func.func @transform_0(%arg0: i32) -> (i32, i32) {
    %c0_i32 = arith.constant 0 : i32
    %c0_i32_0 = arith.constant 0 : i32
    return %arg0, %c0_i32 : i32, i32
  }
  func.func @transform_1(%arg0: i32) -> (i32, i32, i32) {
    %c0_i32 = arith.constant 0 : i32
    %c0_i32_0 = arith.constant 0 : i32
    %c0_i32_1 = arith.constant 0 : i32
    return %c0_i32, %arg0, %c0_i32_0 : i32, i32, i32
  }
  func.func @transform_2(%arg0: i32) -> (i32, i32, i32) {
    %c0_i32 = arith.constant 0 : i32
    %c0_i32_0 = arith.constant 0 : i32
    %c0_i32_1 = arith.constant 0 : i32
    return %c0_i32, %arg0, %c0_i32_0 : i32, i32, i32
  }
  func.func @transform_3(%arg0: i32) -> (i32, i32, i32) {
    %c0_i32 = arith.constant 0 : i32
    %c0_i32_0 = arith.constant 0 : i32
    %c0_i32_1 = arith.constant 0 : i32
    %c0_i32_2 = arith.constant 0 : i32
    return %c0_i32, %c0_i32_0, %c0_i32_1 : i32, i32, i32
  }
  func.func @transform_4(%arg0: i32) -> (i32, i32) {
    %c0_i32 = arith.constant 0 : i32
    %c0_i32_0 = arith.constant 0 : i32
    %c0_i32_1 = arith.constant 0 : i32
    return %c0_i32, %c0_i32_0 : i32, i32
  }
  func.func @transform_5(%arg0: i32) -> (i32, i32) {
    %c0_i32 = arith.constant 0 : i32
    %c0_i32_0 = arith.constant 0 : i32
    %c0_i32_1 = arith.constant 0 : i32
    return %c0_i32, %c0_i32_0 : i32, i32
  }
  func.func @transform_6(%arg0: i32) -> (i32, i32) {
    %c0_i32 = arith.constant 0 : i32
    %c0_i32_0 = arith.constant 0 : i32
    %c0_i32_1 = arith.constant 0 : i32
    return %c0_i32, %c0_i32_0 : i32, i32
  }
  func.func @transform_7(%arg0: i32) -> (i32, i32) {
    %c0_i32 = arith.constant 0 : i32
    %c0_i32_0 = arith.constant 0 : i32
    return %arg0, %c0_i32 : i32, i32
  }
}

</mosaic_0001>

<sc_bundles>
// kernel: kernel.10.cloned.1.call-start
scs
__scs_entry_jumppad:
0x0: {  	(pc) =	sbr.rel $0x88, $3  }
0x1: {  	(tag) =	ssettag $0x0;
	lr =	simm.s32 $0x1  }
0x2: {  	[smem:$0x3F8E] =	sst lr;
	_ =	strace $0xD0000000  }
0x3: {  	_ = 	snop  }
0x4: {  	_ = 	snop  }
0x5: {  	_ = 	snop  }
0x6: {  	_ = 	snop  }
0x7: {  	_ = 	snop  }
__scs_overlays_trampoline_lowered:
0x8: {  	[smem:$0x3F9D] =	sst s0  }
0x9: {  	[smem:$0x3F9E] =	sst s1  }
0xa: {  	[smem:$0x3F9F] =	sst s2  }
0xb: {  	[smem:$0x3FA0] =	sst s3  }
0xc: {  	[smem:$0x3FA1] =	sst s4  }
0xd: {  	[smem:$0x3FA2] =	sst s5  }
0xe: {  	[smem:$0x3FA3] =	sst s6  }
0xf: {  	[smem:$0x3FA4] =	sst s7  }
0x10: {  	[smem:$0x3FA5] =	sst s8  }
0x11: {  	[smem:$0x3FA6] =	sst s9;
	s0 =	simm.s32 @!p0 $0x0  }
0x12: {  	s1 =	sld [smem:$0x3F8C];
	s0 =	simm.s32 @p0 $0x1  }
0x13: {  	[smem:$0x3FA7] =	sst s0;
	s0 =	simm.s32 @!p1 $0x0  }
0x14: {  	s2 =	sld [smem:$0x3F8B];
	s0 =	simm.s32 @p1 $0x1  }
0x15: {  	[smem:$0x3FA8] =	sst s0;
	s0 =	simm.s32 @!p2 $0x0  }
0x16: {  	s3 =	sld [smem:$0x3FDB];
	s0 =	simm.s32 @p2 $0x1  }
0x17: {  	s4 =	simm.s32 $0x1BF5;
	[smem:$0x3FAA] =	sst s0  }
0x18: {  	s0 =	sld [smem:$0x3F8D];
	_ =	swait.ge [sflag:s4], $0x0  }
0x19: {  	s7 =	sld [smem:$0x3F8E]  }
0x1a: {  	s8 =	sadd.s32 $0xFFFFE003, lr  }
0x1b: {  	s9 =	sadd.s32 $0xFFFFFEF7, lr;
	s5 =	simm.s32 $0xFFFFFFFF;
	p2 =	slt.u32 s8, $0xFFFFF086  }
0x1c: {  	p1 =	slt.u32 s9, $0xF7A;
	s5 =	simm.s32 @!p2 $0x0  }
0x1d: {  	s5 =	simm.s32 @p1 $0x1;
	p0 =	seq.s32 s7, s2  }
0x1e: {  	s7 =	smul.u32 @!p0 $0xF7A, s2;
	p2 =	seq.s32 @!p0 s5, $0x0  }
0x1f: {  	s9 =	smul.u32 $0xF7A, s1;
	s8 =	simm.s32 @!p0 $0x1BF5;
	p2 =	por !p2, p0  }
0x20: {  	[sflag:s8] =	ssyncset.s32 @!p0 $0xFFFFF086;
	s6 =	sadd.s32 @!p0 s3, s7;
	s7 =	simm.s32 @!p0 $0x108  }
0x21: {  	s3 =	sadd.s32 s3, s9;
	s6 =	sadd.s32 @!p0 $0x88, s6;
	s7 =	simm.s32 @p2 $0x1082  }
0x22: {  	[simem:s7], [sflag:s8] =	dma.local @!p0 [hbm:s6], $0xF7A  }
0x23: {  	s9 =	sor.u32 $0xD0000000, s2;
	s6 =	simm.s32 $0x108;
	_ =	swait.ge @!p0 [sflag:s8], $0x0  }
0x24: {  	s3 =	sadd.s32 $0x88, s3;
	s6 =	simm.s32 @!p1 $0x1082;
	[sflag:s4] =	ssyncset.s32 $0xFFFFF086  }
0x25: {  	[simem:s6], [sflag:s4] =	dma.local [hbm:s3], $0xF7A  }
0x26: {  	[smem:$0x3F8E] =	sst s1;
	(tag) =	ssettag s2;
	_ =	strace s9  }
0x27: {  	s1 =	sld [smem:$0x3F9E]  }
0x28: {  	s2 =	sld [smem:$0x3F9F]  }
0x29: {  	s4 =	sld [smem:$0x3FA1]  }
0x2a: {  	p0 =	seq.s32 s5, $0x0;
	s5 =	sld [smem:$0x3FA2]  }
0x2b: {  	s6 =	sld [smem:$0x3FA3]  }
0x2c: {  	s7 =	sld [smem:$0x3FA4]  }
0x2d: {  	s3 =	simm.s32 $0x108;
	s8 =	sld [smem:$0x3FA5]  }
0x2e: {  	s3 =	simm.s32 @!p0 $0x1082;
	s9 =	sld [smem:$0x3FA6]  }
0x2f: {  	lr =	sadd.s32 s0, s3;
	s0 =	sld [smem:$0x3F9D]  }
0x30: {  	s3 =	sld [smem:$0x3FA0]  }
0x31: {  	[smem:$0x3FA9] =	sst s10  }
0x32: {  	s10 =	sld [smem:$0x3FA7];
	_ =	sdelay $0x3  }
0x33: {  	p0 =	seq.s32 s10, $0x1;
	s10 =	sld [smem:$0x3FA9];
	_ =	sdelay $0x3  }
0x34: {  	[smem:$0x3FA9] =	sst s10  }
0x35: {  	s10 =	sld [smem:$0x3FA8];
	_ =	sdelay $0x3  }
0x36: {  	p1 =	seq.s32 s10, $0x1;
	s10 =	sld [smem:$0x3FA9];
	_ =	sdelay $0x3  }
0x37: {  	[smem:$0x3FA9] =	sst s10  }
0x38: {  	s10 =	sld [smem:$0x3FAA]  }
0x39: {  	_ = 	snop;
	(pc) =	sbr.ind lr, $3  }
0x3a: {  	_ = 	snop  }
0x3b: {  	_ = 	snop  }
0x3c: {  	p2 =	seq.s32 s10, $0x1;
	s10 =	sld [smem:$0x3FA9]  }
0x3d: {  	_ =	shalt  }
0x3e: {  	_ =	shalt  }
0x3f: {  	_ =	shalt  }
0x40: {  	_ =	shalt  }
0x41: {  	_ =	shalt  }
0x42: {  	_ =	shalt  }
0x43: {  	_ =	shalt  }
0x44: {  	_ =	shalt  }
0x45: {  	_ =	shalt  }
0x46: {  	_ =	shalt  }
0x47: {  	_ =	shalt  }
0x48: {  	_ =	shalt  }
0x49: {  	_ =	shalt  }
0x4a: {  	_ =	shalt  }
0x4b: {  	_ =	shalt  }
0x4c: {  	_ =	shalt  }
0x4d: {  	_ =	shalt  }
0x4e: {  	_ =	shalt  }
0x4f: {  	_ =	shalt  }
0x50: {  	_ =	shalt  }
0x51: {  	_ =	shalt  }
0x52: {  	_ =	shalt  }
0x53: {  	_ =	shalt  }
0x54: {  	_ =	shalt  }
0x55: {  	_ =	shalt  }
0x56: {  	_ =	shalt  }
0x57: {  	_ =	shalt  }
0x58: {  	_ =	shalt  }
0x59: {  	_ =	shalt  }
0x5a: {  	_ =	shalt  }
0x5b: {  	_ =	shalt  }
0x5c: {  	_ =	shalt  }
0x5d: {  	_ =	shalt  }
0x5e: {  	_ =	shalt  }
0x5f: {  	_ =	shalt  }
0x60: {  	_ =	shalt  }
0x61: {  	_ =	shalt  }
0x62: {  	_ =	shalt  }
0x63: {  	_ =	shalt  }
0x64: {  	_ =	shalt  }
0x65: {  	_ =	shalt  }
0x66: {  	_ =	shalt  }
0x67: {  	_ =	shalt  }
0x68: {  	_ =	shalt  }
0x69: {  	_ =	shalt  }
0x6a: {  	_ =	shalt  }
0x6b: {  	_ =	shalt  }
0x6c: {  	_ =	shalt  }
0x6d: {  	_ =	shalt  }
0x6e: {  	_ =	shalt  }
0x6f: {  	_ =	shalt  }
0x70: {  	_ =	shalt  }
0x71: {  	_ =	shalt  }
0x72: {  	_ =	shalt  }
0x73: {  	_ =	shalt  }
0x74: {  	_ =	shalt  }
0x75: {  	_ =	shalt  }
0x76: {  	_ =	shalt  }
0x77: {  	_ =	shalt  }
0x78: {  	_ =	shalt  }
0x79: {  	_ =	shalt  }
0x7a: {  	_ =	shalt  }
0x7b: {  	_ =	shalt  }
0x7c: {  	_ =	shalt  }
0x7d: {  	_ =	shalt  }
0x7e: {  	_ =	shalt  }
0x7f: {  	_ =	shalt  }
0x80: {  	_ =	shalt  }
0x81: {  	_ =	shalt  }
0x82: {  	_ =	shalt  }
0x83: {  	_ =	shalt  }
0x84: {  	_ =	shalt  }
0x85: {  	_ =	shalt  }
0x86: {  	_ =	shalt  }
0x87: {  	_ =	shalt  }
.Lfunc_end0:
.L_simem_size_0:
called_computation_lowered:
.L_overlay_start_0:
0x88: {  	s2 =	sld [smem:$0x3FD9]  }
0x89: {  	s3 =	sld [smem:$0x3FFE];
	_ =	sdelay $0x1  }
0x8a: {  	s1 =	srdreg.scid  }
0x8b: {  	s0 =	sand.u32 $0x1, s1  }
0x8c: {  	s15 =	sshll.u32 s0, $0xA;
	s2 =	sadd.s32 s3, s2  }
0x8d: {  	s2 =	sadd.s32 s2, s15  }
0x8e: {  	[smem:$0x3FB5] =	sst s2  }
0x8f: {  	_ = 	snop  }
0x90: {  	s2 =	sld [smem:$0x3FD0];
	_ =	sdelay $0x2  }
0x91: {  	s16 =	simm.s32 $0xB;
	s4 =	simm.s32 $0x10  }
0x92: {  	[smem:s4], [sflag:s16] =	dma.local [hbm:s2], $0x1  }
0x93: {  	_ =	swait.eq [sflag:s16], $0x1  }
0x94: {  	[sflag:s16] =	ssyncset.done $0x0  }
0x95: {  	[sflag:s16] =	ssyncadd.s32 $0xFFFFFFFF  }
0x96: {  	s17 =	sld [smem:$0x12];
	(tm) =	ssettm $0x1  }
0x97: {  	s18 =	sld [smem:$0x3FFB];
	_ =	sdelay $0x3  }
0x98: {  	_ =	strace s18  }
0x99: {  	s2 =	sld [smem:$0x3FFC];
	_ =	sdelay $0x3  }
0x9a: {  	_ =	strace s2  }
0x9b: {  	s2 =	sld [smem:$0x3FFD];
	_ =	sdelay $0x3  }
0x9c: {  	_ =	strace s2  }
0x9d: {  	_ =	strace $0x8FFFFFFF  }
0x9e: {  	s19 =	sld [smem:$0x3FDB];
	_ =	sdelay $0x1  }
0x9f: {  	s20 =	simm.s32 $_scs_section_size  }
0xa0: {  	s5 =	simm.s32 $_size__tile_overlayer_lowered;
	s6 =	simm.s32 $_tile_overlayer_lowered  }
0xa1: {  	s7 =	simm.s32 $0x1BFF;
	s21 =	sshll.u32 s6, $0x1;
	s4 =	sadd.s32 s20, s19  }
0xa2: {  	s22 =	simm.s32 $0x0;
	s5 =	sshll.u32 s5, $0x1;
	s6 =	sadd.s32 s21, s4  }
0xa3: {  	[timem:s22], [sflag:s7] =	dma.local [hbm:s6], s5  }
0xa4: {  	_ =	swait.ge [sflag:s7], s5  }
0xa5: {  	s5 =	ssub.s32 $0x0, s5;
	[sflag:s7] =	ssyncset.done $0x0  }
0xa6: {  	[sflag:s7] =	ssyncadd.s32 s5;
	_ =	sdelay $0x1  }
0xa7: {  	s23 =	simm.s32 $0x1B8B  }
0xa8: {  	_ =	swait.ge [sflag:s23], $0x1  }
0xa9: {  	[sflag:s23] =	ssyncset.done $0x0  }
0xaa: {  	[sflag:s23] =	ssyncadd.s32 $0xFFFFFFFF  }
0xab: {  	s5 =	sld [smem:$0x0]  }
0xac: {  	s6 =	sand.u32 $0xFFFFFFFE, s1  }
0xad: {  	p0 =	sne.s32 s1, s6  }
0xae: {  	s6 =	sshll.u32 @p0 s6, $0xE  }
0xaf: {  	s6 =	sadd.s32 @p0 $0x11B8D, s6;
	s7 =	sshll.u32 @p0 s5, $0x11  }
0xb0: {  	s6 =	sor.u32 @p0 s7, s6  }
0xb1: {  	[sflag:s6] =	ssyncadd.remote.s32 @p0 $0x1;
	_ =	sdelay $0x1  }
0xb2: {  	s6 =	simm.s32 @p0 $0x1B8D  }
0xb3: {  	_ =	swait.eq @p0 [sflag:s6], $0x1  }
0xb4: {  	[sflag:s6] =	ssyncadd.s32 @p0 $0xFFFFFFFF  }
0xb5: {  	s7 =	sshll.u32 @!p0 s1, $0xE  }
0xb6: {  	s7 =	sor.u32 @!p0 $0x4000, s7;
	s6 =	simm.s32 @!p0 $0x1B8D  }
0xb7: {  	s5 =	sshll.u32 @!p0 s5, $0x11;
	s7 =	sadd.s32 @!p0 $0x11B8D, s7;
	_ =	swait.eq @!p0 [sflag:s6], $0x1  }
0xb8: {  	s5 =	sor.u32 @!p0 s5, s7;
	[sflag:s6] =	ssyncadd.s32 @!p0 $0xFFFFFFFF  }
0xb9: {  	s25 =	simm.s32 $0x1B8E;
	s24 =	sld [smem:$0x3FFE];
	[sflag:s5] =	ssyncadd.remote.s32 @!p0 $0x1  }
0xba: {  	s26 =	simm.s32 $execute0_lowered;
	[smem:$0x3FD2] =	sst s25  }
0xbb: {  	s6 =	sshll.u32 s26, $0x1;
	_ =	strace $0x80000049;
	[dreg:$0x1] =	wrdreg $0xFFFFFFFF  }
0xbc: {  	s28 =	simm.s32 $_size_execute0_lowered;
	s4 =	sadd.s32 s4, s6;
	[dreg:$0x0] =	wrdreg $0x0  }
0xbd: {  	s6 =	sshll.u32 s28, $0x1;
	[dreg:$0x2] =	wrdreg s4  }
0xbe: {  	[dreg:$0x3] =	wrdreg s6  }
0xbf: {  	[dreg:$0x4] =	wrdreg $0xC0  }
0xc0: {  	_ =	task [dreg:s22], $0x5FFFF  }
0xc1: {  	[dreg:$0x1] =	wrdreg $0xFFFFFFFF  }
0xc2: {  	[dreg:$0x0] =	wrdreg $0x60  }
0xc3: {  	[dreg:$0x2] =	wrdreg s17  }
0xc4: {  	[dreg:$0x3] =	wrdreg s24  }
0xc5: {  	[dreg:$0x4] =	wrdreg $0x8A000  }
0xc6: {  	[dreg:$0x5] =	wrdreg $0x9  }
0xc7: {  	_ =	task.clear_ibuf [dreg:s22], $0x6FFFF;
	_ =	strace $0x90000049  }
0xc8: {  	s29 =	simm.s32 $0x9;
	_ =	strace $0x8000004B  }
0xc9: {  	_ =	swait.ge [sflag:s29], $0x1  }
0xca: {  	[sflag:s29] =	ssyncadd.s32 $0xFFFFFFFF  }
0xcb: {  	_ =	strace $0x9000004B  }
0xcc: {  	_ =	sfence  }
0xcd: {  	s30 =	sld [smem:$0x0];
	_ =	sdelay $0x2  }
0xce: {  	s31 =	sshll.u32 s1, $0xD;
	s1 =	sshrl.u32 s1, $0x2  }
0xcf: {  	s4 =	sand.u32 $0x4000, s31;
	s1 =	sadd.s32 s1, s30  }
0xd0: {  	s0 =	sor.u32 s4, s0;
	s1 =	sshll.u32 s1, $0x11  }
0xd1: {  	s0 =	sor.u32 s1, s0  }
0xd2: {  	s0 =	sadd.s32 $0x8F2B, s0  }
0xd3: {  	[sflag:s0] =	ssyncadd.remote.s32 $0x1  }
0xd4: {  	_ =	sfence.sel $0xFFFF  }
0xd5: {  	[dreg:$0x0] =	wrdreg $0xFFFFFFFF;
	(pc) =	sbr.abs _section_cstart, $3  }
0xd6: {  	[dreg:$0x1] =	wrdreg $0xFFFFFFFF  }
0xd7: {  	_ =	task.clear_ibuf [dreg:s22], $0x2FFFF;
	_ =	strace $0x9FFFFFFF  }
0xd8: {  	(tm) =	ssettm $0x7FFFFFFF  }
0xd9: {  	_ =	shalt  }
tec
execute0_lowered:
.L_overlay_start_1:
0x0: {  	(tag) =	ssettag $0x1  }
0x1: {  	s1 =	rddreg [dreg:$0x0]  }
0x2: {  	s4 =	rddreg [dreg:$0x1];
	s3 =	srdreg.scid  }
0x3: {  	s0 =	stileid.u32;
	s2 =	rddreg [dreg:$0x2];
	s28 =	simm.s32 $0x0  }
0x4: {  	s15 =	sand.u32 $0x1, s3;
	s5 =	sshll.u32 s0, $0x1;
	s16 =	smul.u32 $0x14000, s0  }
0x5: {  	s3 =	simm.s32 $0x0;
	s17 =	sadd.s32 $0xA16E00, s4;
	s7 =	smul.u32 $0x50000, s0  }
0x6: {  	s18 =	sadd.s32 $0xB56E00, s4;
	s23 =	sshll.u32 s0, $0x6;
	s13 =	smul.u32 $0x28, s0  }
0x7: {  	s10 =	sor.u32 s15, s5;
	[smem:$0x7FF] =	sst s3;
	s19 =	ssub.s32 $0x2, s15  }
0x8: {  	s5 =	smul.u32 $0x140, s10;
	_ =	strace $0x8000004A;
	s6 =	sshrl.u32 s19, $0x1  }
0x9: {  	s20 =	sshrl.u32 s16, $0x3;
	s21 =	sshrl.u32 s7, $0x2;
	s22 =	smul.u32 $0x50000, s10  }
0xa: {  	s24 =	smul.u32 $0xA000, s10;
	s29 =	sadd.s32 s16, s17;
	s16 =	sadd.s32 s16, s18  }
0xb: {  	s12 =	ssub.s32 s19, s6;
	s1 =	sadd.s32 s1, s20;
	s19 =	smul.u32 $0x14, s15  }
0xc: {  	s6 =	sor.u32 $0x1C05, s23;
	s20 =	smul.u32 $0xA000, s15;
	s23 =	simm.s32 $0x1  }
0xd: {  	s11 =	sadd.s32 s5, s4;
	s4 =	sadd.s32 s21, s2;
	s5 =	sadd.s32 $0x50000, s1  }
0xe: {  	s8 =	sshrl.u32 s22, $0x3;
	s9 =	sadd.s32 $0x78000, s1;
	s12 =	smax.u32 s12, $0x1  }
0xf: {  	s21 =	simm.s32 $0xA00;
	s22 =	simm.s32 $0x4A00;
	s7 =	sadd.s32 $0xA11E00, s11  }
0x10: {  	s14 =	sadd.s32 $0x9800, s8;
	s10 =	sadd.s32 $0xA0F600, s11;
	s25 =	sadd.s32 s19, s13  }
0x11: {  	s13 =	sadd.s32 s17, s24;
	s1 =	sadd.s32 s20, s29;
	s31 =	sadd.s32 s20, s16  }
0x12: {  	s20 =	simm.s32 $0x80;
	s8 =	sadd.s32 s17, s14;
	s11 =	sadd.s32 s18, s14  }
0x13: {  	s19 =	sshll.u32 s25, $0xB;
	s14 =	sadd.s32 s18, s24;
	s16 =	sadd.s32 $0x1000, s1  }
0x14: {  	s24 =	simm.s32 $0x3;
	s25 =	simm.s32 $0x2;
	s26 =	sadd.s32 s19, s17  }
0x15: {  	s30 =	sadd.s32 s19, s18;
	s18 =	sadd.s32 $0x1000, s31;
	s19 =	simm.s32 $0x5  }
0x16: {  	s15 =	sadd.s32 $0x800, s26;
	s17 =	sadd.s32 $0x800, s30;
	s26 =	simm.s32 $0x4  }
.LBB2_1:
0x17: {  	s29 =	sshrl.u32 s4, $0x3  }
0x18: {  	[spmem:s29], [sflag:s6] =	dma.local [hbm:s5], $0x2800  }
0x19: {  	_ =	swait.ge [sflag:s19], $0x2800  }
0x1a: {  	[sflag:s19] =	ssyncset.done $0x0  }
0x1b: {  	[sflag:s19] =	ssyncadd.s32 $0xFFFFD800  }
0x1c: {  	[tilespmem:s3], [sflag:$0x5] =	stream.linear.gather [hbm4b:s7+s3], $0xA00, $0x38;
	[tilespmem:$0x1CA00] =	vst v63  }
0x1d: {  	_ =	swait.ge [sflag:s19], $0xA00  }
0x1e: {  	[sflag:s19] =	ssyncset.done $0x0  }
0x1f: {  	[sflag:s19] =	ssyncadd.s32 $0xFFFFF600  }
0x20: {  	[bflag:$0x0] =	sbarrier.arrive $0xFFFF  }
0x21: {  	[tilespmem:s21], [sflag:$0x1] =	stream.indirect.gather [spmem:s2], $0x80, s3, s20, $0xb8;
	[tilespmem:$0x1CA00] =	vst v63  }
0x22: {  	_ = 	snop  }
0x23: {  	[tilespmem:s22], [sflag:$0x2] =	stream.indirect.gather [spmem:s2], $0x80, s20, s20, $0xb8;
	[tilespmem:$0x1CA00] =	vst v63  }
0x24: {  	_ =	swait.ge [sflag:s23], $0x4000  }
0x25: {  	[sflag:s23] =	ssyncset.done $0x0  }
0x26: {  	[sflag:s23] =	ssyncadd.s32 $0xFFFFC000  }
0x27: {  	[hbm4b:s13+s3] =	stream.linear.scatter [tilespmem:s21], [sflag:$0x3], $0x4000, $0x38;
	[tilespmem:$0x1CA00] =	vst v63  }
0x28: {  	_ =	swait.ge [sflag:s24], $0x4000  }
0x29: {  	[sflag:s24] =	ssyncset.done $0x0  }
0x2a: {  	s1 =	simm.s32 $0x100;
	[sflag:s24] =	ssyncadd.s32 $0xFFFFC000  }
0x2b: {  	[tilespmem:s21], [sflag:$0x1] =	stream.indirect.gather [spmem:s2], $0x80, s1, s20, $0xb8;
	[tilespmem:$0x1CA00] =	vst v63  }
0x2c: {  	_ =	swait.ge [sflag:s25], $0x4000  }
0x2d: {  	[sflag:s25] =	ssyncset.done $0x0  }
0x2e: {  	s0 =	sadd.s32 $0x0, s15;
	[sflag:s25] =	ssyncadd.s32 $0xFFFFC000  }
0x2f: {  	[hbm4b:s0+s3] =	stream.linear.scatter [tilespmem:s22], [sflag:$0x4], $0x4000, $0x38;
	[tilespmem:$0x1CA00] =	vst v63  }
0x30: {  	_ =	swait.ge [sflag:s26], $0x4000  }
0x31: {  	[sflag:s26] =	ssyncset.done $0x0  }
0x32: {  	s0 =	simm.s32 $0x180;
	[sflag:s26] =	ssyncadd.s32 $0xFFFFC000  }
0x33: {  	[tilespmem:s22], [sflag:$0x2] =	stream.indirect.gather [spmem:s2], $0x80, s0, s20, $0xb8;
	[tilespmem:$0x1CA00] =	vst v63  }
0x34: {  	_ =	swait.ge [sflag:s23], $0x4000  }
0x35: {  	s30 =	simm.s32 $0x1000;
	[sflag:s23] =	ssyncset.done $0x0  }
0x36: {  	s31 =	simm.s32 $0x280;
	s1 =	sadd.s32 $0x0, s16;
	[sflag:s23] =	ssyncadd.s32 $0xFFFFC000  }
.LBB2_2:
0x37: {  	[hbm4b:s1+s3] =	stream.linear.scatter [tilespmem:s21], [sflag:$0x3], $0x4000, $0x38;
	[tilespmem:$0x1CA00] =	vst v63  }
0x38: {  	s1 =	smov.u32 s30  }
0x39: {  	p0 =	sne.s32 s30, $0x8000;
	s30 =	sadd.s32 $0x1000, s30;
	_ =	swait.ge [sflag:s24], $0x4000  }
0x3a: {  	[sflag:s24] =	ssyncset.done $0x0  }
0x3b: {  	s0 =	sadd.s32 $0xFFFFFF80, s31;
	[sflag:s24] =	ssyncadd.s32 $0xFFFFC000  }
0x3c: {  	[tilespmem:s21], [sflag:$0x1] =	stream.indirect.gather [spmem:s2], $0x80, s0, s20, $0xb8;
	[tilespmem:$0x1CA00] =	vst v63  }
0x3d: {  	_ =	swait.ge [sflag:s25], $0x4000  }
0x3e: {  	[sflag:s25] =	ssyncset.done $0x0  }
0x3f: {  	s0 =	sadd.s32 s1, s15;
	[sflag:s25] =	ssyncadd.s32 $0xFFFFC000  }
0x40: {  	[hbm4b:s0+s3] =	stream.linear.scatter [tilespmem:s22], [sflag:$0x4], $0x4000, $0x38;
	[tilespmem:$0x1CA00] =	vst v63  }
0x41: {  	_ =	swait.ge [sflag:s26], $0x4000  }
0x42: {  	[sflag:s26] =	ssyncset.done $0x0  }
.Ltmp0:
0x43: {  	[sflag:s26] =	ssyncadd.s32 $0xFFFFC000;
	(pc) =	sbr.rel @p0 .LBB2_2-.Ltmp0, $4  }
0x44: {  	[tilespmem:s22], [sflag:$0x2] =	stream.indirect.gather [spmem:s2], $0x80, s31, s20, $0xb8;
	[tilespmem:$0x1CA00] =	vst v63  }
0x45: {  	_ =	swait.ge [sflag:s23], $0x4000  }
0x46: {  	[sflag:s23] =	ssyncset.done $0x0  }
0x47: {  	s1 =	sadd.s32 s1, s16;
	s31 =	sadd.s32 $0x100, s31;
	[sflag:s23] =	ssyncadd.s32 $0xFFFFC000  }
0x48: {  	[hbm4b:s1+s3] =	stream.linear.scatter [tilespmem:s21], [sflag:$0x3], $0x4000, $0x38;
	[tilespmem:$0x1CA00] =	vst v63  }
0x49: {  	_ =	swait.ge [sflag:s25], $0x4000  }
0x4a: {  	[sflag:s25] =	ssyncset.done $0x0  }
0x4b: {  	s0 =	simm.s32 $0x0;
	[sflag:s25] =	ssyncadd.s32 $0xFFFFC000  }
0x4c: {  	[hbm4b:s8+s0] =	stream.linear.scatter [tilespmem:s22], [sflag:$0x4], $0x4000, $0x38;
	[tilespmem:$0x1CA00] =	vst v63  }
0x4d: {  	_ =	swait.ge [sflag:s24], $0x4000  }
0x4e: {  	[sflag:s24] =	ssyncset.done $0x0  }
0x4f: {  	[sflag:s24] =	ssyncadd.s32 $0xFFFFC000  }
0x50: {  	_ =	swait.ge [sflag:s26], $0x4000  }
0x51: {  	[sflag:s26] =	ssyncset.done $0x0  }
0x52: {  	[sflag:s26] =	ssyncadd.s32 $0xFFFFC000  }
0x53: {  	[bflag:$0x0] =	sbarrier.arrive $0xFFFF  }
0x54: {  	[spmem:s29], [sflag:s6] =	dma.local [hbm:s9], $0x2800  }
0x55: {  	_ =	swait.ge [sflag:s19], $0x2800  }
0x56: {  	[sflag:s19] =	ssyncset.done $0x0  }
0x57: {  	[sflag:s19] =	ssyncadd.s32 $0xFFFFD800  }
0x58: {  	[tilespmem:s0], [sflag:$0x5] =	stream.linear.gather [hbm4b:s10+s0], $0xA00, $0x38;
	[tilespmem:$0x1CA00] =	vst v63  }
0x59: {  	_ =	swait.ge [sflag:s19], $0xA00  }
0x5a: {  	[sflag:s19] =	ssyncset.done $0x0  }
0x5b: {  	[sflag:s19] =	ssyncadd.s32 $0xFFFFF600  }
0x5c: {  	[bflag:$0x0] =	sbarrier.arrive $0xFFFF  }
0x5d: {  	[tilespmem:s21], [sflag:$0x1] =	stream.indirect.gather [spmem:s2], $0x80, s0, s20, $0xb8;
	[tilespmem:$0x1CA00] =	vst v63  }
0x5e: {  	_ = 	snop  }
0x5f: {  	[tilespmem:s22], [sflag:$0x2] =	stream.indirect.gather [spmem:s2], $0x80, s20, s20, $0xb8;
	[tilespmem:$0x1CA00] =	vst v63  }
0x60: {  	_ =	swait.ge [sflag:s23], $0x4000  }
0x61: {  	[sflag:s23] =	ssyncset.done $0x0  }
0x62: {  	[sflag:s23] =	ssyncadd.s32 $0xFFFFC000  }
0x63: {  	[hbm4b:s14+s0] =	stream.linear.scatter [tilespmem:s21], [sflag:$0x3], $0x4000, $0x38;
	[tilespmem:$0x1CA00] =	vst v63  }
0x64: {  	_ =	swait.ge [sflag:s24], $0x4000  }
0x65: {  	[sflag:s24] =	ssyncset.done $0x0  }
0x66: {  	s31 =	simm.s32 $0x100;
	[sflag:s24] =	ssyncadd.s32 $0xFFFFC000  }
0x67: {  	[tilespmem:s21], [sflag:$0x1] =	stream.indirect.gather [spmem:s2], $0x80, s31, s20, $0xb8;
	[tilespmem:$0x1CA00] =	vst v63  }
0x68: {  	_ =	swait.ge [sflag:s25], $0x4000  }
0x69: {  	[sflag:s25] =	ssyncset.done $0x0  }
0x6a: {  	s1 =	sadd.s32 $0x0, s17;
	[sflag:s25] =	ssyncadd.s32 $0xFFFFC000  }
0x6b: {  	[hbm4b:s1+s3] =	stream.linear.scatter [tilespmem:s22], [sflag:$0x4], $0x4000, $0x38;
	[tilespmem:$0x1CA00] =	vst v63  }
0x6c: {  	_ =	swait.ge [sflag:s26], $0x4000  }
0x6d: {  	[sflag:s26] =	ssyncset.done $0x0  }
0x6e: {  	s31 =	simm.s32 $0x180;
	[sflag:s26] =	ssyncadd.s32 $0xFFFFC000  }
0x6f: {  	[tilespmem:s22], [sflag:$0x2] =	stream.indirect.gather [spmem:s2], $0x80, s31, s20, $0xb8;
	[tilespmem:$0x1CA00] =	vst v63  }
0x70: {  	_ =	swait.ge [sflag:s23], $0x4000  }
0x71: {  	s30 =	simm.s32 $0x280;
	[sflag:s23] =	ssyncset.done $0x0  }
0x72: {  	s29 =	simm.s32 $0x1000;
	s1 =	sadd.s32 $0x0, s18;
	[sflag:s23] =	ssyncadd.s32 $0xFFFFC000  }
.LBB2_4:
0x73: {  	[hbm4b:s1+s3] =	stream.linear.scatter [tilespmem:s21], [sflag:$0x3], $0x4000, $0x38;
	[tilespmem:$0x1CA00] =	vst v63  }
0x74: {  	s0 =	smov.u32 s29  }
0x75: {  	p0 =	sne.s32 s29, $0x8000;
	s29 =	sadd.s32 $0x1000, s29;
	_ =	swait.ge [sflag:s24], $0x4000  }
0x76: {  	[sflag:s24] =	ssyncset.done $0x0  }
0x77: {  	s1 =	sadd.s32 $0xFFFFFF80, s30;
	[sflag:s24] =	ssyncadd.s32 $0xFFFFC000  }
0x78: {  	[tilespmem:s21], [sflag:$0x1] =	stream.indirect.gather [spmem:s2], $0x80, s1, s20, $0xb8;
	[tilespmem:$0x1CA00] =	vst v63  }
0x79: {  	_ =	swait.ge [sflag:s25], $0x4000  }
0x7a: {  	[sflag:s25] =	ssyncset.done $0x0  }
0x7b: {  	s1 =	sadd.s32 s0, s17;
	[sflag:s25] =	ssyncadd.s32 $0xFFFFC000  }
0x7c: {  	[hbm4b:s1+s3] =	stream.linear.scatter [tilespmem:s22], [sflag:$0x4], $0x4000, $0x38;
	[tilespmem:$0x1CA00] =	vst v63  }
0x7d: {  	_ =	swait.ge [sflag:s26], $0x4000  }
0x7e: {  	[sflag:s26] =	ssyncset.done $0x0  }
.Ltmp1:
0x7f: {  	[sflag:s26] =	ssyncadd.s32 $0xFFFFC000;
	(pc) =	sbr.rel @p0 .LBB2_4-.Ltmp1, $4  }
0x80: {  	[tilespmem:s22], [sflag:$0x2] =	stream.indirect.gather [spmem:s2], $0x80, s30, s20, $0xb8;
	[tilespmem:$0x1CA00] =	vst v63  }
0x81: {  	_ =	swait.ge [sflag:s23], $0x4000  }
0x82: {  	[sflag:s23] =	ssyncset.done $0x0  }
0x83: {  	s1 =	sadd.s32 s0, s18;
	s30 =	sadd.s32 $0x100, s30;
	[sflag:s23] =	ssyncadd.s32 $0xFFFFC000  }
0x84: {  	[hbm4b:s1+s3] =	stream.linear.scatter [tilespmem:s21], [sflag:$0x3], $0x4000, $0x38;
	[tilespmem:$0x1CA00] =	vst v63  }
0x85: {  	_ =	swait.ge [sflag:s25], $0x4000  }
0x86: {  	[sflag:s25] =	ssyncset.done $0x0  }
0x87: {  	[sflag:s25] =	ssyncadd.s32 $0xFFFFC000  }
0x88: {  	[hbm4b:s11+s3] =	stream.linear.scatter [tilespmem:s22], [sflag:$0x4], $0x4000, $0x38;
	[tilespmem:$0x1CA00] =	vst v63  }
0x89: {  	_ =	swait.ge [sflag:s24], $0x4000  }
0x8a: {  	s28 =	sadd.s32 $0x1, s28;
	[sflag:s24] =	ssyncset.done $0x0  }
0x8b: {  	p0 =	sne.s32 s28, s12;
	[sflag:s24] =	ssyncadd.s32 $0xFFFFC000  }
.Ltmp2:
0x8c: {  	_ =	swait.ge [sflag:s26], $0x4000;
	(pc) =	sbr.rel @p0 .LBB2_1-.Ltmp2, $3  }
0x8d: {  	[sflag:s26] =	ssyncset.done $0x0  }
0x8e: {  	[sflag:s26] =	ssyncadd.s32 $0xFFFFC000  }
0x8f: {  	[bflag:$0x0] =	sbarrier.arrive $0xFFFF;
	_ =	sdelay $0x1  }
0x90: {  	_ =	sfence.sel $0x180000  }
0x91: {  	[bflag:$0x0] =	sbarrier.arrive $0xFFFF  }
0x92: {  	_ =	strace $0x9000004A  }
0x93: {  	s0 =	stileid.u32;
	[bflag:$0x2] =	sbarrier.arrive $0xFFFF  }
0x94: {  	p0 =	sne.s32 s0, $0x0;
	s0 =	rddreg [dreg:$0x3]  }
0x95: {  	s0 =	sadd.s32 @!p0 $0x100000, s0  }
0x96: {  	[sflag:s0] =	ssyncadd.tile.s32 @!p0 $0x1;
	_ =	shalt  }
.Lfunc_end2:
_tile_overlayer_lowered:
.L_overlay_start_2:
0x97: {  	(tag) =	ssettag $0x2  }
0x98: {  	s0 =	rddreg [dreg:$0x0];
	s2 =	stileid.u32  }
0x99: {  	s1 =	rddreg [dreg:$0x1];
	p0 =	sne.s32 s2, $0x0  }
0x9a: {  	s3 =	rddreg [dreg:$0x2];
	[bflag:$0x3] =	sbarrier.arrive $0xFFFF;
	s2 =	simm.s32 @!p0 $0x1C05  }
0x9b: {  	[timem:s3], [sflag:s2] =	dma.local @!p0 [hbm:s0], s1  }
0x9c: {  	s0 =	simm.s32 @!p0 $0x5  }
0x9d: {  	_ =	swait.ge @!p0 [sflag:s0], s1  }
0x9e: {  	s1 =	ssub.s32 @!p0 $0x0, s1;
	[sflag:s0] =	ssyncset.done @!p0 $0x0  }
0x9f: {  	[sflag:s0] =	ssyncadd.s32 @!p0 s1  }
0xa0: {  	[bflag:$0x3] =	sbarrier.arrive $0xFFFF  }
0xa1: {  	_ =	shalt  }

// kernel: kernel.13.cloned.1.call-start
scs
__scs_entry_jumppad:
0x0: {  	(pc) =	sbr.rel $0x88, $3  }
0x1: {  	(tag) =	ssettag $0x0;
	lr =	simm.s32 $0x1  }
0x2: {  	[smem:$0x3F8E] =	sst lr;
	_ =	strace $0xD0000000  }
0x3: {  	_ = 	snop  }
0x4: {  	_ = 	snop  }
0x5: {  	_ = 	snop  }
0x6: {  	_ = 	snop  }
0x7: {  	_ = 	snop  }
__scs_overlays_trampoline_lowered:
0x8: {  	[smem:$0x3F9D] =	sst s0  }
0x9: {  	[smem:$0x3F9E] =	sst s1  }
0xa: {  	[smem:$0x3F9F] =	sst s2  }
0xb: {  	[smem:$0x3FA0] =	sst s3  }
0xc: {  	[smem:$0x3FA1] =	sst s4  }
0xd: {  	[smem:$0x3FA2] =	sst s5  }
0xe: {  	[smem:$0x3FA3] =	sst s6  }
0xf: {  	[smem:$0x3FA4] =	sst s7  }
0x10: {  	[smem:$0x3FA5] =	sst s8  }
0x11: {  	[smem:$0x3FA6] =	sst s9;
	s0 =	simm.s32 @!p0 $0x0  }
0x12: {  	s1 =	sld [smem:$0x3F8C];
	s0 =	simm.s32 @p0 $0x1  }
0x13: {  	[smem:$0x3FA7] =	sst s0;
	s0 =	simm.s32 @!p1 $0x0  }
0x14: {  	s2 =	sld [smem:$0x3F8B];
	s0 =	simm.s32 @p1 $0x1  }
0x15: {  	[smem:$0x3FA8] =	sst s0;
	s0 =	simm.s32 @!p2 $0x0  }
0x16: {  	s3 =	sld [smem:$0x3FDB];
	s0 =	simm.s32 @p2 $0x1  }
0x17: {  	s4 =	simm.s32 $0x1BF5;
	[smem:$0x3FAA] =	sst s0  }
0x18: {  	s0 =	sld [smem:$0x3F8D];
	_ =	swait.ge [sflag:s4], $0x0  }
0x19: {  	s7 =	sld [smem:$0x3F8E]  }
0x1a: {  	s8 =	sadd.s32 $0xFFFFE003, lr  }
0x1b: {  	s9 =	sadd.s32 $0xFFFFFEF7, lr;
	s5 =	simm.s32 $0xFFFFFFFF;
	p2 =	slt.u32 s8, $0xFFFFF086  }
0x1c: {  	p1 =	slt.u32 s9, $0xF7A;
	s5 =	simm.s32 @!p2 $0x0  }
0x1d: {  	s5 =	simm.s32 @p1 $0x1;
	p0 =	seq.s32 s7, s2  }
0x1e: {  	s7 =	smul.u32 @!p0 $0xF7A, s2;
	p2 =	seq.s32 @!p0 s5, $0x0  }
0x1f: {  	s9 =	smul.u32 $0xF7A, s1;
	s8 =	simm.s32 @!p0 $0x1BF5;
	p2 =	por !p2, p0  }
0x20: {  	[sflag:s8] =	ssyncset.s32 @!p0 $0xFFFFF086;
	s6 =	sadd.s32 @!p0 s3, s7;
	s7 =	simm.s32 @!p0 $0x108  }
0x21: {  	s3 =	sadd.s32 s3, s9;
	s6 =	sadd.s32 @!p0 $0x88, s6;
	s7 =	simm.s32 @p2 $0x1082  }
0x22: {  	[simem:s7], [sflag:s8] =	dma.local @!p0 [hbm:s6], $0xF7A  }
0x23: {  	s9 =	sor.u32 $0xD0000000, s2;
	s6 =	simm.s32 $0x108;
	_ =	swait.ge @!p0 [sflag:s8], $0x0  }
0x24: {  	s3 =	sadd.s32 $0x88, s3;
	s6 =	simm.s32 @!p1 $0x1082;
	[sflag:s4] =	ssyncset.s32 $0xFFFFF086  }
0x25: {  	[simem:s6], [sflag:s4] =	dma.local [hbm:s3], $0xF7A  }
0x26: {  	[smem:$0x3F8E] =	sst s1;
	(tag) =	ssettag s2;
	_ =	strace s9  }
0x27: {  	s1 =	sld [smem:$0x3F9E]  }
0x28: {  	s2 =	sld [smem:$0x3F9F]  }
0x29: {  	s4 =	sld [smem:$0x3FA1]  }
0x2a: {  	p0 =	seq.s32 s5, $0x0;
	s5 =	sld [smem:$0x3FA2]  }
0x2b: {  	s6 =	sld [smem:$0x3FA3]  }
0x2c: {  	s7 =	sld [smem:$0x3FA4]  }
0x2d: {  	s3 =	simm.s32 $0x108;
	s8 =	sld [smem:$0x3FA5]  }
0x2e: {  	s3 =	simm.s32 @!p0 $0x1082;
	s9 =	sld [smem:$0x3FA6]  }
0x2f: {  	lr =	sadd.s32 s0, s3;
	s0 =	sld [smem:$0x3F9D]  }
0x30: {  	s3 =	sld [smem:$0x3FA0]  }
0x31: {  	[smem:$0x3FA9] =	sst s10  }
0x32: {  	s10 =	sld [smem:$0x3FA7];
	_ =	sdelay $0x3  }
0x33: {  	p0 =	seq.s32 s10, $0x1;
	s10 =	sld [smem:$0x3FA9];
	_ =	sdelay $0x3  }
0x34: {  	[smem:$0x3FA9] =	sst s10  }
0x35: {  	s10 =	sld [smem:$0x3FA8];
	_ =	sdelay $0x3  }
0x36: {  	p1 =	seq.s32 s10, $0x1;
	s10 =	sld [smem:$0x3FA9];
	_ =	sdelay $0x3  }
0x37: {  	[smem:$0x3FA9] =	sst s10  }
0x38: {  	s10 =	sld [smem:$0x3FAA]  }
0x39: {  	_ = 	snop;
	(pc) =	sbr.ind lr, $3  }
0x3a: {  	_ = 	snop  }
0x3b: {  	_ = 	snop  }
0x3c: {  	p2 =	seq.s32 s10, $0x1;
	s10 =	sld [smem:$0x3FA9]  }
0x3d: {  	_ =	shalt  }
0x3e: {  	_ =	shalt  }
0x3f: {  	_ =	shalt  }
0x40: {  	_ =	shalt  }
0x41: {  	_ =	shalt  }
0x42: {  	_ =	shalt  }
0x43: {  	_ =	shalt  }
0x44: {  	_ =	shalt  }
0x45: {  	_ =	shalt  }
0x46: {  	_ =	shalt  }
0x47: {  	_ =	shalt  }
0x48: {  	_ =	shalt  }
0x49: {  	_ =	shalt  }
0x4a: {  	_ =	shalt  }
0x4b: {  	_ =	shalt  }
0x4c: {  	_ =	shalt  }
0x4d: {  	_ =	shalt  }
0x4e: {  	_ =	shalt  }
0x4f: {  	_ =	shalt  }
0x50: {  	_ =	shalt  }
0x51: {  	_ =	shalt  }
0x52: {  	_ =	shalt  }
0x53: {  	_ =	shalt  }
0x54: {  	_ =	shalt  }
0x55: {  	_ =	shalt  }
0x56: {  	_ =	shalt  }
0x57: {  	_ =	shalt  }
0x58: {  	_ =	shalt  }
0x59: {  	_ =	shalt  }
0x5a: {  	_ =	shalt  }
0x5b: {  	_ =	shalt  }
0x5c: {  	_ =	shalt  }
0x5d: {  	_ =	shalt  }
0x5e: {  	_ =	shalt  }
0x5f: {  	_ =	shalt  }
0x60: {  	_ =	shalt  }
0x61: {  	_ =	shalt  }
0x62: {  	_ =	shalt  }
0x63: {  	_ =	shalt  }
0x64: {  	_ =	shalt  }
0x65: {  	_ =	shalt  }
0x66: {  	_ =	shalt  }
0x67: {  	_ =	shalt  }
0x68: {  	_ =	shalt  }
0x69: {  	_ =	shalt  }
0x6a: {  	_ =	shalt  }
0x6b: {  	_ =	shalt  }
0x6c: {  	_ =	shalt  }
0x6d: {  	_ =	shalt  }
0x6e: {  	_ =	shalt  }
0x6f: {  	_ =	shalt  }
0x70: {  	_ =	shalt  }
0x71: {  	_ =	shalt  }
0x72: {  	_ =	shalt  }
0x73: {  	_ =	shalt  }
0x74: {  	_ =	shalt  }
0x75: {  	_ =	shalt  }
0x76: {  	_ =	shalt  }
0x77: {  	_ =	shalt  }
0x78: {  	_ =	shalt  }
0x79: {  	_ =	shalt  }
0x7a: {  	_ =	shalt  }
0x7b: {  	_ =	shalt  }
0x7c: {  	_ =	shalt  }
0x7d: {  	_ =	shalt  }
0x7e: {  	_ =	shalt  }
0x7f: {  	_ =	shalt  }
0x80: {  	_ =	shalt  }
0x81: {  	_ =	shalt  }
0x82: {  	_ =	shalt  }
0x83: {  	_ =	shalt  }
0x84: {  	_ =	shalt  }
0x85: {  	_ =	shalt  }
0x86: {  	_ =	shalt  }
0x87: {  	_ =	shalt  }
.Lfunc_end0:
.L_simem_size_0:
called_computation.1_lowered:
.L_overlay_start_0:
0x88: {  	s2 =	sld [smem:$0x3FD9]  }
0x89: {  	s3 =	sld [smem:$0x3FFE];
	_ =	sdelay $0x1  }
0x8a: {  	s1 =	srdreg.scid  }
0x8b: {  	s0 =	sand.u32 $0x1, s1  }
0x8c: {  	s14 =	sshll.u32 s0, $0xA;
	s2 =	sadd.s32 s3, s2  }
0x8d: {  	s2 =	sadd.s32 s2, s14  }
0x8e: {  	[smem:$0x3FB5] =	sst s2  }
0x8f: {  	_ = 	snop  }
0x90: {  	s2 =	sld [smem:$0x3FD0];
	_ =	sdelay $0x2  }
0x91: {  	s15 =	simm.s32 $0xB;
	s4 =	simm.s32 $0x10  }
0x92: {  	[smem:s4], [sflag:s15] =	dma.local [hbm:s2], $0x1  }
0x93: {  	_ =	swait.eq [sflag:s15], $0x1  }
0x94: {  	[sflag:s15] =	ssyncset.done $0x0  }
0x95: {  	s16 =	sld [smem:$0x11];
	[sflag:s15] =	ssyncadd.s32 $0xFFFFFFFF  }
0x96: {  	s17 =	sld [smem:$0x12];
	(tm) =	ssettm $0x1  }
0x97: {  	s18 =	sld [smem:$0x3FFB];
	_ =	sdelay $0x3  }
0x98: {  	_ =	strace s18  }
0x99: {  	s4 =	sld [smem:$0x3FFC];
	_ =	sdelay $0x3  }
0x9a: {  	_ =	strace s4  }
0x9b: {  	s4 =	sld [smem:$0x3FFD];
	_ =	sdelay $0x3  }
0x9c: {  	_ =	strace s4  }
0x9d: {  	_ =	strace $0x8FFFFFFF  }
0x9e: {  	s19 =	sld [smem:$0x3FDB];
	_ =	sdelay $0x1  }
0x9f: {  	s5 =	simm.s32 $_scs_section_size  }
0xa0: {  	s6 =	simm.s32 $_size__tile_overlayer_lowered;
	s7 =	simm.s32 $_tile_overlayer_lowered  }
0xa1: {  	s22 =	simm.s32 $0x1BFF;
	s21 =	sshll.u32 s7, $0x1;
	s4 =	sadd.s32 s5, s19  }
0xa2: {  	s8 =	simm.s32 $0x0;
	s20 =	sshll.u32 s6, $0x1;
	s6 =	sadd.s32 s21, s4  }
0xa3: {  	[timem:s8], [sflag:s22] =	dma.local [hbm:s6], s20  }
0xa4: {  	_ =	swait.ge [sflag:s22], s20  }
0xa5: {  	s5 =	ssub.s32 $0x0, s20;
	[sflag:s22] =	ssyncset.done $0x0  }
0xa6: {  	[sflag:s22] =	ssyncadd.s32 s5;
	_ =	sdelay $0x1  }
0xa7: {  	s23 =	simm.s32 $0x1B8B  }
0xa8: {  	_ =	swait.ge [sflag:s23], $0x1  }
0xa9: {  	[sflag:s23] =	ssyncset.done $0x0  }
0xaa: {  	s25 =	simm.s32 $0x1B8E;
	s24 =	sld [smem:$0x3FFE];
	[sflag:s23] =	ssyncadd.s32 $0xFFFFFFFF  }
0xab: {  	s26 =	simm.s32 $execute0_lowered;
	[smem:$0x3FD2] =	sst s25  }
0xac: {  	s6 =	sshll.u32 s26, $0x1;
	_ =	strace $0x80000046;
	[dreg:$0x1] =	wrdreg $0xFFFFFFFF  }
0xad: {  	s28 =	simm.s32 $_size_execute0_lowered;
	s4 =	sadd.s32 s4, s6;
	[dreg:$0x0] =	wrdreg $0x0  }
0xae: {  	s6 =	sshll.u32 s28, $0x1;
	[dreg:$0x2] =	wrdreg s4  }
0xaf: {  	[dreg:$0x3] =	wrdreg s6  }
0xb0: {  	[dreg:$0x4] =	wrdreg $0xC0  }
0xb1: {  	_ =	task [dreg:s8], $0x5FFFF  }
0xb2: {  	[dreg:$0x1] =	wrdreg $0xFFFFFFFF  }
0xb3: {  	[dreg:$0x0] =	wrdreg $0x60  }
0xb4: {  	[dreg:$0x2] =	wrdreg s17  }
0xb5: {  	[dreg:$0x3] =	wrdreg s24  }
0xb6: {  	[dreg:$0x4] =	wrdreg s16  }
0xb7: {  	[dreg:$0x5] =	wrdreg $0xA8000  }
0xb8: {  	[dreg:$0x6] =	wrdreg $0xA  }
0xb9: {  	_ =	task.clear_ibuf [dreg:s8], $0x7FFFF;
	_ =	strace $0x90000046  }
0xba: {  	s29 =	simm.s32 $0xA;
	_ =	strace $0x80000048  }
0xbb: {  	_ =	swait.ge [sflag:s29], $0x1  }
0xbc: {  	[sflag:s29] =	ssyncadd.s32 $0xFFFFFFFF  }
0xbd: {  	_ =	strace $0x90000048  }
0xbe: {  	_ =	sfence  }
0xbf: {  	s30 =	sld [smem:$0x0];
	_ =	sdelay $0x2  }
0xc0: {  	s31 =	sshll.u32 s1, $0xD;
	s1 =	sshrl.u32 s1, $0x2  }
0xc1: {  	s3 =	sand.u32 $0x4000, s31;
	s1 =	sadd.s32 s1, s30  }
0xc2: {  	s0 =	sor.u32 s3, s0;
	s1 =	sshll.u32 s1, $0x11  }
0xc3: {  	s0 =	sor.u32 s1, s0  }
0xc4: {  	s0 =	sadd.s32 $0x8F2B, s0  }
0xc5: {  	[sflag:s0] =	ssyncadd.remote.s32 $0x1  }
0xc6: {  	_ =	sfence.sel $0xFFFF  }
0xc7: {  	[dreg:$0x0] =	wrdreg $0xFFFFFFFF;
	(pc) =	sbr.abs _section_cstart, $3  }
0xc8: {  	[dreg:$0x1] =	wrdreg $0xFFFFFFFF  }
0xc9: {  	_ =	task.clear_ibuf [dreg:s8], $0x2FFFF;
	_ =	strace $0x9FFFFFFF  }
0xca: {  	(tm) =	ssettm $0x7FFFFFFF  }
0xcb: {  	_ =	shalt  }
tec
execute0_lowered:
.L_overlay_start_1:
0x0: {  	(tag) =	ssettag $0x1  }
0x1: {  	s1 =	rddreg [dreg:$0x0]  }
0x2: {  	s4 =	rddreg [dreg:$0x1]  }
0x3: {  	s10 =	rddreg [dreg:$0x2];
	s3 =	srdreg.scid  }
0x4: {  	s0 =	stileid.u32;
	s2 =	rddreg [dreg:$0x3]  }
0x5: {  	s28 =	simm.s32 $0x0;
	s15 =	sand.u32 $0x1, s3;
	s16 =	smul.u32 $0x50000, s0  }
0x6: {  	s5 =	sshll.u32 s0, $0x1;
	s3 =	simm.s32 $0x0;
	s8 =	smul.u32 $0x14000, s0  }
0x7: {  	s17 =	sadd.s32 $0xF600, s4;
	s18 =	sadd.s32 $0x50F600, s4;
	s14 =	smul.u32 $0xA0, s0  }
0x8: {  	s24 =	sshll.u32 s0, $0x6;
	s11 =	sor.u32 s15, s5;
	s19 =	smul.u32 $0x50, s15  }
0x9: {  	[smem:$0x7FF] =	sst s3;
	s20 =	ssub.s32 $0x2, s15;
	s30 =	smul.u32 $0x28000, s15  }
0xa: {  	s12 =	smul.u32 $0x500, s11;
	_ =	strace $0x80000047;
	s6 =	sshrl.u32 s20, $0x1  }
0xb: {  	s21 =	sshrl.u32 s16, $0x2;
	s22 =	sshrl.u32 s8, $0x3;
	s23 =	smul.u32 $0x140000, s11  }
0xc: {  	s13 =	ssub.s32 s20, s6;
	s5 =	sadd.s32 s1, s22;
	s6 =	sor.u32 $0x1C05, s24  }
0xd: {  	s20 =	smul.u32 $0x28000, s11;
	s26 =	sadd.s32 s19, s14;
	s19 =	simm.s32 $0x5  }
0xe: {  	s22 =	simm.s32 $0x6800;
	s24 =	simm.s32 $0x3;
	s7 =	sadd.s32 s12, s4  }
0xf: {  	s4 =	sadd.s32 s21, s2;
	s25 =	sshrl.u32 s23, $0x3;
	s9 =	sadd.s32 $0x28000, s5  }
0x10: {  	s10 =	sadd.s32 s10, s12;
	s12 =	smax.u32 s13, $0x1;
	s21 =	simm.s32 $0x2800  }
0x11: {  	s23 =	simm.s32 $0x1;
	s7 =	sadd.s32 $0x5600, s7;
	s1 =	sadd.s32 $0x27800, s25  }
0x12: {  	s13 =	sadd.s32 s17, s20;
	s14 =	sadd.s32 s18, s20;
	s20 =	simm.s32 $0x80  }
0x13: {  	s8 =	sadd.s32 s17, s1;
	s11 =	sadd.s32 s18, s1;
	s1 =	sshll.u32 s26, $0xB  }
0x14: {  	s25 =	simm.s32 $0x2;
	s26 =	simm.s32 $0x4;
	s29 =	sadd.s32 s1, s17  }
0x15: {  	s17 =	sadd.s32 s16, s17;
	s16 =	sadd.s32 s16, s18;
	s1 =	sadd.s32 s1, s18  }
0x16: {  	s15 =	sadd.s32 $0x800, s29;
	s17 =	sadd.s32 s30, s17;
	s31 =	sadd.s32 s30, s16  }
0x17: {  	s16 =	sadd.s32 $0x1000, s17;
	s17 =	sadd.s32 $0x800, s1;
	s18 =	sadd.s32 $0x1000, s31  }
.LBB2_1:
0x18: {  	s29 =	sshrl.u32 s4, $0x3  }
0x19: {  	[spmem:s29], [sflag:s6] =	dma.local [hbm:s5], $0x2800  }
0x1a: {  	_ =	swait.ge [sflag:s19], $0x2800  }
0x1b: {  	[sflag:s19] =	ssyncset.done $0x0  }
0x1c: {  	[sflag:s19] =	ssyncadd.s32 $0xFFFFD800  }
0x1d: {  	[tilespmem:s3], [sflag:$0x5] =	stream.linear.gather [hbm4b:s7+s3], $0x2800, $0x38;
	[tilespmem:$0x1E800] =	vst v63  }
0x1e: {  	_ =	swait.ge [sflag:s19], $0x2800  }
0x1f: {  	[sflag:s19] =	ssyncset.done $0x0  }
0x20: {  	[sflag:s19] =	ssyncadd.s32 $0xFFFFD800  }
0x21: {  	[bflag:$0x0] =	sbarrier.arrive $0xFFFF  }
0x22: {  	[tilespmem:s21], [sflag:$0x1] =	stream.indirect.gather [spmem:s2], $0x80, s3, s20, $0xb8;
	[tilespmem:$0x1E800] =	vst v63  }
0x23: {  	_ = 	snop  }
0x24: {  	[tilespmem:s22], [sflag:$0x2] =	stream.indirect.gather [spmem:s2], $0x80, s20, s20, $0xb8;
	[tilespmem:$0x1E800] =	vst v63  }
0x25: {  	_ =	swait.ge [sflag:s23], $0x4000  }
0x26: {  	[sflag:s23] =	ssyncset.done $0x0  }
0x27: {  	[sflag:s23] =	ssyncadd.s32 $0xFFFFC000  }
0x28: {  	[hbm4b:s13+s3] =	stream.linear.scatter [tilespmem:s21], [sflag:$0x3], $0x4000, $0x38;
	[tilespmem:$0x1E800] =	vst v63  }
0x29: {  	_ =	swait.ge [sflag:s24], $0x4000  }
0x2a: {  	[sflag:s24] =	ssyncset.done $0x0  }
0x2b: {  	s1 =	simm.s32 $0x100;
	[sflag:s24] =	ssyncadd.s32 $0xFFFFC000  }
0x2c: {  	[tilespmem:s21], [sflag:$0x1] =	stream.indirect.gather [spmem:s2], $0x80, s1, s20, $0xb8;
	[tilespmem:$0x1E800] =	vst v63  }
0x2d: {  	_ =	swait.ge [sflag:s25], $0x4000  }
0x2e: {  	[sflag:s25] =	ssyncset.done $0x0  }
0x2f: {  	s0 =	sadd.s32 $0x0, s15;
	[sflag:s25] =	ssyncadd.s32 $0xFFFFC000  }
0x30: {  	[hbm4b:s0+s3] =	stream.linear.scatter [tilespmem:s22], [sflag:$0x4], $0x4000, $0x38;
	[tilespmem:$0x1E800] =	vst v63  }
0x31: {  	_ =	swait.ge [sflag:s26], $0x4000  }
0x32: {  	[sflag:s26] =	ssyncset.done $0x0  }
0x33: {  	s0 =	simm.s32 $0x180;
	[sflag:s26] =	ssyncadd.s32 $0xFFFFC000  }
0x34: {  	[tilespmem:s22], [sflag:$0x2] =	stream.indirect.gather [spmem:s2], $0x80, s0, s20, $0xb8;
	[tilespmem:$0x1E800] =	vst v63  }
0x35: {  	_ =	swait.ge [sflag:s23], $0x4000  }
0x36: {  	s30 =	simm.s32 $0x1000;
	[sflag:s23] =	ssyncset.done $0x0  }
0x37: {  	s31 =	simm.s32 $0x280;
	s1 =	sadd.s32 $0x0, s16;
	[sflag:s23] =	ssyncadd.s32 $0xFFFFC000  }
.LBB2_2:
0x38: {  	[hbm4b:s1+s3] =	stream.linear.scatter [tilespmem:s21], [sflag:$0x3], $0x4000, $0x38;
	[tilespmem:$0x1E800] =	vst v63  }
0x39: {  	s1 =	smov.u32 s30  }
0x3a: {  	p0 =	sne.s32 s30, $0x26000;
	s30 =	sadd.s32 $0x1000, s30;
	_ =	swait.ge [sflag:s24], $0x4000  }
0x3b: {  	[sflag:s24] =	ssyncset.done $0x0  }
0x3c: {  	s0 =	sadd.s32 $0xFFFFFF80, s31;
	[sflag:s24] =	ssyncadd.s32 $0xFFFFC000  }
0x3d: {  	[tilespmem:s21], [sflag:$0x1] =	stream.indirect.gather [spmem:s2], $0x80, s0, s20, $0xb8;
	[tilespmem:$0x1E800] =	vst v63  }
0x3e: {  	_ =	swait.ge [sflag:s25], $0x4000  }
0x3f: {  	[sflag:s25] =	ssyncset.done $0x0  }
0x40: {  	s0 =	sadd.s32 s1, s15;
	[sflag:s25] =	ssyncadd.s32 $0xFFFFC000  }
0x41: {  	[hbm4b:s0+s3] =	stream.linear.scatter [tilespmem:s22], [sflag:$0x4], $0x4000, $0x38;
	[tilespmem:$0x1E800] =	vst v63  }
0x42: {  	_ =	swait.ge [sflag:s26], $0x4000  }
0x43: {  	[sflag:s26] =	ssyncset.done $0x0  }
.Ltmp0:
0x44: {  	[sflag:s26] =	ssyncadd.s32 $0xFFFFC000;
	(pc) =	sbr.rel @p0 .LBB2_2-.Ltmp0, $4  }
0x45: {  	[tilespmem:s22], [sflag:$0x2] =	stream.indirect.gather [spmem:s2], $0x80, s31, s20, $0xb8;
	[tilespmem:$0x1E800] =	vst v63  }
0x46: {  	_ =	swait.ge [sflag:s23], $0x4000  }
0x47: {  	[sflag:s23] =	ssyncset.done $0x0  }
0x48: {  	s1 =	sadd.s32 s1, s16;
	s31 =	sadd.s32 $0x100, s31;
	[sflag:s23] =	ssyncadd.s32 $0xFFFFC000  }
0x49: {  	[hbm4b:s1+s3] =	stream.linear.scatter [tilespmem:s21], [sflag:$0x3], $0x4000, $0x38;
	[tilespmem:$0x1E800] =	vst v63  }
0x4a: {  	_ =	swait.ge [sflag:s25], $0x4000  }
0x4b: {  	[sflag:s25] =	ssyncset.done $0x0  }
0x4c: {  	s0 =	simm.s32 $0x0;
	[sflag:s25] =	ssyncadd.s32 $0xFFFFC000  }
0x4d: {  	[hbm4b:s8+s0] =	stream.linear.scatter [tilespmem:s22], [sflag:$0x4], $0x4000, $0x38;
	[tilespmem:$0x1E800] =	vst v63  }
0x4e: {  	_ =	swait.ge [sflag:s24], $0x4000  }
0x4f: {  	[sflag:s24] =	ssyncset.done $0x0  }
0x50: {  	[sflag:s24] =	ssyncadd.s32 $0xFFFFC000  }
0x51: {  	_ =	swait.ge [sflag:s26], $0x4000  }
0x52: {  	[sflag:s26] =	ssyncset.done $0x0  }
0x53: {  	[sflag:s26] =	ssyncadd.s32 $0xFFFFC000  }
0x54: {  	[bflag:$0x0] =	sbarrier.arrive $0xFFFF  }
0x55: {  	[spmem:s29], [sflag:s6] =	dma.local [hbm:s9], $0x2800  }
0x56: {  	_ =	swait.ge [sflag:s19], $0x2800  }
0x57: {  	[sflag:s19] =	ssyncset.done $0x0  }
0x58: {  	[sflag:s19] =	ssyncadd.s32 $0xFFFFD800  }
0x59: {  	[tilespmem:s0], [sflag:$0x5] =	stream.linear.gather [hbm4b:s10+s0], $0x2800, $0x38;
	[tilespmem:$0x1E800] =	vst v63  }
0x5a: {  	_ =	swait.ge [sflag:s19], $0x2800  }
0x5b: {  	[sflag:s19] =	ssyncset.done $0x0  }
0x5c: {  	[sflag:s19] =	ssyncadd.s32 $0xFFFFD800  }
0x5d: {  	[bflag:$0x0] =	sbarrier.arrive $0xFFFF  }
0x5e: {  	[tilespmem:s21], [sflag:$0x1] =	stream.indirect.gather [spmem:s2], $0x80, s0, s20, $0xb8;
	[tilespmem:$0x1E800] =	vst v63  }
0x5f: {  	_ = 	snop  }
0x60: {  	[tilespmem:s22], [sflag:$0x2] =	stream.indirect.gather [spmem:s2], $0x80, s20, s20, $0xb8;
	[tilespmem:$0x1E800] =	vst v63  }
0x61: {  	_ =	swait.ge [sflag:s23], $0x4000  }
0x62: {  	[sflag:s23] =	ssyncset.done $0x0  }
0x63: {  	[sflag:s23] =	ssyncadd.s32 $0xFFFFC000  }
0x64: {  	[hbm4b:s14+s0] =	stream.linear.scatter [tilespmem:s21], [sflag:$0x3], $0x4000, $0x38;
	[tilespmem:$0x1E800] =	vst v63  }
0x65: {  	_ =	swait.ge [sflag:s24], $0x4000  }
0x66: {  	[sflag:s24] =	ssyncset.done $0x0  }
0x67: {  	s31 =	simm.s32 $0x100;
	[sflag:s24] =	ssyncadd.s32 $0xFFFFC000  }
0x68: {  	[tilespmem:s21], [sflag:$0x1] =	stream.indirect.gather [spmem:s2], $0x80, s31, s20, $0xb8;
	[tilespmem:$0x1E800] =	vst v63  }
0x69: {  	_ =	swait.ge [sflag:s25], $0x4000  }
0x6a: {  	[sflag:s25] =	ssyncset.done $0x0  }
0x6b: {  	s1 =	sadd.s32 $0x0, s17;
	[sflag:s25] =	ssyncadd.s32 $0xFFFFC000  }
0x6c: {  	[hbm4b:s1+s3] =	stream.linear.scatter [tilespmem:s22], [sflag:$0x4], $0x4000, $0x38;
	[tilespmem:$0x1E800] =	vst v63  }
0x6d: {  	_ =	swait.ge [sflag:s26], $0x4000  }
0x6e: {  	[sflag:s26] =	ssyncset.done $0x0  }
0x6f: {  	s31 =	simm.s32 $0x180;
	[sflag:s26] =	ssyncadd.s32 $0xFFFFC000  }
0x70: {  	[tilespmem:s22], [sflag:$0x2] =	stream.indirect.gather [spmem:s2], $0x80, s31, s20, $0xb8;
	[tilespmem:$0x1E800] =	vst v63  }
0x71: {  	_ =	swait.ge [sflag:s23], $0x4000  }
0x72: {  	s30 =	simm.s32 $0x280;
	[sflag:s23] =	ssyncset.done $0x0  }
0x73: {  	s29 =	simm.s32 $0x1000;
	s1 =	sadd.s32 $0x0, s18;
	[sflag:s23] =	ssyncadd.s32 $0xFFFFC000  }
.LBB2_4:
0x74: {  	[hbm4b:s1+s3] =	stream.linear.scatter [tilespmem:s21], [sflag:$0x3], $0x4000, $0x38;
	[tilespmem:$0x1E800] =	vst v63  }
0x75: {  	s0 =	smov.u32 s29  }
0x76: {  	p0 =	sne.s32 s29, $0x26000;
	s29 =	sadd.s32 $0x1000, s29;
	_ =	swait.ge [sflag:s24], $0x4000  }
0x77: {  	[sflag:s24] =	ssyncset.done $0x0  }
0x78: {  	s1 =	sadd.s32 $0xFFFFFF80, s30;
	[sflag:s24] =	ssyncadd.s32 $0xFFFFC000  }
0x79: {  	[tilespmem:s21], [sflag:$0x1] =	stream.indirect.gather [spmem:s2], $0x80, s1, s20, $0xb8;
	[tilespmem:$0x1E800] =	vst v63  }
0x7a: {  	_ =	swait.ge [sflag:s25], $0x4000  }
0x7b: {  	[sflag:s25] =	ssyncset.done $0x0  }
0x7c: {  	s1 =	sadd.s32 s0, s17;
	[sflag:s25] =	ssyncadd.s32 $0xFFFFC000  }
0x7d: {  	[hbm4b:s1+s3] =	stream.linear.scatter [tilespmem:s22], [sflag:$0x4], $0x4000, $0x38;
	[tilespmem:$0x1E800] =	vst v63  }
0x7e: {  	_ =	swait.ge [sflag:s26], $0x4000  }
0x7f: {  	[sflag:s26] =	ssyncset.done $0x0  }
.Ltmp1:
0x80: {  	[sflag:s26] =	ssyncadd.s32 $0xFFFFC000;
	(pc) =	sbr.rel @p0 .LBB2_4-.Ltmp1, $4  }
0x81: {  	[tilespmem:s22], [sflag:$0x2] =	stream.indirect.gather [spmem:s2], $0x80, s30, s20, $0xb8;
	[tilespmem:$0x1E800] =	vst v63  }
0x82: {  	_ =	swait.ge [sflag:s23], $0x4000  }
0x83: {  	[sflag:s23] =	ssyncset.done $0x0  }
0x84: {  	s1 =	sadd.s32 s0, s18;
	s30 =	sadd.s32 $0x100, s30;
	[sflag:s23] =	ssyncadd.s32 $0xFFFFC000  }
0x85: {  	[hbm4b:s1+s3] =	stream.linear.scatter [tilespmem:s21], [sflag:$0x3], $0x4000, $0x38;
	[tilespmem:$0x1E800] =	vst v63  }
0x86: {  	_ =	swait.ge [sflag:s25], $0x4000  }
0x87: {  	[sflag:s25] =	ssyncset.done $0x0  }
0x88: {  	[sflag:s25] =	ssyncadd.s32 $0xFFFFC000  }
0x89: {  	[hbm4b:s11+s3] =	stream.linear.scatter [tilespmem:s22], [sflag:$0x4], $0x4000, $0x38;
	[tilespmem:$0x1E800] =	vst v63  }
0x8a: {  	_ =	swait.ge [sflag:s24], $0x4000  }
0x8b: {  	s28 =	sadd.s32 $0x1, s28;
	[sflag:s24] =	ssyncset.done $0x0  }
0x8c: {  	p0 =	sne.s32 s28, s12;
	[sflag:s24] =	ssyncadd.s32 $0xFFFFC000  }
.Ltmp2:
0x8d: {  	_ =	swait.ge [sflag:s26], $0x4000;
	(pc) =	sbr.rel @p0 .LBB2_1-.Ltmp2, $3  }
0x8e: {  	[sflag:s26] =	ssyncset.done $0x0  }
0x8f: {  	[sflag:s26] =	ssyncadd.s32 $0xFFFFC000  }
0x90: {  	[bflag:$0x0] =	sbarrier.arrive $0xFFFF;
	_ =	sdelay $0x1  }
0x91: {  	_ =	sfence.sel $0x180000  }
0x92: {  	[bflag:$0x0] =	sbarrier.arrive $0xFFFF  }
0x93: {  	_ =	strace $0x90000047  }
0x94: {  	s0 =	stileid.u32;
	[bflag:$0x2] =	sbarrier.arrive $0xFFFF  }
0x95: {  	p0 =	sne.s32 s0, $0x0;
	s0 =	rddreg [dreg:$0x4]  }
0x96: {  	s0 =	sadd.s32 @!p0 $0x100000, s0  }
0x97: {  	[sflag:s0] =	ssyncadd.tile.s32 @!p0 $0x1;
	_ =	shalt  }
.Lfunc_end2:
_tile_overlayer_lowered:
.L_overlay_start_2:
0x98: {  	(tag) =	ssettag $0x2  }
0x99: {  	s0 =	rddreg [dreg:$0x0];
	s2 =	stileid.u32  }
0x9a: {  	s1 =	rddreg [dreg:$0x1];
	p0 =	sne.s32 s2, $0x0  }
0x9b: {  	s3 =	rddreg [dreg:$0x2];
	[bflag:$0x3] =	sbarrier.arrive $0xFFFF;
	s2 =	simm.s32 @!p0 $0x1C05  }
0x9c: {  	[timem:s3], [sflag:s2] =	dma.local @!p0 [hbm:s0], s1  }
0x9d: {  	s0 =	simm.s32 @!p0 $0x5  }
0x9e: {  	_ =	swait.ge @!p0 [sflag:s0], s1  }
0x9f: {  	s1 =	ssub.s32 @!p0 $0x0, s1;
	[sflag:s0] =	ssyncset.done @!p0 $0x0  }
0xa0: {  	[sflag:s0] =	ssyncadd.s32 @!p0 s1  }
0xa1: {  	[bflag:$0x3] =	sbarrier.arrive $0xFFFF  }
0xa2: {  	_ =	shalt  }

// kernel: kernel.16.cloned.1.call-start
scs
__scs_entry_jumppad:
0x0: {  	(pc) =	sbr.rel $0x88, $3  }
0x1: {  	(tag) =	ssettag $0x0;
	lr =	simm.s32 $0x1  }
0x2: {  	[smem:$0x3F8E] =	sst lr;
	_ =	strace $0xD0000000  }
0x3: {  	_ = 	snop  }
0x4: {  	_ = 	snop  }
0x5: {  	_ = 	snop  }
0x6: {  	_ = 	snop  }
0x7: {  	_ = 	snop  }
__scs_overlays_trampoline_lowered:
0x8: {  	[smem:$0x3F9D] =	sst s0  }
0x9: {  	[smem:$0x3F9E] =	sst s1  }
0xa: {  	[smem:$0x3F9F] =	sst s2  }
0xb: {  	[smem:$0x3FA0] =	sst s3  }
0xc: {  	[smem:$0x3FA1] =	sst s4  }
0xd: {  	[smem:$0x3FA2] =	sst s5  }
0xe: {  	[smem:$0x3FA3] =	sst s6  }
0xf: {  	[smem:$0x3FA4] =	sst s7  }
0x10: {  	[smem:$0x3FA5] =	sst s8  }
0x11: {  	[smem:$0x3FA6] =	sst s9;
	s0 =	simm.s32 @!p0 $0x0  }
0x12: {  	s1 =	sld [smem:$0x3F8C];
	s0 =	simm.s32 @p0 $0x1  }
0x13: {  	[smem:$0x3FA7] =	sst s0;
	s0 =	simm.s32 @!p1 $0x0  }
0x14: {  	s2 =	sld [smem:$0x3F8B];
	s0 =	simm.s32 @p1 $0x1  }
0x15: {  	[smem:$0x3FA8] =	sst s0;
	s0 =	simm.s32 @!p2 $0x0  }
0x16: {  	s3 =	sld [smem:$0x3FDB];
	s0 =	simm.s32 @p2 $0x1  }
0x17: {  	s4 =	simm.s32 $0x1BF5;
	[smem:$0x3FAA] =	sst s0  }
0x18: {  	s0 =	sld [smem:$0x3F8D];
	_ =	swait.ge [sflag:s4], $0x0  }
0x19: {  	s7 =	sld [smem:$0x3F8E]  }
0x1a: {  	s8 =	sadd.s32 $0xFFFFE003, lr  }
0x1b: {  	s9 =	sadd.s32 $0xFFFFFEF7, lr;
	s5 =	simm.s32 $0xFFFFFFFF;
	p2 =	slt.u32 s8, $0xFFFFF086  }
0x1c: {  	p1 =	slt.u32 s9, $0xF7A;
	s5 =	simm.s32 @!p2 $0x0  }
0x1d: {  	s5 =	simm.s32 @p1 $0x1;
	p0 =	seq.s32 s7, s2  }
0x1e: {  	s7 =	smul.u32 @!p0 $0xF7A, s2;
	p2 =	seq.s32 @!p0 s5, $0x0  }
0x1f: {  	s9 =	smul.u32 $0xF7A, s1;
	s8 =	simm.s32 @!p0 $0x1BF5;
	p2 =	por !p2, p0  }
0x20: {  	[sflag:s8] =	ssyncset.s32 @!p0 $0xFFFFF086;
	s6 =	sadd.s32 @!p0 s3, s7;
	s7 =	simm.s32 @!p0 $0x108  }
0x21: {  	s3 =	sadd.s32 s3, s9;
	s6 =	sadd.s32 @!p0 $0x88, s6;
	s7 =	simm.s32 @p2 $0x1082  }
0x22: {  	[simem:s7], [sflag:s8] =	dma.local @!p0 [hbm:s6], $0xF7A  }
0x23: {  	s9 =	sor.u32 $0xD0000000, s2;
	s6 =	simm.s32 $0x108;
	_ =	swait.ge @!p0 [sflag:s8], $0x0  }
0x24: {  	s3 =	sadd.s32 $0x88, s3;
	s6 =	simm.s32 @!p1 $0x1082;
	[sflag:s4] =	ssyncset.s32 $0xFFFFF086  }
0x25: {  	[simem:s6], [sflag:s4] =	dma.local [hbm:s3], $0xF7A  }
0x26: {  	[smem:$0x3F8E] =	sst s1;
	(tag) =	ssettag s2;
	_ =	strace s9  }
0x27: {  	s1 =	sld [smem:$0x3F9E]  }
0x28: {  	s2 =	sld [smem:$0x3F9F]  }
0x29: {  	s4 =	sld [smem:$0x3FA1]  }
0x2a: {  	p0 =	seq.s32 s5, $0x0;
	s5 =	sld [smem:$0x3FA2]  }
0x2b: {  	s6 =	sld [smem:$0x3FA3]  }
0x2c: {  	s7 =	sld [smem:$0x3FA4]  }
0x2d: {  	s3 =	simm.s32 $0x108;
	s8 =	sld [smem:$0x3FA5]  }
0x2e: {  	s3 =	simm.s32 @!p0 $0x1082;
	s9 =	sld [smem:$0x3FA6]  }
0x2f: {  	lr =	sadd.s32 s0, s3;
	s0 =	sld [smem:$0x3F9D]  }
0x30: {  	s3 =	sld [smem:$0x3FA0]  }
0x31: {  	[smem:$0x3FA9] =	sst s10  }
0x32: {  	s10 =	sld [smem:$0x3FA7];
	_ =	sdelay $0x3  }
0x33: {  	p0 =	seq.s32 s10, $0x1;
	s10 =	sld [smem:$0x3FA9];
	_ =	sdelay $0x3  }
0x34: {  	[smem:$0x3FA9] =	sst s10  }
0x35: {  	s10 =	sld [smem:$0x3FA8];
	_ =	sdelay $0x3  }
0x36: {  	p1 =	seq.s32 s10, $0x1;
	s10 =	sld [smem:$0x3FA9];
	_ =	sdelay $0x3  }
0x37: {  	[smem:$0x3FA9] =	sst s10  }
0x38: {  	s10 =	sld [smem:$0x3FAA]  }
0x39: {  	_ = 	snop;
	(pc) =	sbr.ind lr, $3  }
0x3a: {  	_ = 	snop  }
0x3b: {  	_ = 	snop  }
0x3c: {  	p2 =	seq.s32 s10, $0x1;
	s10 =	sld [smem:$0x3FA9]  }
0x3d: {  	_ =	shalt  }
0x3e: {  	_ =	shalt  }
0x3f: {  	_ =	shalt  }
0x40: {  	_ =	shalt  }
0x41: {  	_ =	shalt  }
0x42: {  	_ =	shalt  }
0x43: {  	_ =	shalt  }
0x44: {  	_ =	shalt  }
0x45: {  	_ =	shalt  }
0x46: {  	_ =	shalt  }
0x47: {  	_ =	shalt  }
0x48: {  	_ =	shalt  }
0x49: {  	_ =	shalt  }
0x4a: {  	_ =	shalt  }
0x4b: {  	_ =	shalt  }
0x4c: {  	_ =	shalt  }
0x4d: {  	_ =	shalt  }
0x4e: {  	_ =	shalt  }
0x4f: {  	_ =	shalt  }
0x50: {  	_ =	shalt  }
0x51: {  	_ =	shalt  }
0x52: {  	_ =	shalt  }
0x53: {  	_ =	shalt  }
0x54: {  	_ =	shalt  }
0x55: {  	_ =	shalt  }
0x56: {  	_ =	shalt  }
0x57: {  	_ =	shalt  }
0x58: {  	_ =	shalt  }
0x59: {  	_ =	shalt  }
0x5a: {  	_ =	shalt  }
0x5b: {  	_ =	shalt  }
0x5c: {  	_ =	shalt  }
0x5d: {  	_ =	shalt  }
0x5e: {  	_ =	shalt  }
0x5f: {  	_ =	shalt  }
0x60: {  	_ =	shalt  }
0x61: {  	_ =	shalt  }
0x62: {  	_ =	shalt  }
0x63: {  	_ =	shalt  }
0x64: {  	_ =	shalt  }
0x65: {  	_ =	shalt  }
0x66: {  	_ =	shalt  }
0x67: {  	_ =	shalt  }
0x68: {  	_ =	shalt  }
0x69: {  	_ =	shalt  }
0x6a: {  	_ =	shalt  }
0x6b: {  	_ =	shalt  }
0x6c: {  	_ =	shalt  }
0x6d: {  	_ =	shalt  }
0x6e: {  	_ =	shalt  }
0x6f: {  	_ =	shalt  }
0x70: {  	_ =	shalt  }
0x71: {  	_ =	shalt  }
0x72: {  	_ =	shalt  }
0x73: {  	_ =	shalt  }
0x74: {  	_ =	shalt  }
0x75: {  	_ =	shalt  }
0x76: {  	_ =	shalt  }
0x77: {  	_ =	shalt  }
0x78: {  	_ =	shalt  }
0x79: {  	_ =	shalt  }
0x7a: {  	_ =	shalt  }
0x7b: {  	_ =	shalt  }
0x7c: {  	_ =	shalt  }
0x7d: {  	_ =	shalt  }
0x7e: {  	_ =	shalt  }
0x7f: {  	_ =	shalt  }
0x80: {  	_ =	shalt  }
0x81: {  	_ =	shalt  }
0x82: {  	_ =	shalt  }
0x83: {  	_ =	shalt  }
0x84: {  	_ =	shalt  }
0x85: {  	_ =	shalt  }
0x86: {  	_ =	shalt  }
0x87: {  	_ =	shalt  }
.Lfunc_end0:
.L_simem_size_0:
called_computation.2_lowered:
.L_overlay_start_0:
0x88: {  	s2 =	sld [smem:$0x3FD9]  }
0x89: {  	s3 =	sld [smem:$0x3FFE];
	_ =	sdelay $0x1  }
0x8a: {  	s1 =	srdreg.scid  }
0x8b: {  	s0 =	sand.u32 $0x1, s1  }
0x8c: {  	s17 =	sshll.u32 s0, $0xA;
	s2 =	sadd.s32 s3, s2  }
0x8d: {  	s2 =	sadd.s32 s2, s17  }
0x8e: {  	[smem:$0x3FB5] =	sst s2  }
0x8f: {  	_ = 	snop  }
0x90: {  	(tm) =	ssettm $0x1  }
0x91: {  	s18 =	sld [smem:$0x3FFB];
	_ =	sdelay $0x3  }
0x92: {  	_ =	strace s18  }
0x93: {  	s2 =	sld [smem:$0x3FFC];
	_ =	sdelay $0x3  }
0x94: {  	_ =	strace s2  }
0x95: {  	s2 =	sld [smem:$0x3FFD];
	_ =	sdelay $0x3  }
0x96: {  	_ =	strace s2  }
0x97: {  	_ =	strace $0x8FFFFFFF  }
0x98: {  	s19 =	sld [smem:$0x3FDB];
	_ =	sdelay $0x1  }
0x99: {  	s20 =	simm.s32 $_scs_section_size  }
0x9a: {  	s4 =	simm.s32 $_size__tile_overlayer_lowered;
	s5 =	simm.s32 $_tile_overlayer_lowered  }
0x9b: {  	s6 =	simm.s32 $0x1BFF;
	s21 =	sshll.u32 s5, $0x1;
	s3 =	sadd.s32 s20, s19  }
0x9c: {  	s22 =	simm.s32 $0x0;
	s4 =	sshll.u32 s4, $0x1;
	s5 =	sadd.s32 s21, s3  }
0x9d: {  	[timem:s22], [sflag:s6] =	dma.local [hbm:s5], s4  }
0x9e: {  	_ =	swait.ge [sflag:s6], s4  }
0x9f: {  	s4 =	ssub.s32 $0x0, s4;
	[sflag:s6] =	ssyncset.done $0x0  }
0xa0: {  	[sflag:s6] =	ssyncadd.s32 s4;
	_ =	sdelay $0x1  }
0xa1: {  	s23 =	simm.s32 $0x1B8B  }
0xa2: {  	_ =	swait.ge [sflag:s23], $0x1  }
0xa3: {  	[sflag:s23] =	ssyncset.done $0x0  }
0xa4: {  	[sflag:s23] =	ssyncadd.s32 $0xFFFFFFFF  }
0xa5: {  	s4 =	sld [smem:$0x0]  }
0xa6: {  	s5 =	sand.u32 $0xFFFFFFFE, s1  }
0xa7: {  	p0 =	sne.s32 s1, s5  }
0xa8: {  	s5 =	sshll.u32 @p0 s5, $0xE  }
0xa9: {  	s5 =	sadd.s32 @p0 $0x11B8D, s5;
	s6 =	sshll.u32 @p0 s4, $0x11  }
0xaa: {  	s5 =	sor.u32 @p0 s6, s5  }
0xab: {  	[sflag:s5] =	ssyncadd.remote.s32 @p0 $0x1;
	_ =	sdelay $0x1  }
0xac: {  	s5 =	simm.s32 @p0 $0x1B8D  }
0xad: {  	_ =	swait.eq @p0 [sflag:s5], $0x1  }
0xae: {  	[sflag:s5] =	ssyncadd.s32 @p0 $0xFFFFFFFF  }
0xaf: {  	s6 =	sshll.u32 @!p0 s1, $0xE  }
0xb0: {  	s6 =	sor.u32 @!p0 $0x4000, s6;
	s5 =	simm.s32 @!p0 $0x1B8D  }
0xb1: {  	s4 =	sshll.u32 @!p0 s4, $0x11;
	s6 =	sadd.s32 @!p0 $0x11B8D, s6;
	_ =	swait.eq @!p0 [sflag:s5], $0x1  }
0xb2: {  	s4 =	sor.u32 @!p0 s4, s6;
	[sflag:s5] =	ssyncadd.s32 @!p0 $0xFFFFFFFF  }
0xb3: {  	s25 =	simm.s32 $0x1B8E;
	s24 =	sld [smem:$0x3FFE];
	[sflag:s4] =	ssyncadd.remote.s32 @!p0 $0x1  }
0xb4: {  	s26 =	simm.s32 $execute0_lowered;
	[smem:$0x3FD2] =	sst s25  }
0xb5: {  	s5 =	sshll.u32 s26, $0x1;
	_ =	strace $0x8000004F;
	[dreg:$0x1] =	wrdreg $0xFFFFFFFF  }
0xb6: {  	s28 =	simm.s32 $_size_execute0_lowered;
	s3 =	sadd.s32 s3, s5;
	[dreg:$0x0] =	wrdreg $0x0  }
0xb7: {  	s5 =	sshll.u32 s28, $0x1;
	[dreg:$0x2] =	wrdreg s3  }
0xb8: {  	[dreg:$0x3] =	wrdreg s5  }
0xb9: {  	[dreg:$0x4] =	wrdreg $0xC0  }
0xba: {  	_ =	task [dreg:s22], $0x5FFFF  }
0xbb: {  	[dreg:$0x1] =	wrdreg $0xFFFFFFFF  }
0xbc: {  	[dreg:$0x0] =	wrdreg $0x60  }
0xbd: {  	[dreg:$0x2] =	wrdreg s24  }
0xbe: {  	[dreg:$0x3] =	wrdreg $0x8A000  }
0xbf: {  	[dreg:$0x4] =	wrdreg $0x9  }
0xc0: {  	_ =	task.clear_ibuf [dreg:s22], $0x5FFFF;
	_ =	strace $0x9000004F  }
0xc1: {  	s29 =	simm.s32 $0x9;
	_ =	strace $0x80000051  }
0xc2: {  	_ =	swait.ge [sflag:s29], $0x1  }
0xc3: {  	[sflag:s29] =	ssyncadd.s32 $0xFFFFFFFF  }
0xc4: {  	_ =	strace $0x90000051  }
0xc5: {  	_ =	sfence  }
0xc6: {  	s30 =	sld [smem:$0x0];
	_ =	sdelay $0x2  }
0xc7: {  	s31 =	sshll.u32 s1, $0xD;
	s1 =	sshrl.u32 s1, $0x2  }
0xc8: {  	s4 =	sand.u32 $0x4000, s31;
	s1 =	sadd.s32 s1, s30  }
0xc9: {  	s0 =	sor.u32 s4, s0;
	s1 =	sshll.u32 s1, $0x11  }
0xca: {  	s0 =	sor.u32 s1, s0  }
0xcb: {  	s0 =	sadd.s32 $0x8F2B, s0  }
0xcc: {  	[sflag:s0] =	ssyncadd.remote.s32 $0x1  }
0xcd: {  	_ =	sfence.sel $0xFFFF  }
0xce: {  	[dreg:$0x0] =	wrdreg $0xFFFFFFFF;
	(pc) =	sbr.abs _section_cstart, $3  }
0xcf: {  	[dreg:$0x1] =	wrdreg $0xFFFFFFFF  }
0xd0: {  	_ =	task.clear_ibuf [dreg:s22], $0x2FFFF;
	_ =	strace $0x9FFFFFFF  }
0xd1: {  	(tm) =	ssettm $0x7FFFFFFF  }
tec
execute0_lowered:
.L_overlay_start_1:
0x0: {  	(tag) =	ssettag $0x1  }
0x1: {  	s1 =	srdreg.scid  }
0x2: {  	s0 =	stileid.u32;
	s4 =	rddreg [dreg:$0x0]  }
0x3: {  	s2 =	rddreg [dreg:$0x1];
	s3 =	simm.s32 $0x0;
	s17 =	simm.s32 $0x1  }
0x4: {  	s18 =	simm.s32 $0x80;
	s19 =	simm.s32 $0x3;
	s10 =	smul.u32 $0x14000, s0  }
0x5: {  	s9 =	sand.u32 $0x1, s1;
	s1 =	rddreg [dreg:$0x2];
	s13 =	smul.u32 $0x50000, s0  }
0x6: {  	s20 =	sshll.u32 s0, $0x1;
	[smem:$0x7FF] =	sst s3;
	s24 =	smul.u32 $0x28, s0  }
0x7: {  	s11 =	sadd.s32 $0xE4EE00, s4;
	s25 =	sshll.u32 s0, $0x6;
	s6 =	smul.u32 $0x140000, s9  }
0x8: {  	s8 =	sor.u32 s9, s20;
	_ =	strace $0x80000050;
	s15 =	smul.u32 $0x14, s9  }
0x9: {  	s12 =	ssub.s32 $0x2, s9;
	s29 =	smul.u32 $0xA000, s9;
	s20 =	simm.s32 $0x2  }
0xa: {  	s5 =	smul.u32 $0x140, s8;
	s21 =	sshrl.u32 s10, $0x3;
	s22 =	sshrl.u32 s12, $0x1  }
0xb: {  	s23 =	sshrl.u32 s13, $0x2;
	s26 =	smul.u32 $0xA000, s8;
	s30 =	sadd.s32 s10, s11  }
0xc: {  	s6 =	sadd.s32 s10, s6;
	s12 =	ssub.s32 s12, s22;
	s16 =	sadd.s32 s23, s2  }
0xd: {  	s13 =	sadd.s32 s15, s24;
	s31 =	sadd.s32 s29, s30;
	s15 =	simm.s32 $0xA00  }
0xe: {  	s22 =	simm.s32 $0x980;
	s23 =	simm.s32 $0x0;
	s7 =	sadd.s32 s5, s4  }
0xf: {  	s6 =	sshrl.u32 s6, $0x3;
	s5 =	sadd.s32 s21, s4;
	s8 =	smax.u32 s12, $0x1  }
0x10: {  	s28 =	sshll.u32 s13, $0xB;
	s9 =	sadd.s32 s11, s26;
	s13 =	sshrl.u32 s16, $0x3  }
0x11: {  	s16 =	simm.s32 $0x4A00;
	s14 =	sadd.s32 s6, s4;
	s4 =	sadd.s32 $0xC96E00, s5  }
0x12: {  	s21 =	simm.s32 $0x4;
	s5 =	sor.u32 $0x1C05, s25;
	s6 =	sadd.s32 $0xA14600, s7  }
0x13: {  	s12 =	sadd.s32 s28, s11;
	s10 =	sadd.s32 $0x800, s9;
	s7 =	sadd.s32 $0xD0EE00, s14  }
0x14: {  	s11 =	sadd.s32 $0x1800, s12;
	s12 =	sadd.s32 $0x1000, s31;
	s14 =	simm.s32 $0x5  }
.LBB2_1:
0x15: {  	[spmem:s13], [sflag:s5] =	dma.local [hbm:s4], $0x2800  }
0x16: {  	_ =	swait.ge [sflag:s14], $0x2800  }
0x17: {  	[sflag:s14] =	ssyncset.done $0x0  }
0x18: {  	[sflag:s14] =	ssyncadd.s32 $0xFFFFD800  }
0x19: {  	[tilespmem:s3], [sflag:$0x5] =	stream.linear.gather [hbm4b:s6+s3], $0xA00, $0x38;
	[tilespmem:$0x1CA00] =	vst v63  }
0x1a: {  	_ =	swait.ge [sflag:s14], $0xA00  }
0x1b: {  	[sflag:s14] =	ssyncset.done $0x0  }
0x1c: {  	[sflag:s14] =	ssyncadd.s32 $0xFFFFF600  }
0x1d: {  	[bflag:$0x0] =	sbarrier.arrive $0xFFFF  }
0x1e: {  	[tilespmem:s15], [sflag:$0x1] =	stream.linear.gather [hbm4b:s9+s3], $0x4000, $0x38;
	[tilespmem:$0x1CA00] =	vst v63  }
0x1f: {  	_ = 	snop  }
0x20: {  	[tilespmem:s16], [sflag:$0x2] =	stream.linear.gather [hbm4b:s10+s3], $0x4000, $0x38;
	[tilespmem:$0x1CA00] =	vst v63  }
0x21: {  	_ =	swait.ge [sflag:s17], $0x4000  }
0x22: {  	[sflag:s17] =	ssyncset.done $0x0  }
0x23: {  	[sflag:s17] =	ssyncadd.s32 $0xFFFFC000  }
0x24: {  	[spmem:s2] =	stream.indirect.scatter.add.f32 [tilespmem:s15], [sflag:$0x3], $0x80, s3, s18, $0xb8;
	[tilespmem:$0x1CA00] =	vst v63  }
0x25: {  	_ =	swait.ge [sflag:s19], $0x4000  }
0x26: {  	[sflag:s19] =	ssyncset.done $0x0  }
0x27: {  	s24 =	sadd.s32 $0x0, s12;
	[sflag:s19] =	ssyncadd.s32 $0xFFFFC000  }
0x28: {  	[tilespmem:s15], [sflag:$0x1] =	stream.linear.gather [hbm4b:s24+s3], $0x4000, $0x38;
	[tilespmem:$0x1CA00] =	vst v63  }
0x29: {  	_ =	swait.ge [sflag:s20], $0x4000  }
0x2a: {  	[sflag:s20] =	ssyncset.done $0x0  }
0x2b: {  	s30 =	simm.s32 $0x80;
	[sflag:s20] =	ssyncadd.s32 $0xFFFFC000  }
0x2c: {  	[spmem:s2] =	stream.indirect.scatter.add.f32 [tilespmem:s16], [sflag:$0x4], $0x80, s30, s18, $0xb8;
	[tilespmem:$0x1CA00] =	vst v63  }
0x2d: {  	_ =	swait.ge [sflag:s21], $0x4000  }
0x2e: {  	[sflag:s21] =	ssyncset.done $0x0  }
0x2f: {  	s31 =	sadd.s32 $0x0, s11;
	[sflag:s21] =	ssyncadd.s32 $0xFFFFC000  }
0x30: {  	[tilespmem:s16], [sflag:$0x2] =	stream.linear.gather [hbm4b:s31+s3], $0x4000, $0x38;
	[tilespmem:$0x1CA00] =	vst v63  }
0x31: {  	_ =	swait.ge [sflag:s17], $0x4000  }
0x32: {  	s25 =	simm.s32 $0x1000;
	[sflag:s17] =	ssyncset.done $0x0  }
0x33: {  	s26 =	simm.s32 $0x200;
	s24 =	simm.s32 $0x100;
	[sflag:s17] =	ssyncadd.s32 $0xFFFFC000  }
.LBB2_2:
0x34: {  	[spmem:s2] =	stream.indirect.scatter.add.f32 [tilespmem:s15], [sflag:$0x3], $0x80, s24, s18, $0xb8;
	[tilespmem:$0x1CA00] =	vst v63  }
0x35: {  	s28 =	smov.u32 s25;
	s24 =	smov.u32 s26  }
0x36: {  	p0 =	sne.s32 s25, $0x8000;
	s25 =	sadd.s32 $0x1000, s25;
	_ =	swait.ge [sflag:s19], $0x4000  }
0x37: {  	[sflag:s19] =	ssyncset.done $0x0  }
0x38: {  	s29 =	sadd.s32 s28, s12;
	[sflag:s19] =	ssyncadd.s32 $0xFFFFC000  }
0x39: {  	[tilespmem:s15], [sflag:$0x1] =	stream.linear.gather [hbm4b:s29+s3], $0x4000, $0x38;
	[tilespmem:$0x1CA00] =	vst v63  }
0x3a: {  	_ =	swait.ge [sflag:s20], $0x4000  }
0x3b: {  	[sflag:s20] =	ssyncset.done $0x0  }
0x3c: {  	s29 =	sadd.s32 $0xFFFFFF80, s26;
	[sflag:s20] =	ssyncadd.s32 $0xFFFFC000  }
0x3d: {  	[spmem:s2] =	stream.indirect.scatter.add.f32 [tilespmem:s16], [sflag:$0x4], $0x80, s29, s18, $0xb8;
	[tilespmem:$0x1CA00] =	vst v63  }
0x3e: {  	_ =	swait.ge [sflag:s21], $0x4000  }
0x3f: {  	[sflag:s21] =	ssyncset.done $0x0  }
.Ltmp0:
0x40: {  	s28 =	sadd.s32 s28, s11;
	[sflag:s21] =	ssyncadd.s32 $0xFFFFC000;
	(pc) =	sbr.rel @p0 .LBB2_2-.Ltmp0, $4  }
0x41: {  	[tilespmem:s16], [sflag:$0x2] =	stream.linear.gather [hbm4b:s28+s3], $0x4000, $0x38;
	[tilespmem:$0x1CA00] =	vst v63  }
0x42: {  	_ =	swait.ge [sflag:s17], $0x4000  }
0x43: {  	[sflag:s17] =	ssyncset.done $0x0  }
0x44: {  	s26 =	sadd.s32 $0x100, s26;
	[sflag:s17] =	ssyncadd.s32 $0xFFFFC000  }
0x45: {  	[spmem:s2] =	stream.indirect.scatter.add.f32 [tilespmem:s15], [sflag:$0x3], $0x80, s24, s18, $0xb8;
	[tilespmem:$0x1CA00] =	vst v63  }
0x46: {  	_ =	swait.ge [sflag:s20], $0x4000  }
0x47: {  	[sflag:s20] =	ssyncset.done $0x0  }
0x48: {  	[sflag:s20] =	ssyncadd.s32 $0xFFFFC000  }
0x49: {  	[spmem:s2] =	stream.indirect.scatter.add.f32 [tilespmem:s16], [sflag:$0x4], $0x80, s22, s18, $0xb8;
	[tilespmem:$0x1CA00] =	vst v63  }
0x4a: {  	_ =	swait.ge [sflag:s19], $0x4000  }
0x4b: {  	[sflag:s19] =	ssyncset.done $0x0  }
0x4c: {  	[sflag:s19] =	ssyncadd.s32 $0xFFFFC000  }
0x4d: {  	_ =	swait.ge [sflag:s21], $0x4000  }
0x4e: {  	s23 =	sadd.s32 $0x1, s23;
	[sflag:s21] =	ssyncset.done $0x0  }
0x4f: {  	p0 =	sne.s32 s23, s8;
	[sflag:s21] =	ssyncadd.s32 $0xFFFFC000  }
.Ltmp1:
0x50: {  	[bflag:$0x0] =	sbarrier.arrive $0xFFFF;
	(pc) =	sbr.rel @p0 .LBB2_1-.Ltmp1, $4  }
0x51: {  	[hbm:s7], [sflag:s5] =	dma.local [spmem:s13], $0x2800  }
0x52: {  	_ =	swait.ge [sflag:s14], $0x2800  }
0x53: {  	[sflag:s14] =	ssyncset.done $0x0  }
0x54: {  	[sflag:s14] =	ssyncadd.s32 $0xFFFFD800  }
0x55: {  	_ =	sfence.sel $0x180000  }
0x56: {  	[bflag:$0x0] =	sbarrier.arrive $0xFFFF  }
0x57: {  	p0 =	sne.s32 s0, $0x0;
	_ =	strace $0x90000050  }
0x58: {  	s0 =	sadd.s32 @!p0 $0x100000, s1;
	[bflag:$0x2] =	sbarrier.arrive $0xFFFF  }
0x59: {  	[sflag:s0] =	ssyncadd.tile.s32 @!p0 $0x1;
	_ =	shalt  }
.Lfunc_end2:
_tile_overlayer_lowered:
.L_overlay_start_2:
0x5a: {  	(tag) =	ssettag $0x2  }
0x5b: {  	s0 =	rddreg [dreg:$0x0];
	s2 =	stileid.u32  }
0x5c: {  	s1 =	rddreg [dreg:$0x1];
	p0 =	sne.s32 s2, $0x0  }
0x5d: {  	s3 =	rddreg [dreg:$0x2];
	[bflag:$0x3] =	sbarrier.arrive $0xFFFF;
	s2 =	simm.s32 @!p0 $0x1C05  }
0x5e: {  	[timem:s3], [sflag:s2] =	dma.local @!p0 [hbm:s0], s1  }
0x5f: {  	s0 =	simm.s32 @!p0 $0x5  }
0x60: {  	_ =	swait.ge @!p0 [sflag:s0], s1  }
0x61: {  	s1 =	ssub.s32 @!p0 $0x0, s1;
	[sflag:s0] =	ssyncset.done @!p0 $0x0  }
0x62: {  	[sflag:s0] =	ssyncadd.s32 @!p0 s1  }
0x63: {  	[bflag:$0x3] =	sbarrier.arrive $0xFFFF  }
0x64: {  	_ =	shalt  }

// kernel: kernel.19.cloned.1.call-start
scs
__scs_entry_jumppad:
0x0: {  	(pc) =	sbr.rel $0x88, $3  }
0x1: {  	(tag) =	ssettag $0x0;
	lr =	simm.s32 $0x1  }
0x2: {  	[smem:$0x3F8E] =	sst lr;
	_ =	strace $0xD0000000  }
0x3: {  	_ = 	snop  }
0x4: {  	_ = 	snop  }
0x5: {  	_ = 	snop  }
0x6: {  	_ = 	snop  }
0x7: {  	_ = 	snop  }
__scs_overlays_trampoline_lowered:
0x8: {  	[smem:$0x3F9D] =	sst s0  }
0x9: {  	[smem:$0x3F9E] =	sst s1  }
0xa: {  	[smem:$0x3F9F] =	sst s2  }
0xb: {  	[smem:$0x3FA0] =	sst s3  }
0xc: {  	[smem:$0x3FA1] =	sst s4  }
0xd: {  	[smem:$0x3FA2] =	sst s5  }
0xe: {  	[smem:$0x3FA3] =	sst s6  }
0xf: {  	[smem:$0x3FA4] =	sst s7  }
0x10: {  	[smem:$0x3FA5] =	sst s8  }
0x11: {  	[smem:$0x3FA6] =	sst s9;
	s0 =	simm.s32 @!p0 $0x0  }
0x12: {  	s1 =	sld [smem:$0x3F8C];
	s0 =	simm.s32 @p0 $0x1  }
0x13: {  	[smem:$0x3FA7] =	sst s0;
	s0 =	simm.s32 @!p1 $0x0  }
0x14: {  	s2 =	sld [smem:$0x3F8B];
	s0 =	simm.s32 @p1 $0x1  }
0x15: {  	[smem:$0x3FA8] =	sst s0;
	s0 =	simm.s32 @!p2 $0x0  }
0x16: {  	s3 =	sld [smem:$0x3FDB];
	s0 =	simm.s32 @p2 $0x1  }
0x17: {  	s4 =	simm.s32 $0x1BF5;
	[smem:$0x3FAA] =	sst s0  }
0x18: {  	s0 =	sld [smem:$0x3F8D];
	_ =	swait.ge [sflag:s4], $0x0  }
0x19: {  	s7 =	sld [smem:$0x3F8E]  }
0x1a: {  	s8 =	sadd.s32 $0xFFFFE003, lr  }
0x1b: {  	s9 =	sadd.s32 $0xFFFFFEF7, lr;
	s5 =	simm.s32 $0xFFFFFFFF;
	p2 =	slt.u32 s8, $0xFFFFF086  }
0x1c: {  	p1 =	slt.u32 s9, $0xF7A;
	s5 =	simm.s32 @!p2 $0x0  }
0x1d: {  	s5 =	simm.s32 @p1 $0x1;
	p0 =	seq.s32 s7, s2  }
0x1e: {  	s7 =	smul.u32 @!p0 $0xF7A, s2;
	p2 =	seq.s32 @!p0 s5, $0x0  }
0x1f: {  	s9 =	smul.u32 $0xF7A, s1;
	s8 =	simm.s32 @!p0 $0x1BF5;
	p2 =	por !p2, p0  }
0x20: {  	[sflag:s8] =	ssyncset.s32 @!p0 $0xFFFFF086;
	s6 =	sadd.s32 @!p0 s3, s7;
	s7 =	simm.s32 @!p0 $0x108  }
0x21: {  	s3 =	sadd.s32 s3, s9;
	s6 =	sadd.s32 @!p0 $0x88, s6;
	s7 =	simm.s32 @p2 $0x1082  }
0x22: {  	[simem:s7], [sflag:s8] =	dma.local @!p0 [hbm:s6], $0xF7A  }
0x23: {  	s9 =	sor.u32 $0xD0000000, s2;
	s6 =	simm.s32 $0x108;
	_ =	swait.ge @!p0 [sflag:s8], $0x0  }
0x24: {  	s3 =	sadd.s32 $0x88, s3;
	s6 =	simm.s32 @!p1 $0x1082;
	[sflag:s4] =	ssyncset.s32 $0xFFFFF086  }
0x25: {  	[simem:s6], [sflag:s4] =	dma.local [hbm:s3], $0xF7A  }
0x26: {  	[smem:$0x3F8E] =	sst s1;
	(tag) =	ssettag s2;
	_ =	strace s9  }
0x27: {  	s1 =	sld [smem:$0x3F9E]  }
0x28: {  	s2 =	sld [smem:$0x3F9F]  }
0x29: {  	s4 =	sld [smem:$0x3FA1]  }
0x2a: {  	p0 =	seq.s32 s5, $0x0;
	s5 =	sld [smem:$0x3FA2]  }
0x2b: {  	s6 =	sld [smem:$0x3FA3]  }
0x2c: {  	s7 =	sld [smem:$0x3FA4]  }
0x2d: {  	s3 =	simm.s32 $0x108;
	s8 =	sld [smem:$0x3FA5]  }
0x2e: {  	s3 =	simm.s32 @!p0 $0x1082;
	s9 =	sld [smem:$0x3FA6]  }
0x2f: {  	lr =	sadd.s32 s0, s3;
	s0 =	sld [smem:$0x3F9D]  }
0x30: {  	s3 =	sld [smem:$0x3FA0]  }
0x31: {  	[smem:$0x3FA9] =	sst s10  }
0x32: {  	s10 =	sld [smem:$0x3FA7];
	_ =	sdelay $0x3  }
0x33: {  	p0 =	seq.s32 s10, $0x1;
	s10 =	sld [smem:$0x3FA9];
	_ =	sdelay $0x3  }
0x34: {  	[smem:$0x3FA9] =	sst s10  }
0x35: {  	s10 =	sld [smem:$0x3FA8];
	_ =	sdelay $0x3  }
0x36: {  	p1 =	seq.s32 s10, $0x1;
	s10 =	sld [smem:$0x3FA9];
	_ =	sdelay $0x3  }
0x37: {  	[smem:$0x3FA9] =	sst s10  }
0x38: {  	s10 =	sld [smem:$0x3FAA]  }
0x39: {  	_ = 	snop;
	(pc) =	sbr.ind lr, $3  }
0x3a: {  	_ = 	snop  }
0x3b: {  	_ = 	snop  }
0x3c: {  	p2 =	seq.s32 s10, $0x1;
	s10 =	sld [smem:$0x3FA9]  }
0x3d: {  	_ =	shalt  }
0x3e: {  	_ =	shalt  }
0x3f: {  	_ =	shalt  }
0x40: {  	_ =	shalt  }
0x41: {  	_ =	shalt  }
0x42: {  	_ =	shalt  }
0x43: {  	_ =	shalt  }
0x44: {  	_ =	shalt  }
0x45: {  	_ =	shalt  }
0x46: {  	_ =	shalt  }
0x47: {  	_ =	shalt  }
0x48: {  	_ =	shalt  }
0x49: {  	_ =	shalt  }
0x4a: {  	_ =	shalt  }
0x4b: {  	_ =	shalt  }
0x4c: {  	_ =	shalt  }
0x4d: {  	_ =	shalt  }
0x4e: {  	_ =	shalt  }
0x4f: {  	_ =	shalt  }
0x50: {  	_ =	shalt  }
0x51: {  	_ =	shalt  }
0x52: {  	_ =	shalt  }
0x53: {  	_ =	shalt  }
0x54: {  	_ =	shalt  }
0x55: {  	_ =	shalt  }
0x56: {  	_ =	shalt  }
0x57: {  	_ =	shalt  }
0x58: {  	_ =	shalt  }
0x59: {  	_ =	shalt  }
0x5a: {  	_ =	shalt  }
0x5b: {  	_ =	shalt  }
0x5c: {  	_ =	shalt  }
0x5d: {  	_ =	shalt  }
0x5e: {  	_ =	shalt  }
0x5f: {  	_ =	shalt  }
0x60: {  	_ =	shalt  }
0x61: {  	_ =	shalt  }
0x62: {  	_ =	shalt  }
0x63: {  	_ =	shalt  }
0x64: {  	_ =	shalt  }
0x65: {  	_ =	shalt  }
0x66: {  	_ =	shalt  }
0x67: {  	_ =	shalt  }
0x68: {  	_ =	shalt  }
0x69: {  	_ =	shalt  }
0x6a: {  	_ =	shalt  }
0x6b: {  	_ =	shalt  }
0x6c: {  	_ =	shalt  }
0x6d: {  	_ =	shalt  }
0x6e: {  	_ =	shalt  }
0x6f: {  	_ =	shalt  }
0x70: {  	_ =	shalt  }
0x71: {  	_ =	shalt  }
0x72: {  	_ =	shalt  }
0x73: {  	_ =	shalt  }
0x74: {  	_ =	shalt  }
0x75: {  	_ =	shalt  }
0x76: {  	_ =	shalt  }
0x77: {  	_ =	shalt  }
0x78: {  	_ =	shalt  }
0x79: {  	_ =	shalt  }
0x7a: {  	_ =	shalt  }
0x7b: {  	_ =	shalt  }
0x7c: {  	_ =	shalt  }
0x7d: {  	_ =	shalt  }
0x7e: {  	_ =	shalt  }
0x7f: {  	_ =	shalt  }
0x80: {  	_ =	shalt  }
0x81: {  	_ =	shalt  }
0x82: {  	_ =	shalt  }
0x83: {  	_ =	shalt  }
0x84: {  	_ =	shalt  }
0x85: {  	_ =	shalt  }
0x86: {  	_ =	shalt  }
0x87: {  	_ =	shalt  }
.Lfunc_end0:
.L_simem_size_0:
called_computation.3_lowered:
.L_overlay_start_0:
0x88: {  	s2 =	sld [smem:$0x3FD9]  }
0x89: {  	s3 =	sld [smem:$0x3FFE];
	_ =	sdelay $0x1  }
0x8a: {  	s1 =	srdreg.scid  }
0x8b: {  	s0 =	sand.u32 $0x1, s1  }
0x8c: {  	s15 =	sshll.u32 s0, $0xA;
	s2 =	sadd.s32 s3, s2  }
0x8d: {  	s2 =	sadd.s32 s2, s15  }
0x8e: {  	[smem:$0x3FB5] =	sst s2  }
0x8f: {  	_ = 	snop  }
0x90: {  	s2 =	sld [smem:$0x3FD0];
	_ =	sdelay $0x2  }
0x91: {  	s16 =	simm.s32 $0xB;
	s4 =	simm.s32 $0x10  }
0x92: {  	[smem:s4], [sflag:s16] =	dma.local [hbm:s2], $0x1  }
0x93: {  	_ =	swait.eq [sflag:s16], $0x1  }
0x94: {  	[sflag:s16] =	ssyncset.done $0x0  }
0x95: {  	[sflag:s16] =	ssyncadd.s32 $0xFFFFFFFF  }
0x96: {  	s17 =	sld [smem:$0x10];
	(tm) =	ssettm $0x1  }
0x97: {  	s18 =	sld [smem:$0x3FFB];
	_ =	sdelay $0x3  }
0x98: {  	_ =	strace s18  }
0x99: {  	s2 =	sld [smem:$0x3FFC];
	_ =	sdelay $0x3  }
0x9a: {  	_ =	strace s2  }
0x9b: {  	s2 =	sld [smem:$0x3FFD];
	_ =	sdelay $0x3  }
0x9c: {  	_ =	strace s2  }
0x9d: {  	_ =	strace $0x8FFFFFFF  }
0x9e: {  	s19 =	sld [smem:$0x3FDB];
	_ =	sdelay $0x1  }
0x9f: {  	s20 =	simm.s32 $_scs_section_size  }
0xa0: {  	s5 =	simm.s32 $_size__tile_overlayer_lowered;
	s6 =	simm.s32 $_tile_overlayer_lowered  }
0xa1: {  	s7 =	simm.s32 $0x1BFF;
	s21 =	sshll.u32 s6, $0x1;
	s4 =	sadd.s32 s20, s19  }
0xa2: {  	s22 =	simm.s32 $0x0;
	s5 =	sshll.u32 s5, $0x1;
	s6 =	sadd.s32 s21, s4  }
0xa3: {  	[timem:s22], [sflag:s7] =	dma.local [hbm:s6], s5  }
0xa4: {  	_ =	swait.ge [sflag:s7], s5  }
0xa5: {  	s5 =	ssub.s32 $0x0, s5;
	[sflag:s7] =	ssyncset.done $0x0  }
0xa6: {  	[sflag:s7] =	ssyncadd.s32 s5;
	_ =	sdelay $0x1  }
0xa7: {  	s23 =	simm.s32 $0x1B8B  }
0xa8: {  	_ =	swait.ge [sflag:s23], $0x1  }
0xa9: {  	[sflag:s23] =	ssyncset.done $0x0  }
0xaa: {  	[sflag:s23] =	ssyncadd.s32 $0xFFFFFFFF  }
0xab: {  	s5 =	sld [smem:$0x0]  }
0xac: {  	s6 =	sand.u32 $0xFFFFFFFE, s1  }
0xad: {  	p0 =	sne.s32 s1, s6  }
0xae: {  	s6 =	sshll.u32 @p0 s6, $0xE  }
0xaf: {  	s6 =	sadd.s32 @p0 $0x11B8D, s6;
	s7 =	sshll.u32 @p0 s5, $0x11  }
0xb0: {  	s6 =	sor.u32 @p0 s7, s6  }
0xb1: {  	[sflag:s6] =	ssyncadd.remote.s32 @p0 $0x1;
	_ =	sdelay $0x1  }
0xb2: {  	s6 =	simm.s32 @p0 $0x1B8D  }
0xb3: {  	_ =	swait.eq @p0 [sflag:s6], $0x1  }
0xb4: {  	[sflag:s6] =	ssyncadd.s32 @p0 $0xFFFFFFFF  }
0xb5: {  	s7 =	sshll.u32 @!p0 s1, $0xE  }
0xb6: {  	s7 =	sor.u32 @!p0 $0x4000, s7;
	s6 =	simm.s32 @!p0 $0x1B8D  }
0xb7: {  	s5 =	sshll.u32 @!p0 s5, $0x11;
	s7 =	sadd.s32 @!p0 $0x11B8D, s7;
	_ =	swait.eq @!p0 [sflag:s6], $0x1  }
0xb8: {  	s5 =	sor.u32 @!p0 s5, s7;
	[sflag:s6] =	ssyncadd.s32 @!p0 $0xFFFFFFFF  }
0xb9: {  	s25 =	simm.s32 $0x1B8E;
	s24 =	sld [smem:$0x3FFE];
	[sflag:s5] =	ssyncadd.remote.s32 @!p0 $0x1  }
0xba: {  	s26 =	simm.s32 $execute0_lowered;
	[smem:$0x3FD2] =	sst s25  }
0xbb: {  	s6 =	sshll.u32 s26, $0x1;
	_ =	strace $0x8000004C;
	[dreg:$0x1] =	wrdreg $0xFFFFFFFF  }
0xbc: {  	s28 =	simm.s32 $_size_execute0_lowered;
	s4 =	sadd.s32 s4, s6;
	[dreg:$0x0] =	wrdreg $0x0  }
0xbd: {  	s6 =	sshll.u32 s28, $0x1;
	[dreg:$0x2] =	wrdreg s4  }
0xbe: {  	[dreg:$0x3] =	wrdreg s6  }
0xbf: {  	[dreg:$0x4] =	wrdreg $0xC0  }
0xc0: {  	_ =	task [dreg:s22], $0x5FFFF  }
0xc1: {  	[dreg:$0x1] =	wrdreg $0xFFFFFFFF  }
0xc2: {  	[dreg:$0x0] =	wrdreg $0x60  }
0xc3: {  	[dreg:$0x2] =	wrdreg s24  }
0xc4: {  	[dreg:$0x3] =	wrdreg s17  }
0xc5: {  	[dreg:$0x4] =	wrdreg $0xA8000  }
0xc6: {  	[dreg:$0x5] =	wrdreg $0xA  }
0xc7: {  	_ =	task.clear_ibuf [dreg:s22], $0x6FFFF;
	_ =	strace $0x9000004C  }
0xc8: {  	s29 =	simm.s32 $0xA;
	_ =	strace $0x8000004E  }
0xc9: {  	_ =	swait.ge [sflag:s29], $0x1  }
0xca: {  	[sflag:s29] =	ssyncadd.s32 $0xFFFFFFFF  }
0xcb: {  	_ =	strace $0x9000004E  }
0xcc: {  	_ =	sfence  }
0xcd: {  	s30 =	sld [smem:$0x0];
	_ =	sdelay $0x2  }
0xce: {  	s31 =	sshll.u32 s1, $0xD;
	s1 =	sshrl.u32 s1, $0x2  }
0xcf: {  	s4 =	sand.u32 $0x4000, s31;
	s1 =	sadd.s32 s1, s30  }
0xd0: {  	s0 =	sor.u32 s4, s0;
	s1 =	sshll.u32 s1, $0x11  }
0xd1: {  	s0 =	sor.u32 s1, s0  }
0xd2: {  	s0 =	sadd.s32 $0x8F2B, s0  }
0xd3: {  	[sflag:s0] =	ssyncadd.remote.s32 $0x1  }
0xd4: {  	_ =	sfence.sel $0xFFFF  }
0xd5: {  	[dreg:$0x0] =	wrdreg $0xFFFFFFFF;
	(pc) =	sbr.abs _section_cstart, $3  }
0xd6: {  	[dreg:$0x1] =	wrdreg $0xFFFFFFFF  }
0xd7: {  	_ =	task.clear_ibuf [dreg:s22], $0x2FFFF;
	_ =	strace $0x9FFFFFFF  }
0xd8: {  	(tm) =	ssettm $0x7FFFFFFF  }
0xd9: {  	_ =	shalt  }
tec
execute0_lowered:
.L_overlay_start_1:
0x0: {  	(tag) =	ssettag $0x1  }
0x1: {  	s4 =	rddreg [dreg:$0x0]  }
0x2: {  	s6 =	rddreg [dreg:$0x1]  }
0x3: {  	s2 =	rddreg [dreg:$0x2]  }
0x4: {  	s0 =	rddreg [dreg:$0x3]  }
0x5: {  	s1 =	stileid.u32;
	s5 =	srdreg.scid  }
0x6: {  	s3 =	simm.s32 $0x0;
	s18 =	simm.s32 $0x80;
	s7 =	smul.u32 $0x14000, s1  }
0x7: {  	s19 =	simm.s32 $0x3;
	s20 =	simm.s32 $0x2;
	s12 =	smul.u32 $0x50000, s1  }
0x8: {  	s21 =	simm.s32 $0x4;
	s9 =	sand.u32 $0x1, s5;
	s15 =	smul.u32 $0xA0, s1  }
0x9: {  	[smem:$0x7FF] =	sst s3;
	s10 =	sadd.s32 $0x1196E00, s4;
	s5 =	smul.u32 $0x140000, s9  }
0xa: {  	s23 =	sshll.u32 s1, $0x1;
	s26 =	sshll.u32 s1, $0x6;
	s17 =	smul.u32 $0x50, s9  }
0xb: {  	_ =	strace $0x8000004D;
	s11 =	ssub.s32 $0x2, s9;
	s31 =	smul.u32 $0x28000, s9  }
0xc: {  	s8 =	sshrl.u32 s7, $0x3;
	s24 =	sshrl.u32 s11, $0x1;
	s25 =	sshrl.u32 s12, $0x2  }
0xd: {  	s12 =	sadd.s32 s12, s10;
	s5 =	sadd.s32 s7, s5;
	s22 =	sadd.s32 s8, s4  }
0xe: {  	s8 =	sor.u32 s9, s23;
	s11 =	ssub.s32 s11, s24;
	s16 =	sadd.s32 s25, s2  }
0xf: {  	s29 =	sadd.s32 s17, s15;
	s12 =	sadd.s32 s31, s12;
	s15 =	simm.s32 $0x2800  }
0x10: {  	s17 =	simm.s32 $0x1;
	s23 =	simm.s32 $0x0;
	s14 =	smul.u32 $0x500, s8  }
0x11: {  	s5 =	sshrl.u32 s5, $0x3;
	s28 =	smul.u32 $0x28000, s8;
	s8 =	smax.u32 s11, $0x1  }
0x12: {  	s30 =	sshll.u32 s29, $0xB;
	s12 =	sadd.s32 $0x1000, s12;
	s13 =	sadd.s32 s5, s4  }
0x13: {  	s4 =	sadd.s32 $0xC96E00, s22;
	s5 =	sor.u32 $0x1C05, s26;
	s11 =	sadd.s32 s30, s10  }
0x14: {  	s22 =	simm.s32 $0x2780;
	s6 =	sadd.s32 s6, s14;
	s7 =	sadd.s32 $0xCBEE00, s13  }
0x15: {  	s9 =	sadd.s32 s10, s28;
	s11 =	sadd.s32 $0x1800, s11;
	s13 =	sshrl.u32 s16, $0x3  }
0x16: {  	s14 =	simm.s32 $0x5;
	s16 =	simm.s32 $0x6800;
	s10 =	sadd.s32 $0x800, s9  }
.LBB2_1:
0x17: {  	[spmem:s13], [sflag:s5] =	dma.local [hbm:s4], $0x2800  }
0x18: {  	_ =	swait.ge [sflag:s14], $0x2800  }
0x19: {  	[sflag:s14] =	ssyncset.done $0x0  }
0x1a: {  	[sflag:s14] =	ssyncadd.s32 $0xFFFFD800  }
0x1b: {  	[tilespmem:s3], [sflag:$0x5] =	stream.linear.gather [hbm4b:s6+s3], $0x2800, $0x38;
	[tilespmem:$0x1E800] =	vst v63  }
0x1c: {  	_ =	swait.ge [sflag:s14], $0x2800  }
0x1d: {  	[sflag:s14] =	ssyncset.done $0x0  }
0x1e: {  	[sflag:s14] =	ssyncadd.s32 $0xFFFFD800  }
0x1f: {  	[bflag:$0x0] =	sbarrier.arrive $0xFFFF  }
0x20: {  	[tilespmem:s15], [sflag:$0x1] =	stream.linear.gather [hbm4b:s9+s3], $0x4000, $0x38;
	[tilespmem:$0x1E800] =	vst v63  }
0x21: {  	_ = 	snop  }
0x22: {  	[tilespmem:s16], [sflag:$0x2] =	stream.linear.gather [hbm4b:s10+s3], $0x4000, $0x38;
	[tilespmem:$0x1E800] =	vst v63  }
0x23: {  	_ =	swait.ge [sflag:s17], $0x4000  }
0x24: {  	[sflag:s17] =	ssyncset.done $0x0  }
0x25: {  	[sflag:s17] =	ssyncadd.s32 $0xFFFFC000  }
0x26: {  	[spmem:s2] =	stream.indirect.scatter.add.f32 [tilespmem:s15], [sflag:$0x3], $0x80, s3, s18, $0xb8;
	[tilespmem:$0x1E800] =	vst v63  }
0x27: {  	_ =	swait.ge [sflag:s19], $0x4000  }
0x28: {  	[sflag:s19] =	ssyncset.done $0x0  }
0x29: {  	s24 =	sadd.s32 $0x0, s12;
	[sflag:s19] =	ssyncadd.s32 $0xFFFFC000  }
0x2a: {  	[tilespmem:s15], [sflag:$0x1] =	stream.linear.gather [hbm4b:s24+s3], $0x4000, $0x38;
	[tilespmem:$0x1E800] =	vst v63  }
0x2b: {  	_ =	swait.ge [sflag:s20], $0x4000  }
0x2c: {  	[sflag:s20] =	ssyncset.done $0x0  }
0x2d: {  	s30 =	simm.s32 $0x80;
	[sflag:s20] =	ssyncadd.s32 $0xFFFFC000  }
0x2e: {  	[spmem:s2] =	stream.indirect.scatter.add.f32 [tilespmem:s16], [sflag:$0x4], $0x80, s30, s18, $0xb8;
	[tilespmem:$0x1E800] =	vst v63  }
0x2f: {  	_ =	swait.ge [sflag:s21], $0x4000  }
0x30: {  	[sflag:s21] =	ssyncset.done $0x0  }
0x31: {  	s31 =	sadd.s32 $0x0, s11;
	[sflag:s21] =	ssyncadd.s32 $0xFFFFC000  }
0x32: {  	[tilespmem:s16], [sflag:$0x2] =	stream.linear.gather [hbm4b:s31+s3], $0x4000, $0x38;
	[tilespmem:$0x1E800] =	vst v63  }
0x33: {  	_ =	swait.ge [sflag:s17], $0x4000  }
0x34: {  	s25 =	simm.s32 $0x1000;
	[sflag:s17] =	ssyncset.done $0x0  }
0x35: {  	s26 =	simm.s32 $0x200;
	s24 =	simm.s32 $0x100;
	[sflag:s17] =	ssyncadd.s32 $0xFFFFC000  }
.LBB2_2:
0x36: {  	[spmem:s2] =	stream.indirect.scatter.add.f32 [tilespmem:s15], [sflag:$0x3], $0x80, s24, s18, $0xb8;
	[tilespmem:$0x1E800] =	vst v63  }
0x37: {  	s28 =	smov.u32 s25;
	s24 =	smov.u32 s26  }
0x38: {  	p0 =	sne.s32 s25, $0x26000;
	s25 =	sadd.s32 $0x1000, s25;
	_ =	swait.ge [sflag:s19], $0x4000  }
0x39: {  	[sflag:s19] =	ssyncset.done $0x0  }
0x3a: {  	s29 =	sadd.s32 s28, s12;
	[sflag:s19] =	ssyncadd.s32 $0xFFFFC000  }
0x3b: {  	[tilespmem:s15], [sflag:$0x1] =	stream.linear.gather [hbm4b:s29+s3], $0x4000, $0x38;
	[tilespmem:$0x1E800] =	vst v63  }
0x3c: {  	_ =	swait.ge [sflag:s20], $0x4000  }
0x3d: {  	[sflag:s20] =	ssyncset.done $0x0  }
0x3e: {  	s29 =	sadd.s32 $0xFFFFFF80, s26;
	[sflag:s20] =	ssyncadd.s32 $0xFFFFC000  }
0x3f: {  	[spmem:s2] =	stream.indirect.scatter.add.f32 [tilespmem:s16], [sflag:$0x4], $0x80, s29, s18, $0xb8;
	[tilespmem:$0x1E800] =	vst v63  }
0x40: {  	_ =	swait.ge [sflag:s21], $0x4000  }
0x41: {  	[sflag:s21] =	ssyncset.done $0x0  }
.Ltmp0:
0x42: {  	s28 =	sadd.s32 s28, s11;
	[sflag:s21] =	ssyncadd.s32 $0xFFFFC000;
	(pc) =	sbr.rel @p0 .LBB2_2-.Ltmp0, $4  }
0x43: {  	[tilespmem:s16], [sflag:$0x2] =	stream.linear.gather [hbm4b:s28+s3], $0x4000, $0x38;
	[tilespmem:$0x1E800] =	vst v63  }
0x44: {  	_ =	swait.ge [sflag:s17], $0x4000  }
0x45: {  	[sflag:s17] =	ssyncset.done $0x0  }
0x46: {  	s26 =	sadd.s32 $0x100, s26;
	[sflag:s17] =	ssyncadd.s32 $0xFFFFC000  }
0x47: {  	[spmem:s2] =	stream.indirect.scatter.add.f32 [tilespmem:s15], [sflag:$0x3], $0x80, s24, s18, $0xb8;
	[tilespmem:$0x1E800] =	vst v63  }
0x48: {  	_ =	swait.ge [sflag:s20], $0x4000  }
0x49: {  	[sflag:s20] =	ssyncset.done $0x0  }
0x4a: {  	[sflag:s20] =	ssyncadd.s32 $0xFFFFC000  }
0x4b: {  	[spmem:s2] =	stream.indirect.scatter.add.f32 [tilespmem:s16], [sflag:$0x4], $0x80, s22, s18, $0xb8;
	[tilespmem:$0x1E800] =	vst v63  }
0x4c: {  	_ =	swait.ge [sflag:s19], $0x4000  }
0x4d: {  	[sflag:s19] =	ssyncset.done $0x0  }
0x4e: {  	[sflag:s19] =	ssyncadd.s32 $0xFFFFC000  }
0x4f: {  	_ =	swait.ge [sflag:s21], $0x4000  }
0x50: {  	s23 =	sadd.s32 $0x1, s23;
	[sflag:s21] =	ssyncset.done $0x0  }
0x51: {  	p0 =	sne.s32 s23, s8;
	[sflag:s21] =	ssyncadd.s32 $0xFFFFC000  }
.Ltmp1:
0x52: {  	[bflag:$0x0] =	sbarrier.arrive $0xFFFF;
	(pc) =	sbr.rel @p0 .LBB2_1-.Ltmp1, $4  }
0x53: {  	[hbm:s7], [sflag:s5] =	dma.local [spmem:s13], $0x2800  }
0x54: {  	_ =	swait.ge [sflag:s14], $0x2800  }
0x55: {  	[sflag:s14] =	ssyncset.done $0x0  }
0x56: {  	[sflag:s14] =	ssyncadd.s32 $0xFFFFD800  }
0x57: {  	_ =	sfence.sel $0x180000  }
0x58: {  	[bflag:$0x0] =	sbarrier.arrive $0xFFFF  }
0x59: {  	p0 =	sne.s32 s1, $0x0;
	_ =	strace $0x9000004D  }
0x5a: {  	s0 =	sadd.s32 @!p0 $0x100000, s0;
	[bflag:$0x2] =	sbarrier.arrive $0xFFFF  }
0x5b: {  	[sflag:s0] =	ssyncadd.tile.s32 @!p0 $0x1;
	_ =	shalt  }
.Lfunc_end2:
_tile_overlayer_lowered:
.L_overlay_start_2:
0x5c: {  	(tag) =	ssettag $0x2  }
0x5d: {  	s0 =	rddreg [dreg:$0x0];
	s2 =	stileid.u32  }
0x5e: {  	s1 =	rddreg [dreg:$0x1];
	p0 =	sne.s32 s2, $0x0  }
0x5f: {  	s3 =	rddreg [dreg:$0x2];
	[bflag:$0x3] =	sbarrier.arrive $0xFFFF;
	s2 =	simm.s32 @!p0 $0x1C05  }
0x60: {  	[timem:s3], [sflag:s2] =	dma.local @!p0 [hbm:s0], s1  }
0x61: {  	s0 =	simm.s32 @!p0 $0x5  }
0x62: {  	_ =	swait.ge @!p0 [sflag:s0], s1  }
0x63: {  	s1 =	ssub.s32 @!p0 $0x0, s1;
	[sflag:s0] =	ssyncset.done @!p0 $0x0  }
0x64: {  	[sflag:s0] =	ssyncadd.s32 @!p0 s1  }
0x65: {  	[bflag:$0x3] =	sbarrier.arrive $0xFFFF  }
0x66: {  	_ =	shalt  }

</sc_bundles>
